<compile_context>
chip_gen: v7x
topology: tpu7x:2x2x1
jax: 0.10.2.dev20260603
libtpu: 0.0.44.dev20260713+nightly
codegen_flags: <defaults>
</compile_context>

<pallas_src>
import functools

import jax
import jax.numpy as jnp
from jax import lax
from jax.experimental import pallas as pl
from jax.experimental.pallas import tpu as pltpu
from jax.experimental.pallas import tpu_sc as plsc

NC = 2
NS = 16
NW = NC * NS
L = 16
S = 8
NSC = 256
TM = 2048


def _sc_body(n_per_w, n_total, m_total,
             sx, sy, sz, sxr, syr, szr, wt,
             tx, ty, tz, txr, tyr, tzr, out,
             sx_v, sy_v, sz_v, sxr_v, syr_v, szr_v, wt_v,
             tx_v, ty_v, tz_v, txr_v, tyr_v, tzr_v, t2_v, res_v):
    cid = lax.axis_index("c")
    sid = lax.axis_index("s")
    wid = sid * NC + cid
    base = wid * n_per_w
    tbase = (base // n_total) * m_total

    pltpu.sync_copy(sx.at[pl.ds(base, n_per_w)], sx_v)
    pltpu.sync_copy(sy.at[pl.ds(base, n_per_w)], sy_v)
    pltpu.sync_copy(sz.at[pl.ds(base, n_per_w)], sz_v)
    pltpu.sync_copy(sxr.at[pl.ds(base, n_per_w)], sxr_v)
    pltpu.sync_copy(syr.at[pl.ds(base, n_per_w)], syr_v)
    pltpu.sync_copy(szr.at[pl.ds(base, n_per_w)], szr_v)
    pltpu.sync_copy(wt.at[pl.ds(base, n_per_w)], wt_v)
    pltpu.sync_copy(tx.at[pl.ds(tbase, m_total)], tx_v)
    pltpu.sync_copy(ty.at[pl.ds(tbase, m_total)], ty_v)
    pltpu.sync_copy(tz.at[pl.ds(tbase, m_total)], tz_v)
    pltpu.sync_copy(txr.at[pl.ds(tbase, m_total)], txr_v)
    pltpu.sync_copy(tyr.at[pl.ds(tbase, m_total)], tyr_v)
    pltpu.sync_copy(tzr.at[pl.ds(tbase, m_total)], tzr_v)

    def prep(j, carry):
        sl = pl.ds(j * L, L)
        a = tx_v[sl]
        bb = ty_v[sl]
        c = tz_v[sl]
        t2_v[sl] = a * a + bb * bb + c * c
        return carry
    lax.fori_loop(0, m_total // L, prep, 0)

    inf = jnp.full((L,), jnp.float32(jnp.inf))

    dnums = lax.GatherDimensionNumbers(
        offset_dims=(), collapsed_slice_dims=(0,), start_index_map=(0,))

    def lane_rot(v, sh):
        perm = (lax.iota(jnp.int32, L) + sh) % L
        return lax.gather(
            v, perm[:, None], dnums, slice_sizes=(1,),
            mode=lax.GatherScatterMode.PROMISE_IN_BOUNDS)

    def lane_min(v):
        for sh in (8, 4, 2, 1):
            v = jnp.minimum(v, lane_rot(v, sh))
        return v[0]

    def chunk_body(ci, total):
        sl = pl.ds(ci * L, L)
        sxc = sx_v[sl]
        syc = sy_v[sl]
        szc = sz_v[sl]
        sxrc = sxr_v[sl]
        syrc = syr_v[sl]
        szrc = szr_v[sl]
        wtc = wt_v[sl]
        for half in range(L // S):
            bx = [jnp.full((L,), sxrc[half * S + u] * -2.0) for u in range(S)]
            by = [jnp.full((L,), syrc[half * S + u] * -2.0) for u in range(S)]
            bz = [jnp.full((L,), szrc[half * S + u] * -2.0) for u in range(S)]

            def tgt_body(ti, accs):
                accs = list(accs)
                tsl = pl.ds(ti * L, L)
                txc = txr_v[tsl]
                tyc = tyr_v[tsl]
                tzc = tzr_v[tsl]
                t2c = t2_v[tsl]
                for u in range(S):
                    v = t2c + bx[u] * txc
                    v = v + by[u] * tyc
                    v = v + bz[u] * tzc
                    accs[u] = jnp.minimum(accs[u], v)
                return tuple(accs)

            accs = lax.fori_loop(0, m_total // L, tgt_body, (inf,) * S)

            for u in range(S):
                i = half * S + u
                s2 = sxc[i] * sxc[i] + syc[i] * syc[i] + szc[i] * szc[i]
                total = total + (lane_min(accs[u]) + s2) * wtc[i]
        return total

    total = lax.fori_loop(0, n_per_w // L, chunk_body, jnp.float32(0.0))

    lane = lax.iota(jnp.int32, L)
    res_v[...] = jnp.where(lane == 0, jnp.full((L,), total), 0.0)
    pltpu.sync_copy(res_v, out.at[wid])


def _sc_chamfer(sT, sTr, tT, tTr, weights, ntc):
    B, _, N = sT.shape
    M = tT.shape[2]
    nsc = N - ntc
    n_per_w = (B * nsc) // NW
    assert B * nsc == n_per_w * NW and nsc % n_per_w == 0
    assert M % L == 0 and n_per_w % L == 0

    mesh = plsc.VectorSubcoreMesh(
        core_axis_name="c", subcore_axis_name="s",
        num_cores=NC, num_subcores=NS)
    body = functools.partial(_sc_body, n_per_w, nsc, M)
    partials = pl.kernel(
        body,
        out_type=jax.ShapeDtypeStruct((NW, L), jnp.float32),
        mesh=mesh,
        scratch_types=(
            [pltpu.VMEM((n_per_w,), jnp.float32)] * 7
            + [pltpu.VMEM((M,), jnp.float32)] * 7
            + [pltpu.VMEM((L,), jnp.float32)]
        ),
    )(
        sT[:, 0, ntc:].reshape(-1), sT[:, 1, ntc:].reshape(-1),
        sT[:, 2, ntc:].reshape(-1),
        sTr[:, 0, ntc:].reshape(-1), sTr[:, 1, ntc:].reshape(-1),
        sTr[:, 2, ntc:].reshape(-1),
        weights[:, ntc:].reshape(-1),
        tT[:, 0].reshape(-1), tT[:, 1].reshape(-1), tT[:, 2].reshape(-1),
        tTr[:, 0].reshape(-1), tTr[:, 1].reshape(-1), tTr[:, 2].reshape(-1),
    )
    return jnp.sum(partials)


def _tc_body(s_pre, t_bf, t_raw, s_raw, w, out):
    ni = pl.program_id(1)
    cross2 = lax.dot_general(
        s_pre[0], t_bf[0], (((0,), (0,)), ((), ())),
        preferred_element_type=jnp.float32)
    tr = t_raw[0]
    t2 = tr[0] * tr[0] + tr[1] * tr[1] + tr[2] * tr[2]
    cand = cross2 + t2[None, :]
    tm = cand.shape[1]
    part = cand[:, 0:128]
    for k in range(1, tm // 128):
        part = jnp.minimum(part, cand[:, k * 128:(k + 1) * 128])
    dmin = jnp.min(part, axis=1)
    sr = s_raw[0]
    s2 = sr[0] * sr[0] + sr[1] * sr[1] + sr[2] * sr[2]
    val = jnp.sum((dmin + s2) * w[0, 0])
    row = lax.broadcasted_iota(jnp.int32, (8, 128), 0)
    col = lax.broadcasted_iota(jnp.int32, (8, 128), 1)
    mask = (row == 0) & (col == 0)
    tile = jnp.where(mask, val, 0.0)[None]

    @pl.when(ni == 0)
    def _():
        out[...] = tile

    @pl.when(ni > 0)
    def _():
        out[...] = out[...] + tile


def _tc_chamfer(sT, s_pre, tT, t_bf, w3, ntc):
    B, _, N = sT.shape
    M = tT.shape[2]
    nsplit = 2
    nh = ntc // nsplit
    assert ntc % (nsplit * 128) == 0
    out = pl.pallas_call(
        _tc_body,
        grid=(B, nsplit),
        in_specs=[
            pl.BlockSpec((1, 3, nh), lambda b, n: (b, 0, n)),
            pl.BlockSpec((1, 3, M), lambda b, n: (b, 0, 0)),
            pl.BlockSpec((1, 3, M), lambda b, n: (b, 0, 0)),
            pl.BlockSpec((1, 3, nh), lambda b, n: (b, 0, n)),
            pl.BlockSpec((1, 1, nh), lambda b, n: (b, 0, n)),
        ],
        out_specs=pl.BlockSpec((1, 8, 128), lambda b, n: (b, 0, 0)),
        out_shape=jax.ShapeDtypeStruct((B, 8, 128), jnp.float32),
    )(s_pre, t_bf, tT, sT, w3)
    return jnp.sum(out)


def kernel(source_cloud, target_cloud, weights_source):
    B, N, D = source_cloud.shape
    M = target_cloud.shape[1]
    ntc = N - NSC

    def round_bf16(x):
        u = lax.bitcast_convert_type(x, jnp.uint32)
        r = (u + jnp.uint32(0x7FFF) + ((u >> 16) & jnp.uint32(1)))
        r = r & jnp.uint32(0xFFFF0000)
        return lax.bitcast_convert_type(r, jnp.float32)

    sT = jnp.transpose(source_cloud, (0, 2, 1))
    tT = jnp.transpose(target_cloud, (0, 2, 1))
    sTr = round_bf16(sT)
    tTr = round_bf16(tT)

    s_pre = (-2.0 * sTr).astype(jnp.bfloat16)
    t_bf = tTr.astype(jnp.bfloat16)
    w3 = weights_source[:, None, :]

    tc_sum = _tc_chamfer(sT, s_pre, tT, t_bf, w3, ntc)
    sc_sum = _sc_chamfer(sT, sTr, tT, tTr, weights_source, ntc)

    return (tc_sum + sc_sum) / B

# --- scband reference (transcript-rebuilt; emitter-appended) ---
"""Pipeline reference for scband-weighted-chamfer-distance-31799937859588 (READ-ONLY COPY).

The authoritative reference and input builder live on the scoring server;
editing this copy changes nothing except your own understanding.
"""

import jax, jax.numpy as jnp
import numpy as np


def setup_inputs(seed: int = 0) -> dict:
    key = jax.random.key(seed)
    k1, k2, k3 = jax.random.split(key, 3)
    B, N, M, D = 4, 4096, 4096, 3
    source_cloud = jax.random.normal(k1, (B, N, D), dtype=jnp.float32)
    target_cloud = jax.random.normal(k2, (B, M, D), dtype=jnp.float32)
    weights_source = jax.random.uniform(k3, (B, N), dtype=jnp.float32)
    return {
        "source_cloud": source_cloud,
        "target_cloud": target_cloud,
        "weights_source": weights_source,
    }


def reference(source_cloud, target_cloud, weights_source):
    # knn_points with K=1: squared euclidean nearest-neighbor distance from each
    # source point to the target cloud (brute force).
    # d2[b, n, m] = ||s[b,n] - t[b,m]||^2
    s2 = jnp.sum(source_cloud * source_cloud, axis=-1)  # [B, N]
    t2 = jnp.sum(target_cloud * target_cloud, axis=-1)  # [B, M]
    cross = jnp.einsum('bnd,bmd->bnm', source_cloud, target_cloud)  # [B, N, M]
    d2 = s2[:, :, None] + t2[:, None, :] - 2.0 * cross  # [B, N, M]
    # source_nn.dists[..., 0] with K=1 == min over target axis
    chamfer_forward = jnp.min(d2, axis=-1)  # [B, N]
    # weights_source applied per-source-point
    chamfer_forward = chamfer_forward * weights_source
    # point_reduction='sum' (default)
    chamfer_forward = jnp.sum(chamfer_forward, axis=1)  # [B]
    # batch_reduction='mean' (default)
    chamfer_forward = jnp.mean(chamfer_forward)  # scalar
    return chamfer_forward

if __name__ == "__main__":
    import jax
    _d = setup_inputs()
    print(jax.jit(kernel)(*tuple(_d.values())))

</pallas_src>

<mosaic_0001>
#map = affine_map<(d0, d1) -> (0)>
#map1 = affine_map<(d0, d1) -> (0, 0)>
module attributes {stable_mosaic.version = 14 : i64} {
  func.func @_sc_body(%arg0: i32, %arg1: i32, %arg2: memref<1024xf32, #tpu.memory_space<hbm>>, %arg3: memref<1024xf32, #tpu.memory_space<hbm>>, %arg4: memref<1024xf32, #tpu.memory_space<hbm>>, %arg5: memref<1024xf32, #tpu.memory_space<hbm>>, %arg6: memref<1024xf32, #tpu.memory_space<hbm>>, %arg7: memref<1024xf32, #tpu.memory_space<hbm>>, %arg8: memref<1024xf32, #tpu.memory_space<hbm>>, %arg9: memref<16384xf32, #tpu.memory_space<hbm>>, %arg10: memref<16384xf32, #tpu.memory_space<hbm>>, %arg11: memref<16384xf32, #tpu.memory_space<hbm>>, %arg12: memref<16384xf32, #tpu.memory_space<hbm>>, %arg13: memref<16384xf32, #tpu.memory_space<hbm>>, %arg14: memref<16384xf32, #tpu.memory_space<hbm>>, %arg15: memref<32x16xf32, #tpu.memory_space<hbm>>, %arg16: memref<32xf32, #tpu.memory_space<vmem>>, %arg17: memref<32xf32, #tpu.memory_space<vmem>>, %arg18: memref<32xf32, #tpu.memory_space<vmem>>, %arg19: memref<32xf32, #tpu.memory_space<vmem>>, %arg20: memref<32xf32, #tpu.memory_space<vmem>>, %arg21: memref<32xf32, #tpu.memory_space<vmem>>, %arg22: memref<32xf32, #tpu.memory_space<vmem>>, %arg23: memref<4096xf32, #tpu.memory_space<vmem>>, %arg24: memref<4096xf32, #tpu.memory_space<vmem>>, %arg25: memref<4096xf32, #tpu.memory_space<vmem>>, %arg26: memref<4096xf32, #tpu.memory_space<vmem>>, %arg27: memref<4096xf32, #tpu.memory_space<vmem>>, %arg28: memref<4096xf32, #tpu.memory_space<vmem>>, %arg29: memref<4096xf32, #tpu.memory_space<vmem>>, %arg30: memref<16xf32, #tpu.memory_space<vmem>>) attributes {dimension_semantics = [#tpu.dimension_semantics<core_parallel>, #tpu.dimension_semantics<subcore_parallel>], iteration_bounds = array<i64: 2, 16>, scalar_prefetch = 0 : i64, scratch_operands = 15 : i64, tpu.core_type = #tpu.core_type<sc_vector_subcore>, window_params = [{transform_indices = #map}, {transform_indices = #map}, {transform_indices = #map}, {transform_indices = #map}, {transform_indices = #map}, {transform_indices = #map}, {transform_indices = #map}, {transform_indices = #map}, {transform_indices = #map}, {transform_indices = #map}, {transform_indices = #map}, {transform_indices = #map}, {transform_indices = #map}, {transform_indices = #map1}]} {
    %mul3A = arith.constant 2 : i32
    %mul3A_0 = arith.muli %arg1, %mul3A : i32
    %add3A = arith.addi %mul3A_0, %arg0 : i32
    %mul3A_1 = arith.constant 32 : i32
    %mul3A_2 = arith.muli %add3A, %mul3A_1 : i32
    %jit3A = arith.constant 256 : i32
    %div3A = arith.divsi %mul3A_2, %jit3A : i32
    %sign3A = arith.constant 0 : i32
    %sign3A_3 = arith.cmpi sgt, %mul3A_2, %sign3A : i32
    %sign3A_4 = arith.extui %sign3A_3 : i1 to i32
    %sign3A_5 = arith.constant 0 : i32
    %sign3A_6 = arith.cmpi slt, %mul3A_2, %sign3A_5 : i32
    %sign3A_7 = arith.extui %sign3A_6 : i1 to i32
    %sign3A_8 = arith.subi %sign3A_4, %sign3A_7 : i32
    %sign3A_9 = arith.constant 0 : i32
    %sign3A_10 = arith.cmpi sgt, %jit3A, %sign3A_9 : i32
    %sign3A_11 = arith.extui %sign3A_10 : i1 to i32
    %sign3A_12 = arith.constant 0 : i32
    %sign3A_13 = arith.cmpi slt, %jit3A, %sign3A_12 : i32
    %sign3A_14 = arith.extui %sign3A_13 : i1 to i32
    %sign3A_15 = arith.subi %sign3A_11, %sign3A_14 : i32
    %ne3A = arith.cmpi ne, %sign3A_8, %sign3A_15 : i32
    %rem3A = arith.remsi %mul3A_2, %jit3A : i32
    %ne3A_16 = arith.constant 0 : i32
    %ne3A_17 = arith.cmpi ne, %rem3A, %ne3A_16 : i32
    %and3A = arith.andi %ne3A, %ne3A_17 : i1
    %sub3A = arith.constant 1 : i32
    %sub3A_18 = arith.subi %div3A, %sub3A : i32
    %select_n3A = arith.select %and3A, %sub3A_18, %div3A : i32
    %mul3A_19 = arith.constant 4096 : i32
    %mul3A_20 = arith.muli %select_n3A, %mul3A_19 : i32
    "tpu.region"() ({
      %run_scoped3A = tpu.sem_alloc : memref<!tpu.dma_semaphore, #tpu.memory_space<semaphore_mem>>
      %dma_start3A = tpu.memref_slice %arg2[%mul3A_2] : memref<1024xf32, #tpu.memory_space<hbm>> -> memref<32xf32, #tpu.memory_space<hbm>>
      %dma_start3A_43 = tpu.memref_slice %arg2[%mul3A_2] : memref<1024xf32, #tpu.memory_space<hbm>> -> memref<32xf32, #tpu.memory_space<hbm>>
      tpu.enqueue_dma source(%dma_start3A_43 : memref<32xf32, #tpu.memory_space<hbm>>) target(%arg16 : memref<32xf32, #tpu.memory_space<vmem>>) target_semaphore(%run_scoped3A : memref<!tpu.dma_semaphore, #tpu.memory_space<semaphore_mem>>)
      %dma_wait3A = tpu.memref_slice %arg2[%mul3A_2] : memref<1024xf32, #tpu.memory_space<hbm>> -> memref<32xf32, #tpu.memory_space<hbm>>
      %dma_wait3A_44 = tpu.memref_slice %arg2[%mul3A_2] : memref<1024xf32, #tpu.memory_space<hbm>> -> memref<32xf32, #tpu.memory_space<hbm>>
      tpu.wait_dma2 semaphore(%run_scoped3A : memref<!tpu.dma_semaphore, #tpu.memory_space<semaphore_mem>>) src(%dma_wait3A_44 : memref<32xf32, #tpu.memory_space<hbm>>) dst(%arg16 : memref<32xf32, #tpu.memory_space<vmem>>)
      tpu.yield
    }) : () -> ()
    "tpu.region"() ({
      %run_scoped3A = tpu.sem_alloc : memref<!tpu.dma_semaphore, #tpu.memory_space<semaphore_mem>>
      %dma_start3A = tpu.memref_slice %arg3[%mul3A_2] : memref<1024xf32, #tpu.memory_space<hbm>> -> memref<32xf32, #tpu.memory_space<hbm>>
      %dma_start3A_43 = tpu.memref_slice %arg3[%mul3A_2] : memref<1024xf32, #tpu.memory_space<hbm>> -> memref<32xf32, #tpu.memory_space<hbm>>
      tpu.enqueue_dma source(%dma_start3A_43 : memref<32xf32, #tpu.memory_space<hbm>>) target(%arg17 : memref<32xf32, #tpu.memory_space<vmem>>) target_semaphore(%run_scoped3A : memref<!tpu.dma_semaphore, #tpu.memory_space<semaphore_mem>>)
      %dma_wait3A = tpu.memref_slice %arg3[%mul3A_2] : memref<1024xf32, #tpu.memory_space<hbm>> -> memref<32xf32, #tpu.memory_space<hbm>>
      %dma_wait3A_44 = tpu.memref_slice %arg3[%mul3A_2] : memref<1024xf32, #tpu.memory_space<hbm>> -> memref<32xf32, #tpu.memory_space<hbm>>
      tpu.wait_dma2 semaphore(%run_scoped3A : memref<!tpu.dma_semaphore, #tpu.memory_space<semaphore_mem>>) src(%dma_wait3A_44 : memref<32xf32, #tpu.memory_space<hbm>>) dst(%arg17 : memref<32xf32, #tpu.memory_space<vmem>>)
      tpu.yield
    }) : () -> ()
    "tpu.region"() ({
      %run_scoped3A = tpu.sem_alloc : memref<!tpu.dma_semaphore, #tpu.memory_space<semaphore_mem>>
      %dma_start3A = tpu.memref_slice %arg4[%mul3A_2] : memref<1024xf32, #tpu.memory_space<hbm>> -> memref<32xf32, #tpu.memory_space<hbm>>
      %dma_start3A_43 = tpu.memref_slice %arg4[%mul3A_2] : memref<1024xf32, #tpu.memory_space<hbm>> -> memref<32xf32, #tpu.memory_space<hbm>>
      tpu.enqueue_dma source(%dma_start3A_43 : memref<32xf32, #tpu.memory_space<hbm>>) target(%arg18 : memref<32xf32, #tpu.memory_space<vmem>>) target_semaphore(%run_scoped3A : memref<!tpu.dma_semaphore, #tpu.memory_space<semaphore_mem>>)
      %dma_wait3A = tpu.memref_slice %arg4[%mul3A_2] : memref<1024xf32, #tpu.memory_space<hbm>> -> memref<32xf32, #tpu.memory_space<hbm>>
      %dma_wait3A_44 = tpu.memref_slice %arg4[%mul3A_2] : memref<1024xf32, #tpu.memory_space<hbm>> -> memref<32xf32, #tpu.memory_space<hbm>>
      tpu.wait_dma2 semaphore(%run_scoped3A : memref<!tpu.dma_semaphore, #tpu.memory_space<semaphore_mem>>) src(%dma_wait3A_44 : memref<32xf32, #tpu.memory_space<hbm>>) dst(%arg18 : memref<32xf32, #tpu.memory_space<vmem>>)
      tpu.yield
    }) : () -> ()
    "tpu.region"() ({
      %run_scoped3A = tpu.sem_alloc : memref<!tpu.dma_semaphore, #tpu.memory_space<semaphore_mem>>
      %dma_start3A = tpu.memref_slice %arg5[%mul3A_2] : memref<1024xf32, #tpu.memory_space<hbm>> -> memref<32xf32, #tpu.memory_space<hbm>>
      %dma_start3A_43 = tpu.memref_slice %arg5[%mul3A_2] : memref<1024xf32, #tpu.memory_space<hbm>> -> memref<32xf32, #tpu.memory_space<hbm>>
      tpu.enqueue_dma source(%dma_start3A_43 : memref<32xf32, #tpu.memory_space<hbm>>) target(%arg19 : memref<32xf32, #tpu.memory_space<vmem>>) target_semaphore(%run_scoped3A : memref<!tpu.dma_semaphore, #tpu.memory_space<semaphore_mem>>)
      %dma_wait3A = tpu.memref_slice %arg5[%mul3A_2] : memref<1024xf32, #tpu.memory_space<hbm>> -> memref<32xf32, #tpu.memory_space<hbm>>
      %dma_wait3A_44 = tpu.memref_slice %arg5[%mul3A_2] : memref<1024xf32, #tpu.memory_space<hbm>> -> memref<32xf32, #tpu.memory_space<hbm>>
      tpu.wait_dma2 semaphore(%run_scoped3A : memref<!tpu.dma_semaphore, #tpu.memory_space<semaphore_mem>>) src(%dma_wait3A_44 : memref<32xf32, #tpu.memory_space<hbm>>) dst(%arg19 : memref<32xf32, #tpu.memory_space<vmem>>)
      tpu.yield
    }) : () -> ()
    "tpu.region"() ({
      %run_scoped3A = tpu.sem_alloc : memref<!tpu.dma_semaphore, #tpu.memory_space<semaphore_mem>>
      %dma_start3A = tpu.memref_slice %arg6[%mul3A_2] : memref<1024xf32, #tpu.memory_space<hbm>> -> memref<32xf32, #tpu.memory_space<hbm>>
      %dma_start3A_43 = tpu.memref_slice %arg6[%mul3A_2] : memref<1024xf32, #tpu.memory_space<hbm>> -> memref<32xf32, #tpu.memory_space<hbm>>
      tpu.enqueue_dma source(%dma_start3A_43 : memref<32xf32, #tpu.memory_space<hbm>>) target(%arg20 : memref<32xf32, #tpu.memory_space<vmem>>) target_semaphore(%run_scoped3A : memref<!tpu.dma_semaphore, #tpu.memory_space<semaphore_mem>>)
      %dma_wait3A = tpu.memref_slice %arg6[%mul3A_2] : memref<1024xf32, #tpu.memory_space<hbm>> -> memref<32xf32, #tpu.memory_space<hbm>>
      %dma_wait3A_44 = tpu.memref_slice %arg6[%mul3A_2] : memref<1024xf32, #tpu.memory_space<hbm>> -> memref<32xf32, #tpu.memory_space<hbm>>
      tpu.wait_dma2 semaphore(%run_scoped3A : memref<!tpu.dma_semaphore, #tpu.memory_space<semaphore_mem>>) src(%dma_wait3A_44 : memref<32xf32, #tpu.memory_space<hbm>>) dst(%arg20 : memref<32xf32, #tpu.memory_space<vmem>>)
      tpu.yield
    }) : () -> ()
    "tpu.region"() ({
      %run_scoped3A = tpu.sem_alloc : memref<!tpu.dma_semaphore, #tpu.memory_space<semaphore_mem>>
      %dma_start3A = tpu.memref_slice %arg7[%mul3A_2] : memref<1024xf32, #tpu.memory_space<hbm>> -> memref<32xf32, #tpu.memory_space<hbm>>
      %dma_start3A_43 = tpu.memref_slice %arg7[%mul3A_2] : memref<1024xf32, #tpu.memory_space<hbm>> -> memref<32xf32, #tpu.memory_space<hbm>>
      tpu.enqueue_dma source(%dma_start3A_43 : memref<32xf32, #tpu.memory_space<hbm>>) target(%arg21 : memref<32xf32, #tpu.memory_space<vmem>>) target_semaphore(%run_scoped3A : memref<!tpu.dma_semaphore, #tpu.memory_space<semaphore_mem>>)
      %dma_wait3A = tpu.memref_slice %arg7[%mul3A_2] : memref<1024xf32, #tpu.memory_space<hbm>> -> memref<32xf32, #tpu.memory_space<hbm>>
      %dma_wait3A_44 = tpu.memref_slice %arg7[%mul3A_2] : memref<1024xf32, #tpu.memory_space<hbm>> -> memref<32xf32, #tpu.memory_space<hbm>>
      tpu.wait_dma2 semaphore(%run_scoped3A : memref<!tpu.dma_semaphore, #tpu.memory_space<semaphore_mem>>) src(%dma_wait3A_44 : memref<32xf32, #tpu.memory_space<hbm>>) dst(%arg21 : memref<32xf32, #tpu.memory_space<vmem>>)
      tpu.yield
    }) : () -> ()
    "tpu.region"() ({
      %run_scoped3A = tpu.sem_alloc : memref<!tpu.dma_semaphore, #tpu.memory_space<semaphore_mem>>
      %dma_start3A = tpu.memref_slice %arg8[%mul3A_2] : memref<1024xf32, #tpu.memory_space<hbm>> -> memref<32xf32, #tpu.memory_space<hbm>>
      %dma_start3A_43 = tpu.memref_slice %arg8[%mul3A_2] : memref<1024xf32, #tpu.memory_space<hbm>> -> memref<32xf32, #tpu.memory_space<hbm>>
      tpu.enqueue_dma source(%dma_start3A_43 : memref<32xf32, #tpu.memory_space<hbm>>) target(%arg22 : memref<32xf32, #tpu.memory_space<vmem>>) target_semaphore(%run_scoped3A : memref<!tpu.dma_semaphore, #tpu.memory_space<semaphore_mem>>)
      %dma_wait3A = tpu.memref_slice %arg8[%mul3A_2] : memref<1024xf32, #tpu.memory_space<hbm>> -> memref<32xf32, #tpu.memory_space<hbm>>
      %dma_wait3A_44 = tpu.memref_slice %arg8[%mul3A_2] : memref<1024xf32, #tpu.memory_space<hbm>> -> memref<32xf32, #tpu.memory_space<hbm>>
      tpu.wait_dma2 semaphore(%run_scoped3A : memref<!tpu.dma_semaphore, #tpu.memory_space<semaphore_mem>>) src(%dma_wait3A_44 : memref<32xf32, #tpu.memory_space<hbm>>) dst(%arg22 : memref<32xf32, #tpu.memory_space<vmem>>)
      tpu.yield
    }) : () -> ()
    "tpu.region"() ({
      %run_scoped3A = tpu.sem_alloc : memref<!tpu.dma_semaphore, #tpu.memory_space<semaphore_mem>>
      %dma_start3A = tpu.memref_slice %arg9[%mul3A_20] : memref<16384xf32, #tpu.memory_space<hbm>> -> memref<4096xf32, #tpu.memory_space<hbm>>
      %dma_start3A_43 = tpu.memref_slice %arg9[%mul3A_20] : memref<16384xf32, #tpu.memory_space<hbm>> -> memref<4096xf32, #tpu.memory_space<hbm>>
      tpu.enqueue_dma source(%dma_start3A_43 : memref<4096xf32, #tpu.memory_space<hbm>>) target(%arg23 : memref<4096xf32, #tpu.memory_space<vmem>>) target_semaphore(%run_scoped3A : memref<!tpu.dma_semaphore, #tpu.memory_space<semaphore_mem>>)
      %dma_wait3A = tpu.memref_slice %arg9[%mul3A_20] : memref<16384xf32, #tpu.memory_space<hbm>> -> memref<4096xf32, #tpu.memory_space<hbm>>
      %dma_wait3A_44 = tpu.memref_slice %arg9[%mul3A_20] : memref<16384xf32, #tpu.memory_space<hbm>> -> memref<4096xf32, #tpu.memory_space<hbm>>
      tpu.wait_dma2 semaphore(%run_scoped3A : memref<!tpu.dma_semaphore, #tpu.memory_space<semaphore_mem>>) src(%dma_wait3A_44 : memref<4096xf32, #tpu.memory_space<hbm>>) dst(%arg23 : memref<4096xf32, #tpu.memory_space<vmem>>)
      tpu.yield
    }) : () -> ()
    "tpu.region"() ({
      %run_scoped3A = tpu.sem_alloc : memref<!tpu.dma_semaphore, #tpu.memory_space<semaphore_mem>>
      %dma_start3A = tpu.memref_slice %arg10[%mul3A_20] : memref<16384xf32, #tpu.memory_space<hbm>> -> memref<4096xf32, #tpu.memory_space<hbm>>
      %dma_start3A_43 = tpu.memref_slice %arg10[%mul3A_20] : memref<16384xf32, #tpu.memory_space<hbm>> -> memref<4096xf32, #tpu.memory_space<hbm>>
      tpu.enqueue_dma source(%dma_start3A_43 : memref<4096xf32, #tpu.memory_space<hbm>>) target(%arg24 : memref<4096xf32, #tpu.memory_space<vmem>>) target_semaphore(%run_scoped3A : memref<!tpu.dma_semaphore, #tpu.memory_space<semaphore_mem>>)
      %dma_wait3A = tpu.memref_slice %arg10[%mul3A_20] : memref<16384xf32, #tpu.memory_space<hbm>> -> memref<4096xf32, #tpu.memory_space<hbm>>
      %dma_wait3A_44 = tpu.memref_slice %arg10[%mul3A_20] : memref<16384xf32, #tpu.memory_space<hbm>> -> memref<4096xf32, #tpu.memory_space<hbm>>
      tpu.wait_dma2 semaphore(%run_scoped3A : memref<!tpu.dma_semaphore, #tpu.memory_space<semaphore_mem>>) src(%dma_wait3A_44 : memref<4096xf32, #tpu.memory_space<hbm>>) dst(%arg24 : memref<4096xf32, #tpu.memory_space<vmem>>)
      tpu.yield
    }) : () -> ()
    "tpu.region"() ({
      %run_scoped3A = tpu.sem_alloc : memref<!tpu.dma_semaphore, #tpu.memory_space<semaphore_mem>>
      %dma_start3A = tpu.memref_slice %arg11[%mul3A_20] : memref<16384xf32, #tpu.memory_space<hbm>> -> memref<4096xf32, #tpu.memory_space<hbm>>
      %dma_start3A_43 = tpu.memref_slice %arg11[%mul3A_20] : memref<16384xf32, #tpu.memory_space<hbm>> -> memref<4096xf32, #tpu.memory_space<hbm>>
      tpu.enqueue_dma source(%dma_start3A_43 : memref<4096xf32, #tpu.memory_space<hbm>>) target(%arg25 : memref<4096xf32, #tpu.memory_space<vmem>>) target_semaphore(%run_scoped3A : memref<!tpu.dma_semaphore, #tpu.memory_space<semaphore_mem>>)
      %dma_wait3A = tpu.memref_slice %arg11[%mul3A_20] : memref<16384xf32, #tpu.memory_space<hbm>> -> memref<4096xf32, #tpu.memory_space<hbm>>
      %dma_wait3A_44 = tpu.memref_slice %arg11[%mul3A_20] : memref<16384xf32, #tpu.memory_space<hbm>> -> memref<4096xf32, #tpu.memory_space<hbm>>
      tpu.wait_dma2 semaphore(%run_scoped3A : memref<!tpu.dma_semaphore, #tpu.memory_space<semaphore_mem>>) src(%dma_wait3A_44 : memref<4096xf32, #tpu.memory_space<hbm>>) dst(%arg25 : memref<4096xf32, #tpu.memory_space<vmem>>)
      tpu.yield
    }) : () -> ()
    "tpu.region"() ({
      %run_scoped3A = tpu.sem_alloc : memref<!tpu.dma_semaphore, #tpu.memory_space<semaphore_mem>>
      %dma_start3A = tpu.memref_slice %arg12[%mul3A_20] : memref<16384xf32, #tpu.memory_space<hbm>> -> memref<4096xf32, #tpu.memory_space<hbm>>
      %dma_start3A_43 = tpu.memref_slice %arg12[%mul3A_20] : memref<16384xf32, #tpu.memory_space<hbm>> -> memref<4096xf32, #tpu.memory_space<hbm>>
      tpu.enqueue_dma source(%dma_start3A_43 : memref<4096xf32, #tpu.memory_space<hbm>>) target(%arg26 : memref<4096xf32, #tpu.memory_space<vmem>>) target_semaphore(%run_scoped3A : memref<!tpu.dma_semaphore, #tpu.memory_space<semaphore_mem>>)
      %dma_wait3A = tpu.memref_slice %arg12[%mul3A_20] : memref<16384xf32, #tpu.memory_space<hbm>> -> memref<4096xf32, #tpu.memory_space<hbm>>
      %dma_wait3A_44 = tpu.memref_slice %arg12[%mul3A_20] : memref<16384xf32, #tpu.memory_space<hbm>> -> memref<4096xf32, #tpu.memory_space<hbm>>
      tpu.wait_dma2 semaphore(%run_scoped3A : memref<!tpu.dma_semaphore, #tpu.memory_space<semaphore_mem>>) src(%dma_wait3A_44 : memref<4096xf32, #tpu.memory_space<hbm>>) dst(%arg26 : memref<4096xf32, #tpu.memory_space<vmem>>)
      tpu.yield
    }) : () -> ()
    "tpu.region"() ({
      %run_scoped3A = tpu.sem_alloc : memref<!tpu.dma_semaphore, #tpu.memory_space<semaphore_mem>>
      %dma_start3A = tpu.memref_slice %arg13[%mul3A_20] : memref<16384xf32, #tpu.memory_space<hbm>> -> memref<4096xf32, #tpu.memory_space<hbm>>
      %dma_start3A_43 = tpu.memref_slice %arg13[%mul3A_20] : memref<16384xf32, #tpu.memory_space<hbm>> -> memref<4096xf32, #tpu.memory_space<hbm>>
      tpu.enqueue_dma source(%dma_start3A_43 : memref<4096xf32, #tpu.memory_space<hbm>>) target(%arg27 : memref<4096xf32, #tpu.memory_space<vmem>>) target_semaphore(%run_scoped3A : memref<!tpu.dma_semaphore, #tpu.memory_space<semaphore_mem>>)
      %dma_wait3A = tpu.memref_slice %arg13[%mul3A_20] : memref<16384xf32, #tpu.memory_space<hbm>> -> memref<4096xf32, #tpu.memory_space<hbm>>
      %dma_wait3A_44 = tpu.memref_slice %arg13[%mul3A_20] : memref<16384xf32, #tpu.memory_space<hbm>> -> memref<4096xf32, #tpu.memory_space<hbm>>
      tpu.wait_dma2 semaphore(%run_scoped3A : memref<!tpu.dma_semaphore, #tpu.memory_space<semaphore_mem>>) src(%dma_wait3A_44 : memref<4096xf32, #tpu.memory_space<hbm>>) dst(%arg27 : memref<4096xf32, #tpu.memory_space<vmem>>)
      tpu.yield
    }) : () -> ()
    "tpu.region"() ({
      %run_scoped3A = tpu.sem_alloc : memref<!tpu.dma_semaphore, #tpu.memory_space<semaphore_mem>>
      %dma_start3A = tpu.memref_slice %arg14[%mul3A_20] : memref<16384xf32, #tpu.memory_space<hbm>> -> memref<4096xf32, #tpu.memory_space<hbm>>
      %dma_start3A_43 = tpu.memref_slice %arg14[%mul3A_20] : memref<16384xf32, #tpu.memory_space<hbm>> -> memref<4096xf32, #tpu.memory_space<hbm>>
      tpu.enqueue_dma source(%dma_start3A_43 : memref<4096xf32, #tpu.memory_space<hbm>>) target(%arg28 : memref<4096xf32, #tpu.memory_space<vmem>>) target_semaphore(%run_scoped3A : memref<!tpu.dma_semaphore, #tpu.memory_space<semaphore_mem>>)
      %dma_wait3A = tpu.memref_slice %arg14[%mul3A_20] : memref<16384xf32, #tpu.memory_space<hbm>> -> memref<4096xf32, #tpu.memory_space<hbm>>
      %dma_wait3A_44 = tpu.memref_slice %arg14[%mul3A_20] : memref<16384xf32, #tpu.memory_space<hbm>> -> memref<4096xf32, #tpu.memory_space<hbm>>
      tpu.wait_dma2 semaphore(%run_scoped3A : memref<!tpu.dma_semaphore, #tpu.memory_space<semaphore_mem>>) src(%dma_wait3A_44 : memref<4096xf32, #tpu.memory_space<hbm>>) dst(%arg28 : memref<4096xf32, #tpu.memory_space<vmem>>)
      tpu.yield
    }) : () -> ()
    %scan3A = arith.constant 0 : i32
    %scan3A_21 = arith.constant 0 : i32
    %scan3A_22 = arith.constant 256 : i32
    %scan3A_23 = arith.addi %scan3A_21, %scan3A_22 : i32
    %scan3A_24 = arith.constant 1 : i32
    scf.for %scan3A_43 = %scan3A_21 to %scan3A_23 step %scan3A_24  : i32 {
      %mul3A_44 = arith.constant 16 : i32
      %mul3A_45 = arith.muli %scan3A_43, %mul3A_44 : i32
      %get3A = arith.index_cast %mul3A_45 : i32 to index
      %get3A_46 = tpu.vector_load %arg23[%get3A] {strides = array<i32>} : memref<4096xf32, #tpu.memory_space<vmem>>, vector<16xf32>,
      %get3A_47 = vector.shape_cast %get3A_46 : vector<16xf32> to vector<16xf32>
      %get3A_48 = arith.index_cast %mul3A_45 : i32 to index
      %get3A_49 = tpu.vector_load %arg24[%get3A_48] {strides = array<i32>} : memref<4096xf32, #tpu.memory_space<vmem>>, vector<16xf32>,
      %get3A_50 = vector.shape_cast %get3A_49 : vector<16xf32> to vector<16xf32>
      %get3A_51 = arith.index_cast %mul3A_45 : i32 to index
      %get3A_52 = tpu.vector_load %arg25[%get3A_51] {strides = array<i32>} : memref<4096xf32, #tpu.memory_space<vmem>>, vector<16xf32>,
      %get3A_53 = vector.shape_cast %get3A_52 : vector<16xf32> to vector<16xf32>
      %mul3A_54 = arith.mulf %get3A_47, %get3A_47 : vector<16xf32>
      %mul3A_55 = arith.mulf %get3A_50, %get3A_50 : vector<16xf32>
      %add3A_56 = arith.addf %mul3A_54, %mul3A_55 : vector<16xf32>
      %mul3A_57 = arith.mulf %get3A_53, %get3A_53 : vector<16xf32>
      %add3A_58 = arith.addf %add3A_56, %mul3A_57 : vector<16xf32>
      %swap3A_59 = arith.index_cast %mul3A_45 : i32 to index
      %swap3A_60 = tpu.vector_load %arg29[%swap3A_59] {strides = array<i32>} : memref<4096xf32, #tpu.memory_space<vmem>>, vector<16xf32>,
      %swap3A_61 = vector.shape_cast %swap3A_60 : vector<16xf32> to vector<16xf32>
      %swap3A_62 = vector.shape_cast %add3A_58 : vector<16xf32> to vector<16xf32>
      tpu.vector_store %arg29[%swap3A_59], %swap3A_62 {strides = array<i32>} : memref<4096xf32, #tpu.memory_space<vmem>>, vector<16xf32>,
    }
    %scan3A_25 = arith.constant 256 : i32
    %broadcast_in_dim3A = arith.constant 0x7F800000 : f32
    %broadcast_in_dim3A_26 = vector.broadcast %broadcast_in_dim3A : f32 to vector<16xf32>
    %scan3A_27 = arith.constant 0.000000e+00 : f32
    %scan3A_28 = arith.constant 0 : i32
    %scan3A_29 = arith.constant 2 : i32
    %scan3A_30 = arith.addi %scan3A_28, %scan3A_29 : i32
    %scan3A_31 = arith.constant 1 : i32
    %scan3A_32 = scf.for %scan3A_43 = %scan3A_28 to %scan3A_30 step %scan3A_31 iter_args(%scan3A_44 = %scan3A_27) -> (f32)  : i32 {
      %mul3A_45 = arith.constant 16 : i32
      %mul3A_46 = arith.muli %scan3A_43, %mul3A_45 : i32
      %get3A = arith.index_cast %mul3A_46 : i32 to index
      %get3A_47 = tpu.vector_load %arg16[%get3A] {strides = array<i32>} : memref<32xf32, #tpu.memory_space<vmem>>, vector<16xf32>,
      %get3A_48 = vector.shape_cast %get3A_47 : vector<16xf32> to vector<16xf32>
      %get3A_49 = arith.index_cast %mul3A_46 : i32 to index
      %get3A_50 = tpu.vector_load %arg17[%get3A_49] {strides = array<i32>} : memref<32xf32, #tpu.memory_space<vmem>>, vector<16xf32>,
      %get3A_51 = vector.shape_cast %get3A_50 : vector<16xf32> to vector<16xf32>
      %get3A_52 = arith.index_cast %mul3A_46 : i32 to index
      %get3A_53 = tpu.vector_load %arg18[%get3A_52] {strides = array<i32>} : memref<32xf32, #tpu.memory_space<vmem>>, vector<16xf32>,
      %get3A_54 = vector.shape_cast %get3A_53 : vector<16xf32> to vector<16xf32>
      %get3A_55 = arith.index_cast %mul3A_46 : i32 to index
      %get3A_56 = tpu.vector_load %arg19[%get3A_55] {strides = array<i32>} : memref<32xf32, #tpu.memory_space<vmem>>, vector<16xf32>,
      %get3A_57 = vector.shape_cast %get3A_56 : vector<16xf32> to vector<16xf32>
      %get3A_58 = arith.index_cast %mul3A_46 : i32 to index
      %get3A_59 = tpu.vector_load %arg20[%get3A_58] {strides = array<i32>} : memref<32xf32, #tpu.memory_space<vmem>>, vector<16xf32>,
      %get3A_60 = vector.shape_cast %get3A_59 : vector<16xf32> to vector<16xf32>
      %get3A_61 = arith.index_cast %mul3A_46 : i32 to index
      %get3A_62 = tpu.vector_load %arg21[%get3A_61] {strides = array<i32>} : memref<32xf32, #tpu.memory_space<vmem>>, vector<16xf32>,
      %get3A_63 = vector.shape_cast %get3A_62 : vector<16xf32> to vector<16xf32>
      %get3A_64 = arith.index_cast %mul3A_46 : i32 to index
      %get3A_65 = tpu.vector_load %arg22[%get3A_64] {strides = array<i32>} : memref<32xf32, #tpu.memory_space<vmem>>, vector<16xf32>,
      %get3A_66 = vector.shape_cast %get3A_65 : vector<16xf32> to vector<16xf32>
      %slice3A = vector.extract_strided_slice %get3A_57 {offsets = [0], sizes = [1], strides = [1]} : vector<16xf32> to vector<1xf32>
      %squeeze3A = vector.extract %slice3A[0] : f32 from vector<1xf32>
      %mul3A_67 = arith.constant -2.000000e+00 : f32
      %mul3A_68 = arith.mulf %squeeze3A, %mul3A_67 : f32
      %broadcast_in_dim3A_69 = vector.broadcast %mul3A_68 : f32 to vector<16xf32>
      %slice3A_70 = vector.extract_strided_slice %get3A_57 {offsets = [1], sizes = [1], strides = [1]} : vector<16xf32> to vector<1xf32>
      %squeeze3A_71 = vector.extract %slice3A_70[0] : f32 from vector<1xf32>
      %mul3A_72 = arith.constant -2.000000e+00 : f32
      %mul3A_73 = arith.mulf %squeeze3A_71, %mul3A_72 : f32
      %broadcast_in_dim3A_74 = vector.broadcast %mul3A_73 : f32 to vector<16xf32>
      %slice3A_75 = vector.extract_strided_slice %get3A_57 {offsets = [2], sizes = [1], strides = [1]} : vector<16xf32> to vector<1xf32>
      %squeeze3A_76 = vector.extract %slice3A_75[0] : f32 from vector<1xf32>
      %mul3A_77 = arith.constant -2.000000e+00 : f32
      %mul3A_78 = arith.mulf %squeeze3A_76, %mul3A_77 : f32
      %broadcast_in_dim3A_79 = vector.broadcast %mul3A_78 : f32 to vector<16xf32>
      %slice3A_80 = vector.extract_strided_slice %get3A_57 {offsets = [3], sizes = [1], strides = [1]} : vector<16xf32> to vector<1xf32>
      %squeeze3A_81 = vector.extract %slice3A_80[0] : f32 from vector<1xf32>
      %mul3A_82 = arith.constant -2.000000e+00 : f32
      %mul3A_83 = arith.mulf %squeeze3A_81, %mul3A_82 : f32
      %broadcast_in_dim3A_84 = vector.broadcast %mul3A_83 : f32 to vector<16xf32>
      %slice3A_85 = vector.extract_strided_slice %get3A_57 {offsets = [4], sizes = [1], strides = [1]} : vector<16xf32> to vector<1xf32>
      %squeeze3A_86 = vector.extract %slice3A_85[0] : f32 from vector<1xf32>
      %mul3A_87 = arith.constant -2.000000e+00 : f32
      %mul3A_88 = arith.mulf %squeeze3A_86, %mul3A_87 : f32
      %broadcast_in_dim3A_89 = vector.broadcast %mul3A_88 : f32 to vector<16xf32>
      %slice3A_90 = vector.extract_strided_slice %get3A_57 {offsets = [5], sizes = [1], strides = [1]} : vector<16xf32> to vector<1xf32>
      %squeeze3A_91 = vector.extract %slice3A_90[0] : f32 from vector<1xf32>
      %mul3A_92 = arith.constant -2.000000e+00 : f32
      %mul3A_93 = arith.mulf %squeeze3A_91, %mul3A_92 : f32
      %broadcast_in_dim3A_94 = vector.broadcast %mul3A_93 : f32 to vector<16xf32>
      %slice3A_95 = vector.extract_strided_slice %get3A_57 {offsets = [6], sizes = [1], strides = [1]} : vector<16xf32> to vector<1xf32>
      %squeeze3A_96 = vector.extract %slice3A_95[0] : f32 from vector<1xf32>
      %mul3A_97 = arith.constant -2.000000e+00 : f32
      %mul3A_98 = arith.mulf %squeeze3A_96, %mul3A_97 : f32
      %broadcast_in_dim3A_99 = vector.broadcast %mul3A_98 : f32 to vector<16xf32>
      %slice3A_100 = vector.extract_strided_slice %get3A_57 {offsets = [7], sizes = [1], strides = [1]} : vector<16xf32> to vector<1xf32>
      %squeeze3A_101 = vector.extract %slice3A_100[0] : f32 from vector<1xf32>
      %mul3A_102 = arith.constant -2.000000e+00 : f32
      %mul3A_103 = arith.mulf %squeeze3A_101, %mul3A_102 : f32
      %broadcast_in_dim3A_104 = vector.broadcast %mul3A_103 : f32 to vector<16xf32>
      %slice3A_105 = vector.extract_strided_slice %get3A_60 {offsets = [0], sizes = [1], strides = [1]} : vector<16xf32> to vector<1xf32>
      %squeeze3A_106 = vector.extract %slice3A_105[0] : f32 from vector<1xf32>
      %mul3A_107 = arith.constant -2.000000e+00 : f32
      %mul3A_108 = arith.mulf %squeeze3A_106, %mul3A_107 : f32
      %broadcast_in_dim3A_109 = vector.broadcast %mul3A_108 : f32 to vector<16xf32>
      %slice3A_110 = vector.extract_strided_slice %get3A_60 {offsets = [1], sizes = [1], strides = [1]} : vector<16xf32> to vector<1xf32>
      %squeeze3A_111 = vector.extract %slice3A_110[0] : f32 from vector<1xf32>
      %mul3A_112 = arith.constant -2.000000e+00 : f32
      %mul3A_113 = arith.mulf %squeeze3A_111, %mul3A_112 : f32
      %broadcast_in_dim3A_114 = vector.broadcast %mul3A_113 : f32 to vector<16xf32>
      %slice3A_115 = vector.extract_strided_slice %get3A_60 {offsets = [2], sizes = [1], strides = [1]} : vector<16xf32> to vector<1xf32>
      %squeeze3A_116 = vector.extract %slice3A_115[0] : f32 from vector<1xf32>
      %mul3A_117 = arith.constant -2.000000e+00 : f32
      %mul3A_118 = arith.mulf %squeeze3A_116, %mul3A_117 : f32
      %broadcast_in_dim3A_119 = vector.broadcast %mul3A_118 : f32 to vector<16xf32>
      %slice3A_120 = vector.extract_strided_slice %get3A_60 {offsets = [3], sizes = [1], strides = [1]} : vector<16xf32> to vector<1xf32>
      %squeeze3A_121 = vector.extract %slice3A_120[0] : f32 from vector<1xf32>
      %mul3A_122 = arith.constant -2.000000e+00 : f32
      %mul3A_123 = arith.mulf %squeeze3A_121, %mul3A_122 : f32
      %broadcast_in_dim3A_124 = vector.broadcast %mul3A_123 : f32 to vector<16xf32>
      %slice3A_125 = vector.extract_strided_slice %get3A_60 {offsets = [4], sizes = [1], strides = [1]} : vector<16xf32> to vector<1xf32>
      %squeeze3A_126 = vector.extract %slice3A_125[0] : f32 from vector<1xf32>
      %mul3A_127 = arith.constant -2.000000e+00 : f32
      %mul3A_128 = arith.mulf %squeeze3A_126, %mul3A_127 : f32
      %broadcast_in_dim3A_129 = vector.broadcast %mul3A_128 : f32 to vector<16xf32>
      %slice3A_130 = vector.extract_strided_slice %get3A_60 {offsets = [5], sizes = [1], strides = [1]} : vector<16xf32> to vector<1xf32>
      %squeeze3A_131 = vector.extract %slice3A_130[0] : f32 from vector<1xf32>
      %mul3A_132 = arith.constant -2.000000e+00 : f32
      %mul3A_133 = arith.mulf %squeeze3A_131, %mul3A_132 : f32
      %broadcast_in_dim3A_134 = vector.broadcast %mul3A_133 : f32 to vector<16xf32>
      %slice3A_135 = vector.extract_strided_slice %get3A_60 {offsets = [6], sizes = [1], strides = [1]} : vector<16xf32> to vector<1xf32>
      %squeeze3A_136 = vector.extract %slice3A_135[0] : f32 from vector<1xf32>
      %mul3A_137 = arith.constant -2.000000e+00 : f32
      %mul3A_138 = arith.mulf %squeeze3A_136, %mul3A_137 : f32
      %broadcast_in_dim3A_139 = vector.broadcast %mul3A_138 : f32 to vector<16xf32>
      %slice3A_140 = vector.extract_strided_slice %get3A_60 {offsets = [7], sizes = [1], strides = [1]} : vector<16xf32> to vector<1xf32>
      %squeeze3A_141 = vector.extract %slice3A_140[0] : f32 from vector<1xf32>
      %mul3A_142 = arith.constant -2.000000e+00 : f32
      %mul3A_143 = arith.mulf %squeeze3A_141, %mul3A_142 : f32
      %broadcast_in_dim3A_144 = vector.broadcast %mul3A_143 : f32 to vector<16xf32>
      %slice3A_145 = vector.extract_strided_slice %get3A_63 {offsets = [0], sizes = [1], strides = [1]} : vector<16xf32> to vector<1xf32>
      %squeeze3A_146 = vector.extract %slice3A_145[0] : f32 from vector<1xf32>
      %mul3A_147 = arith.constant -2.000000e+00 : f32
      %mul3A_148 = arith.mulf %squeeze3A_146, %mul3A_147 : f32
      %broadcast_in_dim3A_149 = vector.broadcast %mul3A_148 : f32 to vector<16xf32>
      %slice3A_150 = vector.extract_strided_slice %get3A_63 {offsets = [1], sizes = [1], strides = [1]} : vector<16xf32> to vector<1xf32>
      %squeeze3A_151 = vector.extract %slice3A_150[0] : f32 from vector<1xf32>
      %mul3A_152 = arith.constant -2.000000e+00 : f32
      %mul3A_153 = arith.mulf %squeeze3A_151, %mul3A_152 : f32
      %broadcast_in_dim3A_154 = vector.broadcast %mul3A_153 : f32 to vector<16xf32>
      %slice3A_155 = vector.extract_strided_slice %get3A_63 {offsets = [2], sizes = [1], strides = [1]} : vector<16xf32> to vector<1xf32>
      %squeeze3A_156 = vector.extract %slice3A_155[0] : f32 from vector<1xf32>
      %mul3A_157 = arith.constant -2.000000e+00 : f32
      %mul3A_158 = arith.mulf %squeeze3A_156, %mul3A_157 : f32
      %broadcast_in_dim3A_159 = vector.broadcast %mul3A_158 : f32 to vector<16xf32>
      %slice3A_160 = vector.extract_strided_slice %get3A_63 {offsets = [3], sizes = [1], strides = [1]} : vector<16xf32> to vector<1xf32>
      %squeeze3A_161 = vector.extract %slice3A_160[0] : f32 from vector<1xf32>
      %mul3A_162 = arith.constant -2.000000e+00 : f32
      %mul3A_163 = arith.mulf %squeeze3A_161, %mul3A_162 : f32
      %broadcast_in_dim3A_164 = vector.broadcast %mul3A_163 : f32 to vector<16xf32>
      %slice3A_165 = vector.extract_strided_slice %get3A_63 {offsets = [4], sizes = [1], strides = [1]} : vector<16xf32> to vector<1xf32>
      %squeeze3A_166 = vector.extract %slice3A_165[0] : f32 from vector<1xf32>
      %mul3A_167 = arith.constant -2.000000e+00 : f32
      %mul3A_168 = arith.mulf %squeeze3A_166, %mul3A_167 : f32
      %broadcast_in_dim3A_169 = vector.broadcast %mul3A_168 : f32 to vector<16xf32>
      %slice3A_170 = vector.extract_strided_slice %get3A_63 {offsets = [5], sizes = [1], strides = [1]} : vector<16xf32> to vector<1xf32>
      %squeeze3A_171 = vector.extract %slice3A_170[0] : f32 from vector<1xf32>
      %mul3A_172 = arith.constant -2.000000e+00 : f32
      %mul3A_173 = arith.mulf %squeeze3A_171, %mul3A_172 : f32
      %broadcast_in_dim3A_174 = vector.broadcast %mul3A_173 : f32 to vector<16xf32>
      %slice3A_175 = vector.extract_strided_slice %get3A_63 {offsets = [6], sizes = [1], strides = [1]} : vector<16xf32> to vector<1xf32>
      %squeeze3A_176 = vector.extract %slice3A_175[0] : f32 from vector<1xf32>
      %mul3A_177 = arith.constant -2.000000e+00 : f32
      %mul3A_178 = arith.mulf %squeeze3A_176, %mul3A_177 : f32
      %broadcast_in_dim3A_179 = vector.broadcast %mul3A_178 : f32 to vector<16xf32>
      %slice3A_180 = vector.extract_strided_slice %get3A_63 {offsets = [7], sizes = [1], strides = [1]} : vector<16xf32> to vector<1xf32>
      %squeeze3A_181 = vector.extract %slice3A_180[0] : f32 from vector<1xf32>
      %mul3A_182 = arith.constant -2.000000e+00 : f32
      %mul3A_183 = arith.mulf %squeeze3A_181, %mul3A_182 : f32
      %broadcast_in_dim3A_184 = vector.broadcast %mul3A_183 : f32 to vector<16xf32>
      %scan3A_185 = arith.constant 0 : i32
      %scan3A_186 = arith.constant 256 : i32
      %scan3A_187 = arith.addi %scan3A_185, %scan3A_186 : i32
      %scan3A_188 = arith.constant 1 : i32
      %scan3A_189:8 = scf.for %scan3A_2618 = %scan3A_185 to %scan3A_187 step %scan3A_188 iter_args(%scan3A_2619 = %broadcast_in_dim3A_26, %scan3A_2620 = %broadcast_in_dim3A_26, %scan3A_2621 = %broadcast_in_dim3A_26, %scan3A_2622 = %broadcast_in_dim3A_26, %scan3A_2623 = %broadcast_in_dim3A_26, %scan3A_2624 = %broadcast_in_dim3A_26, %scan3A_2625 = %broadcast_in_dim3A_26, %scan3A_2626 = %broadcast_in_dim3A_26) -> (vector<16xf32>, vector<16xf32>, vector<16xf32>, vector<16xf32>, vector<16xf32>, vector<16xf32>, vector<16xf32>, vector<16xf32>)  : i32 {
        %mul3A_2627 = arith.constant 16 : i32
        %mul3A_2628 = arith.muli %scan3A_2618, %mul3A_2627 : i32
        %get3A_2629 = arith.index_cast %mul3A_2628 : i32 to index
        %get3A_2630 = tpu.vector_load %arg26[%get3A_2629] {strides = array<i32>} : memref<4096xf32, #tpu.memory_space<vmem>>, vector<16xf32>,
        %get3A_2631 = vector.shape_cast %get3A_2630 : vector<16xf32> to vector<16xf32>
        %get3A_2632 = arith.index_cast %mul3A_2628 : i32 to index
        %get3A_2633 = tpu.vector_load %arg27[%get3A_2632] {strides = array<i32>} : memref<4096xf32, #tpu.memory_space<vmem>>, vector<16xf32>,
        %get3A_2634 = vector.shape_cast %get3A_2633 : vector<16xf32> to vector<16xf32>
        %get3A_2635 = arith.index_cast %mul3A_2628 : i32 to index
        %get3A_2636 = tpu.vector_load %arg28[%get3A_2635] {strides = array<i32>} : memref<4096xf32, #tpu.memory_space<vmem>>, vector<16xf32>,
        %get3A_2637 = vector.shape_cast %get3A_2636 : vector<16xf32> to vector<16xf32>
        %get3A_2638 = arith.index_cast %mul3A_2628 : i32 to index
        %get3A_2639 = tpu.vector_load %arg29[%get3A_2638] {strides = array<i32>} : memref<4096xf32, #tpu.memory_space<vmem>>, vector<16xf32>,
        %get3A_2640 = vector.shape_cast %get3A_2639 : vector<16xf32> to vector<16xf32>
        %mul3A_2641 = arith.mulf %broadcast_in_dim3A_69, %get3A_2631 : vector<16xf32>
        %add3A_2642 = arith.addf %get3A_2640, %mul3A_2641 : vector<16xf32>
        %mul3A_2643 = arith.mulf %broadcast_in_dim3A_109, %get3A_2634 : vector<16xf32>
        %add3A_2644 = arith.addf %add3A_2642, %mul3A_2643 : vector<16xf32>
        %mul3A_2645 = arith.mulf %broadcast_in_dim3A_149, %get3A_2637 : vector<16xf32>
        %add3A_2646 = arith.addf %add3A_2644, %mul3A_2645 : vector<16xf32>
        %min3A_2647 = arith.minimumf %scan3A_2619, %add3A_2646 : vector<16xf32>
        %mul3A_2648 = arith.mulf %broadcast_in_dim3A_74, %get3A_2631 : vector<16xf32>
        %add3A_2649 = arith.addf %get3A_2640, %mul3A_2648 : vector<16xf32>
        %mul3A_2650 = arith.mulf %broadcast_in_dim3A_114, %get3A_2634 : vector<16xf32>
        %add3A_2651 = arith.addf %add3A_2649, %mul3A_2650 : vector<16xf32>
        %mul3A_2652 = arith.mulf %broadcast_in_dim3A_154, %get3A_2637 : vector<16xf32>
        %add3A_2653 = arith.addf %add3A_2651, %mul3A_2652 : vector<16xf32>
        %min3A_2654 = arith.minimumf %scan3A_2620, %add3A_2653 : vector<16xf32>
        %mul3A_2655 = arith.mulf %broadcast_in_dim3A_79, %get3A_2631 : vector<16xf32>
        %add3A_2656 = arith.addf %get3A_2640, %mul3A_2655 : vector<16xf32>
        %mul3A_2657 = arith.mulf %broadcast_in_dim3A_119, %get3A_2634 : vector<16xf32>
        %add3A_2658 = arith.addf %add3A_2656, %mul3A_2657 : vector<16xf32>
        %mul3A_2659 = arith.mulf %broadcast_in_dim3A_159, %get3A_2637 : vector<16xf32>
        %add3A_2660 = arith.addf %add3A_2658, %mul3A_2659 : vector<16xf32>
        %min3A_2661 = arith.minimumf %scan3A_2621, %add3A_2660 : vector<16xf32>
        %mul3A_2662 = arith.mulf %broadcast_in_dim3A_84, %get3A_2631 : vector<16xf32>
        %add3A_2663 = arith.addf %get3A_2640, %mul3A_2662 : vector<16xf32>
        %mul3A_2664 = arith.mulf %broadcast_in_dim3A_124, %get3A_2634 : vector<16xf32>
        %add3A_2665 = arith.addf %add3A_2663, %mul3A_2664 : vector<16xf32>
        %mul3A_2666 = arith.mulf %broadcast_in_dim3A_164, %get3A_2637 : vector<16xf32>
        %add3A_2667 = arith.addf %add3A_2665, %mul3A_2666 : vector<16xf32>
        %min3A_2668 = arith.minimumf %scan3A_2622, %add3A_2667 : vector<16xf32>
        %mul3A_2669 = arith.mulf %broadcast_in_dim3A_89, %get3A_2631 : vector<16xf32>
        %add3A_2670 = arith.addf %get3A_2640, %mul3A_2669 : vector<16xf32>
        %mul3A_2671 = arith.mulf %broadcast_in_dim3A_129, %get3A_2634 : vector<16xf32>
        %add3A_2672 = arith.addf %add3A_2670, %mul3A_2671 : vector<16xf32>
        %mul3A_2673 = arith.mulf %broadcast_in_dim3A_169, %get3A_2637 : vector<16xf32>
        %add3A_2674 = arith.addf %add3A_2672, %mul3A_2673 : vector<16xf32>
        %min3A_2675 = arith.minimumf %scan3A_2623, %add3A_2674 : vector<16xf32>
        %mul3A_2676 = arith.mulf %broadcast_in_dim3A_94, %get3A_2631 : vector<16xf32>
        %add3A_2677 = arith.addf %get3A_2640, %mul3A_2676 : vector<16xf32>
        %mul3A_2678 = arith.mulf %broadcast_in_dim3A_134, %get3A_2634 : vector<16xf32>
        %add3A_2679 = arith.addf %add3A_2677, %mul3A_2678 : vector<16xf32>
        %mul3A_2680 = arith.mulf %broadcast_in_dim3A_174, %get3A_2637 : vector<16xf32>
        %add3A_2681 = arith.addf %add3A_2679, %mul3A_2680 : vector<16xf32>
        %min3A_2682 = arith.minimumf %scan3A_2624, %add3A_2681 : vector<16xf32>
        %mul3A_2683 = arith.mulf %broadcast_in_dim3A_99, %get3A_2631 : vector<16xf32>
        %add3A_2684 = arith.addf %get3A_2640, %mul3A_2683 : vector<16xf32>
        %mul3A_2685 = arith.mulf %broadcast_in_dim3A_139, %get3A_2634 : vector<16xf32>
        %add3A_2686 = arith.addf %add3A_2684, %mul3A_2685 : vector<16xf32>
        %mul3A_2687 = arith.mulf %broadcast_in_dim3A_179, %get3A_2637 : vector<16xf32>
        %add3A_2688 = arith.addf %add3A_2686, %mul3A_2687 : vector<16xf32>
        %min3A_2689 = arith.minimumf %scan3A_2625, %add3A_2688 : vector<16xf32>
        %mul3A_2690 = arith.mulf %broadcast_in_dim3A_104, %get3A_2631 : vector<16xf32>
        %add3A_2691 = arith.addf %get3A_2640, %mul3A_2690 : vector<16xf32>
        %mul3A_2692 = arith.mulf %broadcast_in_dim3A_144, %get3A_2634 : vector<16xf32>
        %add3A_2693 = arith.addf %add3A_2691, %mul3A_2692 : vector<16xf32>
        %mul3A_2694 = arith.mulf %broadcast_in_dim3A_184, %get3A_2637 : vector<16xf32>
        %add3A_2695 = arith.addf %add3A_2693, %mul3A_2694 : vector<16xf32>
        %min3A_2696 = arith.minimumf %scan3A_2626, %add3A_2695 : vector<16xf32>
        scf.yield %min3A_2647, %min3A_2654, %min3A_2661, %min3A_2668, %min3A_2675, %min3A_2682, %min3A_2689, %min3A_2696 : vector<16xf32>, vector<16xf32>, vector<16xf32>, vector<16xf32>, vector<16xf32>, vector<16xf32>, vector<16xf32>, vector<16xf32>
      }
      %scan3A_190 = arith.constant 256 : i32
      %slice3A_191 = vector.extract_strided_slice %get3A_48 {offsets = [0], sizes = [1], strides = [1]} : vector<16xf32> to vector<1xf32>
      %squeeze3A_192 = vector.extract %slice3A_191[0] : f32 from vector<1xf32>
      %slice3A_193 = vector.extract_strided_slice %get3A_48 {offsets = [0], sizes = [1], strides = [1]} : vector<16xf32> to vector<1xf32>
      %squeeze3A_194 = vector.extract %slice3A_193[0] : f32 from vector<1xf32>
      %mul3A_195 = arith.mulf %squeeze3A_192, %squeeze3A_194 : f32
      %slice3A_196 = vector.extract_strided_slice %get3A_51 {offsets = [0], sizes = [1], strides = [1]} : vector<16xf32> to vector<1xf32>
      %squeeze3A_197 = vector.extract %slice3A_196[0] : f32 from vector<1xf32>
      %slice3A_198 = vector.extract_strided_slice %get3A_51 {offsets = [0], sizes = [1], strides = [1]} : vector<16xf32> to vector<1xf32>
      %squeeze3A_199 = vector.extract %slice3A_198[0] : f32 from vector<1xf32>
      %mul3A_200 = arith.mulf %squeeze3A_197, %squeeze3A_199 : f32
      %add3A_201 = arith.addf %mul3A_195, %mul3A_200 : f32
      %slice3A_202 = vector.extract_strided_slice %get3A_54 {offsets = [0], sizes = [1], strides = [1]} : vector<16xf32> to vector<1xf32>
      %squeeze3A_203 = vector.extract %slice3A_202[0] : f32 from vector<1xf32>
      %slice3A_204 = vector.extract_strided_slice %get3A_54 {offsets = [0], sizes = [1], strides = [1]} : vector<16xf32> to vector<1xf32>
      %squeeze3A_205 = vector.extract %slice3A_204[0] : f32 from vector<1xf32>
      %mul3A_206 = arith.mulf %squeeze3A_203, %squeeze3A_205 : f32
      %add3A_207 = arith.addf %add3A_201, %mul3A_206 : f32
      %iota3A_208 = tpu.iota {dimensions = array<i32: 0>} : vector<16xi32>
      %add3A_209 = arith.constant 8 : i32
      %add3A_210 = vector.broadcast %add3A_209 : i32 to vector<16xi32>
      %add3A_211 = arith.addi %iota3A_208, %add3A_210 : vector<16xi32>
      %jit3A_212 = arith.constant 16 : i32
      %eq3A_213 = arith.constant 0 : i32
      %eq3A_214 = arith.cmpi eq, %jit3A_212, %eq3A_213 : i32
      %jit3A_215 = arith.constant 1 : i32
      %select_n3A_216 = arith.select %eq3A_214, %jit3A_215, %jit3A_212 : i32
      %rem3A_217 = vector.broadcast %select_n3A_216 : i32 to vector<16xi32>
      %rem3A_218 = arith.remsi %add3A_211, %rem3A_217 : vector<16xi32>
      %ne3A_219 = arith.constant 0 : i32
      %ne3A_220 = vector.broadcast %ne3A_219 : i32 to vector<16xi32>
      %ne3A_221 = arith.cmpi ne, %rem3A_218, %ne3A_220 : vector<16xi32>
      %lt3A = arith.constant 0 : i32
      %lt3A_222 = vector.broadcast %lt3A : i32 to vector<16xi32>
      %lt3A_223 = arith.cmpi slt, %rem3A_218, %lt3A_222 : vector<16xi32>
      %lt3A_224 = arith.constant 0 : i32
      %lt3A_225 = arith.cmpi slt, %select_n3A_216, %lt3A_224 : i32
      %ne3A_226 = vector.broadcast %lt3A_225 : i1 to vector<16xi1>
      %ne3A_227 = vector.broadcast %ne3A_226 : vector<16xi1> to vector<16xi1>
      %ne3A_228 = arith.xori %lt3A_223, %ne3A_227 : vector<16xi1>
      %and3A_229 = arith.andi %ne3A_228, %ne3A_221 : vector<16xi1>
      %add3A_230 = vector.broadcast %select_n3A_216 : i32 to vector<16xi32>
      %add3A_231 = arith.addi %rem3A_218, %add3A_230 : vector<16xi32>
      %select_n3A_232 = arith.select %and3A_229, %add3A_231, %rem3A_218 : vector<16xi1>, vector<16xi32>
      %broadcast_in_dim3A_233 = vector.shape_cast %select_n3A_232 : vector<16xi32> to vector<16x1xi32>
      %gather3A = vector.shape_cast %broadcast_in_dim3A_233 : vector<16x1xi32> to vector<16xi32>
      %gather3A_234 = tpu.dynamic_gather %scan3A_189#0[%gather3A] in [0] : vector<16xf32>, vector<16xi32> -> vector<16xf32>
      %min3A = arith.minimumf %scan3A_189#0, %gather3A_234 : vector<16xf32>
      %iota3A_235 = tpu.iota {dimensions = array<i32: 0>} : vector<16xi32>
      %add3A_236 = arith.constant 4 : i32
      %add3A_237 = vector.broadcast %add3A_236 : i32 to vector<16xi32>
      %add3A_238 = arith.addi %iota3A_235, %add3A_237 : vector<16xi32>
      %jit3A_239 = arith.constant 16 : i32
      %eq3A_240 = arith.constant 0 : i32
      %eq3A_241 = arith.cmpi eq, %jit3A_239, %eq3A_240 : i32
      %jit3A_242 = arith.constant 1 : i32
      %select_n3A_243 = arith.select %eq3A_241, %jit3A_242, %jit3A_239 : i32
      %rem3A_244 = vector.broadcast %select_n3A_243 : i32 to vector<16xi32>
      %rem3A_245 = arith.remsi %add3A_238, %rem3A_244 : vector<16xi32>
      %ne3A_246 = arith.constant 0 : i32
      %ne3A_247 = vector.broadcast %ne3A_246 : i32 to vector<16xi32>
      %ne3A_248 = arith.cmpi ne, %rem3A_245, %ne3A_247 : vector<16xi32>
      %lt3A_249 = arith.constant 0 : i32
      %lt3A_250 = vector.broadcast %lt3A_249 : i32 to vector<16xi32>
      %lt3A_251 = arith.cmpi slt, %rem3A_245, %lt3A_250 : vector<16xi32>
      %lt3A_252 = arith.constant 0 : i32
      %lt3A_253 = arith.cmpi slt, %select_n3A_243, %lt3A_252 : i32
      %ne3A_254 = vector.broadcast %lt3A_253 : i1 to vector<16xi1>
      %ne3A_255 = vector.broadcast %ne3A_254 : vector<16xi1> to vector<16xi1>
      %ne3A_256 = arith.xori %lt3A_251, %ne3A_255 : vector<16xi1>
      %and3A_257 = arith.andi %ne3A_256, %ne3A_248 : vector<16xi1>
      %add3A_258 = vector.broadcast %select_n3A_243 : i32 to vector<16xi32>
      %add3A_259 = arith.addi %rem3A_245, %add3A_258 : vector<16xi32>
      %select_n3A_260 = arith.select %and3A_257, %add3A_259, %rem3A_245 : vector<16xi1>, vector<16xi32>
      %broadcast_in_dim3A_261 = vector.shape_cast %select_n3A_260 : vector<16xi32> to vector<16x1xi32>
      %gather3A_262 = vector.shape_cast %broadcast_in_dim3A_261 : vector<16x1xi32> to vector<16xi32>
      %gather3A_263 = tpu.dynamic_gather %min3A[%gather3A_262] in [0] : vector<16xf32>, vector<16xi32> -> vector<16xf32>
      %min3A_264 = arith.minimumf %min3A, %gather3A_263 : vector<16xf32>
      %iota3A_265 = tpu.iota {dimensions = array<i32: 0>} : vector<16xi32>
      %add3A_266 = arith.constant 2 : i32
      %add3A_267 = vector.broadcast %add3A_266 : i32 to vector<16xi32>
      %add3A_268 = arith.addi %iota3A_265, %add3A_267 : vector<16xi32>
      %jit3A_269 = arith.constant 16 : i32
      %eq3A_270 = arith.constant 0 : i32
      %eq3A_271 = arith.cmpi eq, %jit3A_269, %eq3A_270 : i32
      %jit3A_272 = arith.constant 1 : i32
      %select_n3A_273 = arith.select %eq3A_271, %jit3A_272, %jit3A_269 : i32
      %rem3A_274 = vector.broadcast %select_n3A_273 : i32 to vector<16xi32>
      %rem3A_275 = arith.remsi %add3A_268, %rem3A_274 : vector<16xi32>
      %ne3A_276 = arith.constant 0 : i32
      %ne3A_277 = vector.broadcast %ne3A_276 : i32 to vector<16xi32>
      %ne3A_278 = arith.cmpi ne, %rem3A_275, %ne3A_277 : vector<16xi32>
      %lt3A_279 = arith.constant 0 : i32
      %lt3A_280 = vector.broadcast %lt3A_279 : i32 to vector<16xi32>
      %lt3A_281 = arith.cmpi slt, %rem3A_275, %lt3A_280 : vector<16xi32>
      %lt3A_282 = arith.constant 0 : i32
      %lt3A_283 = arith.cmpi slt, %select_n3A_273, %lt3A_282 : i32
      %ne3A_284 = vector.broadcast %lt3A_283 : i1 to vector<16xi1>
      %ne3A_285 = vector.broadcast %ne3A_284 : vector<16xi1> to vector<16xi1>
      %ne3A_286 = arith.xori %lt3A_281, %ne3A_285 : vector<16xi1>
      %and3A_287 = arith.andi %ne3A_286, %ne3A_278 : vector<16xi1>
      %add3A_288 = vector.broadcast %select_n3A_273 : i32 to vector<16xi32>
      %add3A_289 = arith.addi %rem3A_275, %add3A_288 : vector<16xi32>
      %select_n3A_290 = arith.select %and3A_287, %add3A_289, %rem3A_275 : vector<16xi1>, vector<16xi32>
      %broadcast_in_dim3A_291 = vector.shape_cast %select_n3A_290 : vector<16xi32> to vector<16x1xi32>
      %gather3A_292 = vector.shape_cast %broadcast_in_dim3A_291 : vector<16x1xi32> to vector<16xi32>
      %gather3A_293 = tpu.dynamic_gather %min3A_264[%gather3A_292] in [0] : vector<16xf32>, vector<16xi32> -> vector<16xf32>
      %min3A_294 = arith.minimumf %min3A_264, %gather3A_293 : vector<16xf32>
      %iota3A_295 = tpu.iota {dimensions = array<i32: 0>} : vector<16xi32>
      %add3A_296 = arith.constant 1 : i32
      %add3A_297 = vector.broadcast %add3A_296 : i32 to vector<16xi32>
      %add3A_298 = arith.addi %iota3A_295, %add3A_297 : vector<16xi32>
      %jit3A_299 = arith.constant 16 : i32
      %eq3A_300 = arith.constant 0 : i32
      %eq3A_301 = arith.cmpi eq, %jit3A_299, %eq3A_300 : i32
      %jit3A_302 = arith.constant 1 : i32
      %select_n3A_303 = arith.select %eq3A_301, %jit3A_302, %jit3A_299 : i32
      %rem3A_304 = vector.broadcast %select_n3A_303 : i32 to vector<16xi32>
      %rem3A_305 = arith.remsi %add3A_298, %rem3A_304 : vector<16xi32>
      %ne3A_306 = arith.constant 0 : i32
      %ne3A_307 = vector.broadcast %ne3A_306 : i32 to vector<16xi32>
      %ne3A_308 = arith.cmpi ne, %rem3A_305, %ne3A_307 : vector<16xi32>
      %lt3A_309 = arith.constant 0 : i32
      %lt3A_310 = vector.broadcast %lt3A_309 : i32 to vector<16xi32>
      %lt3A_311 = arith.cmpi slt, %rem3A_305, %lt3A_310 : vector<16xi32>
      %lt3A_312 = arith.constant 0 : i32
      %lt3A_313 = arith.cmpi slt, %select_n3A_303, %lt3A_312 : i32
      %ne3A_314 = vector.broadcast %lt3A_313 : i1 to vector<16xi1>
      %ne3A_315 = vector.broadcast %ne3A_314 : vector<16xi1> to vector<16xi1>
      %ne3A_316 = arith.xori %lt3A_311, %ne3A_315 : vector<16xi1>
      %and3A_317 = arith.andi %ne3A_316, %ne3A_308 : vector<16xi1>
      %add3A_318 = vector.broadcast %select_n3A_303 : i32 to vector<16xi32>
      %add3A_319 = arith.addi %rem3A_305, %add3A_318 : vector<16xi32>
      %select_n3A_320 = arith.select %and3A_317, %add3A_319, %rem3A_305 : vector<16xi1>, vector<16xi32>
      %broadcast_in_dim3A_321 = vector.shape_cast %select_n3A_320 : vector<16xi32> to vector<16x1xi32>
      %gather3A_322 = vector.shape_cast %broadcast_in_dim3A_321 : vector<16x1xi32> to vector<16xi32>
      %gather3A_323 = tpu.dynamic_gather %min3A_294[%gather3A_322] in [0] : vector<16xf32>, vector<16xi32> -> vector<16xf32>
      %min3A_324 = arith.minimumf %min3A_294, %gather3A_323 : vector<16xf32>
      %slice3A_325 = vector.extract_strided_slice %min3A_324 {offsets = [0], sizes = [1], strides = [1]} : vector<16xf32> to vector<1xf32>
      %squeeze3A_326 = vector.extract %slice3A_325[0] : f32 from vector<1xf32>
      %add3A_327 = arith.addf %squeeze3A_326, %add3A_207 : f32
      %slice3A_328 = vector.extract_strided_slice %get3A_66 {offsets = [0], sizes = [1], strides = [1]} : vector<16xf32> to vector<1xf32>
      %squeeze3A_329 = vector.extract %slice3A_328[0] : f32 from vector<1xf32>
      %mul3A_330 = arith.mulf %add3A_327, %squeeze3A_329 : f32
      %add3A_331 = arith.addf %scan3A_44, %mul3A_330 : f32
      %slice3A_332 = vector.extract_strided_slice %get3A_48 {offsets = [1], sizes = [1], strides = [1]} : vector<16xf32> to vector<1xf32>
      %squeeze3A_333 = vector.extract %slice3A_332[0] : f32 from vector<1xf32>
      %slice3A_334 = vector.extract_strided_slice %get3A_48 {offsets = [1], sizes = [1], strides = [1]} : vector<16xf32> to vector<1xf32>
      %squeeze3A_335 = vector.extract %slice3A_334[0] : f32 from vector<1xf32>
      %mul3A_336 = arith.mulf %squeeze3A_333, %squeeze3A_335 : f32
      %slice3A_337 = vector.extract_strided_slice %get3A_51 {offsets = [1], sizes = [1], strides = [1]} : vector<16xf32> to vector<1xf32>
      %squeeze3A_338 = vector.extract %slice3A_337[0] : f32 from vector<1xf32>
      %slice3A_339 = vector.extract_strided_slice %get3A_51 {offsets = [1], sizes = [1], strides = [1]} : vector<16xf32> to vector<1xf32>
      %squeeze3A_340 = vector.extract %slice3A_339[0] : f32 from vector<1xf32>
      %mul3A_341 = arith.mulf %squeeze3A_338, %squeeze3A_340 : f32
      %add3A_342 = arith.addf %mul3A_336, %mul3A_341 : f32
      %slice3A_343 = vector.extract_strided_slice %get3A_54 {offsets = [1], sizes = [1], strides = [1]} : vector<16xf32> to vector<1xf32>
      %squeeze3A_344 = vector.extract %slice3A_343[0] : f32 from vector<1xf32>
      %slice3A_345 = vector.extract_strided_slice %get3A_54 {offsets = [1], sizes = [1], strides = [1]} : vector<16xf32> to vector<1xf32>
      %squeeze3A_346 = vector.extract %slice3A_345[0] : f32 from vector<1xf32>
      %mul3A_347 = arith.mulf %squeeze3A_344, %squeeze3A_346 : f32
      %add3A_348 = arith.addf %add3A_342, %mul3A_347 : f32
      %iota3A_349 = tpu.iota {dimensions = array<i32: 0>} : vector<16xi32>
      %add3A_350 = arith.constant 8 : i32
      %add3A_351 = vector.broadcast %add3A_350 : i32 to vector<16xi32>
      %add3A_352 = arith.addi %iota3A_349, %add3A_351 : vector<16xi32>
      %jit3A_353 = arith.constant 16 : i32
      %eq3A_354 = arith.constant 0 : i32
      %eq3A_355 = arith.cmpi eq, %jit3A_353, %eq3A_354 : i32
      %jit3A_356 = arith.constant 1 : i32
      %select_n3A_357 = arith.select %eq3A_355, %jit3A_356, %jit3A_353 : i32
      %rem3A_358 = vector.broadcast %select_n3A_357 : i32 to vector<16xi32>
      %rem3A_359 = arith.remsi %add3A_352, %rem3A_358 : vector<16xi32>
      %ne3A_360 = arith.constant 0 : i32
      %ne3A_361 = vector.broadcast %ne3A_360 : i32 to vector<16xi32>
      %ne3A_362 = arith.cmpi ne, %rem3A_359, %ne3A_361 : vector<16xi32>
      %lt3A_363 = arith.constant 0 : i32
      %lt3A_364 = vector.broadcast %lt3A_363 : i32 to vector<16xi32>
      %lt3A_365 = arith.cmpi slt, %rem3A_359, %lt3A_364 : vector<16xi32>
      %lt3A_366 = arith.constant 0 : i32
      %lt3A_367 = arith.cmpi slt, %select_n3A_357, %lt3A_366 : i32
      %ne3A_368 = vector.broadcast %lt3A_367 : i1 to vector<16xi1>
      %ne3A_369 = vector.broadcast %ne3A_368 : vector<16xi1> to vector<16xi1>
      %ne3A_370 = arith.xori %lt3A_365, %ne3A_369 : vector<16xi1>
      %and3A_371 = arith.andi %ne3A_370, %ne3A_362 : vector<16xi1>
      %add3A_372 = vector.broadcast %select_n3A_357 : i32 to vector<16xi32>
      %add3A_373 = arith.addi %rem3A_359, %add3A_372 : vector<16xi32>
      %select_n3A_374 = arith.select %and3A_371, %add3A_373, %rem3A_359 : vector<16xi1>, vector<16xi32>
      %broadcast_in_dim3A_375 = vector.shape_cast %select_n3A_374 : vector<16xi32> to vector<16x1xi32>
      %gather3A_376 = vector.shape_cast %broadcast_in_dim3A_375 : vector<16x1xi32> to vector<16xi32>
      %gather3A_377 = tpu.dynamic_gather %scan3A_189#1[%gather3A_376] in [0] : vector<16xf32>, vector<16xi32> -> vector<16xf32>
      %min3A_378 = arith.minimumf %scan3A_189#1, %gather3A_377 : vector<16xf32>
      %iota3A_379 = tpu.iota {dimensions = array<i32: 0>} : vector<16xi32>
      %add3A_380 = arith.constant 4 : i32
      %add3A_381 = vector.broadcast %add3A_380 : i32 to vector<16xi32>
      %add3A_382 = arith.addi %iota3A_379, %add3A_381 : vector<16xi32>
      %jit3A_383 = arith.constant 16 : i32
      %eq3A_384 = arith.constant 0 : i32
      %eq3A_385 = arith.cmpi eq, %jit3A_383, %eq3A_384 : i32
      %jit3A_386 = arith.constant 1 : i32
      %select_n3A_387 = arith.select %eq3A_385, %jit3A_386, %jit3A_383 : i32
      %rem3A_388 = vector.broadcast %select_n3A_387 : i32 to vector<16xi32>
      %rem3A_389 = arith.remsi %add3A_382, %rem3A_388 : vector<16xi32>
      %ne3A_390 = arith.constant 0 : i32
      %ne3A_391 = vector.broadcast %ne3A_390 : i32 to vector<16xi32>
      %ne3A_392 = arith.cmpi ne, %rem3A_389, %ne3A_391 : vector<16xi32>
      %lt3A_393 = arith.constant 0 : i32
      %lt3A_394 = vector.broadcast %lt3A_393 : i32 to vector<16xi32>
      %lt3A_395 = arith.cmpi slt, %rem3A_389, %lt3A_394 : vector<16xi32>
      %lt3A_396 = arith.constant 0 : i32
      %lt3A_397 = arith.cmpi slt, %select_n3A_387, %lt3A_396 : i32
      %ne3A_398 = vector.broadcast %lt3A_397 : i1 to vector<16xi1>
      %ne3A_399 = vector.broadcast %ne3A_398 : vector<16xi1> to vector<16xi1>
      %ne3A_400 = arith.xori %lt3A_395, %ne3A_399 : vector<16xi1>
      %and3A_401 = arith.andi %ne3A_400, %ne3A_392 : vector<16xi1>
      %add3A_402 = vector.broadcast %select_n3A_387 : i32 to vector<16xi32>
      %add3A_403 = arith.addi %rem3A_389, %add3A_402 : vector<16xi32>
      %select_n3A_404 = arith.select %and3A_401, %add3A_403, %rem3A_389 : vector<16xi1>, vector<16xi32>
      %broadcast_in_dim3A_405 = vector.shape_cast %select_n3A_404 : vector<16xi32> to vector<16x1xi32>
      %gather3A_406 = vector.shape_cast %broadcast_in_dim3A_405 : vector<16x1xi32> to vector<16xi32>
      %gather3A_407 = tpu.dynamic_gather %min3A_378[%gather3A_406] in [0] : vector<16xf32>, vector<16xi32> -> vector<16xf32>
      %min3A_408 = arith.minimumf %min3A_378, %gather3A_407 : vector<16xf32>
      %iota3A_409 = tpu.iota {dimensions = array<i32: 0>} : vector<16xi32>
      %add3A_410 = arith.constant 2 : i32
      %add3A_411 = vector.broadcast %add3A_410 : i32 to vector<16xi32>
      %add3A_412 = arith.addi %iota3A_409, %add3A_411 : vector<16xi32>
      %jit3A_413 = arith.constant 16 : i32
      %eq3A_414 = arith.constant 0 : i32
      %eq3A_415 = arith.cmpi eq, %jit3A_413, %eq3A_414 : i32
      %jit3A_416 = arith.constant 1 : i32
      %select_n3A_417 = arith.select %eq3A_415, %jit3A_416, %jit3A_413 : i32
      %rem3A_418 = vector.broadcast %select_n3A_417 : i32 to vector<16xi32>
      %rem3A_419 = arith.remsi %add3A_412, %rem3A_418 : vector<16xi32>
      %ne3A_420 = arith.constant 0 : i32
      %ne3A_421 = vector.broadcast %ne3A_420 : i32 to vector<16xi32>
      %ne3A_422 = arith.cmpi ne, %rem3A_419, %ne3A_421 : vector<16xi32>
      %lt3A_423 = arith.constant 0 : i32
      %lt3A_424 = vector.broadcast %lt3A_423 : i32 to vector<16xi32>
      %lt3A_425 = arith.cmpi slt, %rem3A_419, %lt3A_424 : vector<16xi32>
      %lt3A_426 = arith.constant 0 : i32
      %lt3A_427 = arith.cmpi slt, %select_n3A_417, %lt3A_426 : i32
      %ne3A_428 = vector.broadcast %lt3A_427 : i1 to vector<16xi1>
      %ne3A_429 = vector.broadcast %ne3A_428 : vector<16xi1> to vector<16xi1>
      %ne3A_430 = arith.xori %lt3A_425, %ne3A_429 : vector<16xi1>
      %and3A_431 = arith.andi %ne3A_430, %ne3A_422 : vector<16xi1>
      %add3A_432 = vector.broadcast %select_n3A_417 : i32 to vector<16xi32>
      %add3A_433 = arith.addi %rem3A_419, %add3A_432 : vector<16xi32>
      %select_n3A_434 = arith.select %and3A_431, %add3A_433, %rem3A_419 : vector<16xi1>, vector<16xi32>
      %broadcast_in_dim3A_435 = vector.shape_cast %select_n3A_434 : vector<16xi32> to vector<16x1xi32>
      %gather3A_436 = vector.shape_cast %broadcast_in_dim3A_435 : vector<16x1xi32> to vector<16xi32>
      %gather3A_437 = tpu.dynamic_gather %min3A_408[%gather3A_436] in [0] : vector<16xf32>, vector<16xi32> -> vector<16xf32>
      %min3A_438 = arith.minimumf %min3A_408, %gather3A_437 : vector<16xf32>
      %iota3A_439 = tpu.iota {dimensions = array<i32: 0>} : vector<16xi32>
      %add3A_440 = arith.constant 1 : i32
      %add3A_441 = vector.broadcast %add3A_440 : i32 to vector<16xi32>
      %add3A_442 = arith.addi %iota3A_439, %add3A_441 : vector<16xi32>
      %jit3A_443 = arith.constant 16 : i32
      %eq3A_444 = arith.constant 0 : i32
      %eq3A_445 = arith.cmpi eq, %jit3A_443, %eq3A_444 : i32
      %jit3A_446 = arith.constant 1 : i32
      %select_n3A_447 = arith.select %eq3A_445, %jit3A_446, %jit3A_443 : i32
      %rem3A_448 = vector.broadcast %select_n3A_447 : i32 to vector<16xi32>
      %rem3A_449 = arith.remsi %add3A_442, %rem3A_448 : vector<16xi32>
      %ne3A_450 = arith.constant 0 : i32
      %ne3A_451 = vector.broadcast %ne3A_450 : i32 to vector<16xi32>
      %ne3A_452 = arith.cmpi ne, %rem3A_449, %ne3A_451 : vector<16xi32>
      %lt3A_453 = arith.constant 0 : i32
      %lt3A_454 = vector.broadcast %lt3A_453 : i32 to vector<16xi32>
      %lt3A_455 = arith.cmpi slt, %rem3A_449, %lt3A_454 : vector<16xi32>
      %lt3A_456 = arith.constant 0 : i32
      %lt3A_457 = arith.cmpi slt, %select_n3A_447, %lt3A_456 : i32
      %ne3A_458 = vector.broadcast %lt3A_457 : i1 to vector<16xi1>
      %ne3A_459 = vector.broadcast %ne3A_458 : vector<16xi1> to vector<16xi1>
      %ne3A_460 = arith.xori %lt3A_455, %ne3A_459 : vector<16xi1>
      %and3A_461 = arith.andi %ne3A_460, %ne3A_452 : vector<16xi1>
      %add3A_462 = vector.broadcast %select_n3A_447 : i32 to vector<16xi32>
      %add3A_463 = arith.addi %rem3A_449, %add3A_462 : vector<16xi32>
      %select_n3A_464 = arith.select %and3A_461, %add3A_463, %rem3A_449 : vector<16xi1>, vector<16xi32>
      %broadcast_in_dim3A_465 = vector.shape_cast %select_n3A_464 : vector<16xi32> to vector<16x1xi32>
      %gather3A_466 = vector.shape_cast %broadcast_in_dim3A_465 : vector<16x1xi32> to vector<16xi32>
      %gather3A_467 = tpu.dynamic_gather %min3A_438[%gather3A_466] in [0] : vector<16xf32>, vector<16xi32> -> vector<16xf32>
      %min3A_468 = arith.minimumf %min3A_438, %gather3A_467 : vector<16xf32>
      %slice3A_469 = vector.extract_strided_slice %min3A_468 {offsets = [0], sizes = [1], strides = [1]} : vector<16xf32> to vector<1xf32>
      %squeeze3A_470 = vector.extract %slice3A_469[0] : f32 from vector<1xf32>
      %add3A_471 = arith.addf %squeeze3A_470, %add3A_348 : f32
      %slice3A_472 = vector.extract_strided_slice %get3A_66 {offsets = [1], sizes = [1], strides = [1]} : vector<16xf32> to vector<1xf32>
      %squeeze3A_473 = vector.extract %slice3A_472[0] : f32 from vector<1xf32>
      %mul3A_474 = arith.mulf %add3A_471, %squeeze3A_473 : f32
      %add3A_475 = arith.addf %add3A_331, %mul3A_474 : f32
      %slice3A_476 = vector.extract_strided_slice %get3A_48 {offsets = [2], sizes = [1], strides = [1]} : vector<16xf32> to vector<1xf32>
      %squeeze3A_477 = vector.extract %slice3A_476[0] : f32 from vector<1xf32>
      %slice3A_478 = vector.extract_strided_slice %get3A_48 {offsets = [2], sizes = [1], strides = [1]} : vector<16xf32> to vector<1xf32>
      %squeeze3A_479 = vector.extract %slice3A_478[0] : f32 from vector<1xf32>
      %mul3A_480 = arith.mulf %squeeze3A_477, %squeeze3A_479 : f32
      %slice3A_481 = vector.extract_strided_slice %get3A_51 {offsets = [2], sizes = [1], strides = [1]} : vector<16xf32> to vector<1xf32>
      %squeeze3A_482 = vector.extract %slice3A_481[0] : f32 from vector<1xf32>
      %slice3A_483 = vector.extract_strided_slice %get3A_51 {offsets = [2], sizes = [1], strides = [1]} : vector<16xf32> to vector<1xf32>
      %squeeze3A_484 = vector.extract %slice3A_483[0] : f32 from vector<1xf32>
      %mul3A_485 = arith.mulf %squeeze3A_482, %squeeze3A_484 : f32
      %add3A_486 = arith.addf %mul3A_480, %mul3A_485 : f32
      %slice3A_487 = vector.extract_strided_slice %get3A_54 {offsets = [2], sizes = [1], strides = [1]} : vector<16xf32> to vector<1xf32>
      %squeeze3A_488 = vector.extract %slice3A_487[0] : f32 from vector<1xf32>
      %slice3A_489 = vector.extract_strided_slice %get3A_54 {offsets = [2], sizes = [1], strides = [1]} : vector<16xf32> to vector<1xf32>
      %squeeze3A_490 = vector.extract %slice3A_489[0] : f32 from vector<1xf32>
      %mul3A_491 = arith.mulf %squeeze3A_488, %squeeze3A_490 : f32
      %add3A_492 = arith.addf %add3A_486, %mul3A_491 : f32
      %iota3A_493 = tpu.iota {dimensions = array<i32: 0>} : vector<16xi32>
      %add3A_494 = arith.constant 8 : i32
      %add3A_495 = vector.broadcast %add3A_494 : i32 to vector<16xi32>
      %add3A_496 = arith.addi %iota3A_493, %add3A_495 : vector<16xi32>
      %jit3A_497 = arith.constant 16 : i32
      %eq3A_498 = arith.constant 0 : i32
      %eq3A_499 = arith.cmpi eq, %jit3A_497, %eq3A_498 : i32
      %jit3A_500 = arith.constant 1 : i32
      %select_n3A_501 = arith.select %eq3A_499, %jit3A_500, %jit3A_497 : i32
      %rem3A_502 = vector.broadcast %select_n3A_501 : i32 to vector<16xi32>
      %rem3A_503 = arith.remsi %add3A_496, %rem3A_502 : vector<16xi32>
      %ne3A_504 = arith.constant 0 : i32
      %ne3A_505 = vector.broadcast %ne3A_504 : i32 to vector<16xi32>
      %ne3A_506 = arith.cmpi ne, %rem3A_503, %ne3A_505 : vector<16xi32>
      %lt3A_507 = arith.constant 0 : i32
      %lt3A_508 = vector.broadcast %lt3A_507 : i32 to vector<16xi32>
      %lt3A_509 = arith.cmpi slt, %rem3A_503, %lt3A_508 : vector<16xi32>
      %lt3A_510 = arith.constant 0 : i32
      %lt3A_511 = arith.cmpi slt, %select_n3A_501, %lt3A_510 : i32
      %ne3A_512 = vector.broadcast %lt3A_511 : i1 to vector<16xi1>
      %ne3A_513 = vector.broadcast %ne3A_512 : vector<16xi1> to vector<16xi1>
      %ne3A_514 = arith.xori %lt3A_509, %ne3A_513 : vector<16xi1>
      %and3A_515 = arith.andi %ne3A_514, %ne3A_506 : vector<16xi1>
      %add3A_516 = vector.broadcast %select_n3A_501 : i32 to vector<16xi32>
      %add3A_517 = arith.addi %rem3A_503, %add3A_516 : vector<16xi32>
      %select_n3A_518 = arith.select %and3A_515, %add3A_517, %rem3A_503 : vector<16xi1>, vector<16xi32>
      %broadcast_in_dim3A_519 = vector.shape_cast %select_n3A_518 : vector<16xi32> to vector<16x1xi32>
      %gather3A_520 = vector.shape_cast %broadcast_in_dim3A_519 : vector<16x1xi32> to vector<16xi32>
      %gather3A_521 = tpu.dynamic_gather %scan3A_189#2[%gather3A_520] in [0] : vector<16xf32>, vector<16xi32> -> vector<16xf32>
      %min3A_522 = arith.minimumf %scan3A_189#2, %gather3A_521 : vector<16xf32>
      %iota3A_523 = tpu.iota {dimensions = array<i32: 0>} : vector<16xi32>
      %add3A_524 = arith.constant 4 : i32
      %add3A_525 = vector.broadcast %add3A_524 : i32 to vector<16xi32>
      %add3A_526 = arith.addi %iota3A_523, %add3A_525 : vector<16xi32>
      %jit3A_527 = arith.constant 16 : i32
      %eq3A_528 = arith.constant 0 : i32
      %eq3A_529 = arith.cmpi eq, %jit3A_527, %eq3A_528 : i32
      %jit3A_530 = arith.constant 1 : i32
      %select_n3A_531 = arith.select %eq3A_529, %jit3A_530, %jit3A_527 : i32
      %rem3A_532 = vector.broadcast %select_n3A_531 : i32 to vector<16xi32>
      %rem3A_533 = arith.remsi %add3A_526, %rem3A_532 : vector<16xi32>
      %ne3A_534 = arith.constant 0 : i32
      %ne3A_535 = vector.broadcast %ne3A_534 : i32 to vector<16xi32>
      %ne3A_536 = arith.cmpi ne, %rem3A_533, %ne3A_535 : vector<16xi32>
      %lt3A_537 = arith.constant 0 : i32
      %lt3A_538 = vector.broadcast %lt3A_537 : i32 to vector<16xi32>
      %lt3A_539 = arith.cmpi slt, %rem3A_533, %lt3A_538 : vector<16xi32>
      %lt3A_540 = arith.constant 0 : i32
      %lt3A_541 = arith.cmpi slt, %select_n3A_531, %lt3A_540 : i32
      %ne3A_542 = vector.broadcast %lt3A_541 : i1 to vector<16xi1>
      %ne3A_543 = vector.broadcast %ne3A_542 : vector<16xi1> to vector<16xi1>
      %ne3A_544 = arith.xori %lt3A_539, %ne3A_543 : vector<16xi1>
      %and3A_545 = arith.andi %ne3A_544, %ne3A_536 : vector<16xi1>
      %add3A_546 = vector.broadcast %select_n3A_531 : i32 to vector<16xi32>
      %add3A_547 = arith.addi %rem3A_533, %add3A_546 : vector<16xi32>
      %select_n3A_548 = arith.select %and3A_545, %add3A_547, %rem3A_533 : vector<16xi1>, vector<16xi32>
      %broadcast_in_dim3A_549 = vector.shape_cast %select_n3A_548 : vector<16xi32> to vector<16x1xi32>
      %gather3A_550 = vector.shape_cast %broadcast_in_dim3A_549 : vector<16x1xi32> to vector<16xi32>
      %gather3A_551 = tpu.dynamic_gather %min3A_522[%gather3A_550] in [0] : vector<16xf32>, vector<16xi32> -> vector<16xf32>
      %min3A_552 = arith.minimumf %min3A_522, %gather3A_551 : vector<16xf32>
      %iota3A_553 = tpu.iota {dimensions = array<i32: 0>} : vector<16xi32>
      %add3A_554 = arith.constant 2 : i32
      %add3A_555 = vector.broadcast %add3A_554 : i32 to vector<16xi32>
      %add3A_556 = arith.addi %iota3A_553, %add3A_555 : vector<16xi32>
      %jit3A_557 = arith.constant 16 : i32
      %eq3A_558 = arith.constant 0 : i32
      %eq3A_559 = arith.cmpi eq, %jit3A_557, %eq3A_558 : i32
      %jit3A_560 = arith.constant 1 : i32
      %select_n3A_561 = arith.select %eq3A_559, %jit3A_560, %jit3A_557 : i32
      %rem3A_562 = vector.broadcast %select_n3A_561 : i32 to vector<16xi32>
      %rem3A_563 = arith.remsi %add3A_556, %rem3A_562 : vector<16xi32>
      %ne3A_564 = arith.constant 0 : i32
      %ne3A_565 = vector.broadcast %ne3A_564 : i32 to vector<16xi32>
      %ne3A_566 = arith.cmpi ne, %rem3A_563, %ne3A_565 : vector<16xi32>
      %lt3A_567 = arith.constant 0 : i32
      %lt3A_568 = vector.broadcast %lt3A_567 : i32 to vector<16xi32>
      %lt3A_569 = arith.cmpi slt, %rem3A_563, %lt3A_568 : vector<16xi32>
      %lt3A_570 = arith.constant 0 : i32
      %lt3A_571 = arith.cmpi slt, %select_n3A_561, %lt3A_570 : i32
      %ne3A_572 = vector.broadcast %lt3A_571 : i1 to vector<16xi1>
      %ne3A_573 = vector.broadcast %ne3A_572 : vector<16xi1> to vector<16xi1>
      %ne3A_574 = arith.xori %lt3A_569, %ne3A_573 : vector<16xi1>
      %and3A_575 = arith.andi %ne3A_574, %ne3A_566 : vector<16xi1>
      %add3A_576 = vector.broadcast %select_n3A_561 : i32 to vector<16xi32>
      %add3A_577 = arith.addi %rem3A_563, %add3A_576 : vector<16xi32>
      %select_n3A_578 = arith.select %and3A_575, %add3A_577, %rem3A_563 : vector<16xi1>, vector<16xi32>
      %broadcast_in_dim3A_579 = vector.shape_cast %select_n3A_578 : vector<16xi32> to vector<16x1xi32>
      %gather3A_580 = vector.shape_cast %broadcast_in_dim3A_579 : vector<16x1xi32> to vector<16xi32>
      %gather3A_581 = tpu.dynamic_gather %min3A_552[%gather3A_580] in [0] : vector<16xf32>, vector<16xi32> -> vector<16xf32>
      %min3A_582 = arith.minimumf %min3A_552, %gather3A_581 : vector<16xf32>
      %iota3A_583 = tpu.iota {dimensions = array<i32: 0>} : vector<16xi32>
      %add3A_584 = arith.constant 1 : i32
      %add3A_585 = vector.broadcast %add3A_584 : i32 to vector<16xi32>
      %add3A_586 = arith.addi %iota3A_583, %add3A_585 : vector<16xi32>
      %jit3A_587 = arith.constant 16 : i32
      %eq3A_588 = arith.constant 0 : i32
      %eq3A_589 = arith.cmpi eq, %jit3A_587, %eq3A_588 : i32
      %jit3A_590 = arith.constant 1 : i32
      %select_n3A_591 = arith.select %eq3A_589, %jit3A_590, %jit3A_587 : i32
      %rem3A_592 = vector.broadcast %select_n3A_591 : i32 to vector<16xi32>
      %rem3A_593 = arith.remsi %add3A_586, %rem3A_592 : vector<16xi32>
      %ne3A_594 = arith.constant 0 : i32
      %ne3A_595 = vector.broadcast %ne3A_594 : i32 to vector<16xi32>
      %ne3A_596 = arith.cmpi ne, %rem3A_593, %ne3A_595 : vector<16xi32>
      %lt3A_597 = arith.constant 0 : i32
      %lt3A_598 = vector.broadcast %lt3A_597 : i32 to vector<16xi32>
      %lt3A_599 = arith.cmpi slt, %rem3A_593, %lt3A_598 : vector<16xi32>
      %lt3A_600 = arith.constant 0 : i32
      %lt3A_601 = arith.cmpi slt, %select_n3A_591, %lt3A_600 : i32
      %ne3A_602 = vector.broadcast %lt3A_601 : i1 to vector<16xi1>
      %ne3A_603 = vector.broadcast %ne3A_602 : vector<16xi1> to vector<16xi1>
      %ne3A_604 = arith.xori %lt3A_599, %ne3A_603 : vector<16xi1>
      %and3A_605 = arith.andi %ne3A_604, %ne3A_596 : vector<16xi1>
      %add3A_606 = vector.broadcast %select_n3A_591 : i32 to vector<16xi32>
      %add3A_607 = arith.addi %rem3A_593, %add3A_606 : vector<16xi32>
      %select_n3A_608 = arith.select %and3A_605, %add3A_607, %rem3A_593 : vector<16xi1>, vector<16xi32>
      %broadcast_in_dim3A_609 = vector.shape_cast %select_n3A_608 : vector<16xi32> to vector<16x1xi32>
      %gather3A_610 = vector.shape_cast %broadcast_in_dim3A_609 : vector<16x1xi32> to vector<16xi32>
      %gather3A_611 = tpu.dynamic_gather %min3A_582[%gather3A_610] in [0] : vector<16xf32>, vector<16xi32> -> vector<16xf32>
      %min3A_612 = arith.minimumf %min3A_582, %gather3A_611 : vector<16xf32>
      %slice3A_613 = vector.extract_strided_slice %min3A_612 {offsets = [0], sizes = [1], strides = [1]} : vector<16xf32> to vector<1xf32>
      %squeeze3A_614 = vector.extract %slice3A_613[0] : f32 from vector<1xf32>
      %add3A_615 = arith.addf %squeeze3A_614, %add3A_492 : f32
      %slice3A_616 = vector.extract_strided_slice %get3A_66 {offsets = [2], sizes = [1], strides = [1]} : vector<16xf32> to vector<1xf32>
      %squeeze3A_617 = vector.extract %slice3A_616[0] : f32 from vector<1xf32>
      %mul3A_618 = arith.mulf %add3A_615, %squeeze3A_617 : f32
      %add3A_619 = arith.addf %add3A_475, %mul3A_618 : f32
      %slice3A_620 = vector.extract_strided_slice %get3A_48 {offsets = [3], sizes = [1], strides = [1]} : vector<16xf32> to vector<1xf32>
      %squeeze3A_621 = vector.extract %slice3A_620[0] : f32 from vector<1xf32>
      %slice3A_622 = vector.extract_strided_slice %get3A_48 {offsets = [3], sizes = [1], strides = [1]} : vector<16xf32> to vector<1xf32>
      %squeeze3A_623 = vector.extract %slice3A_622[0] : f32 from vector<1xf32>
      %mul3A_624 = arith.mulf %squeeze3A_621, %squeeze3A_623 : f32
      %slice3A_625 = vector.extract_strided_slice %get3A_51 {offsets = [3], sizes = [1], strides = [1]} : vector<16xf32> to vector<1xf32>
      %squeeze3A_626 = vector.extract %slice3A_625[0] : f32 from vector<1xf32>
      %slice3A_627 = vector.extract_strided_slice %get3A_51 {offsets = [3], sizes = [1], strides = [1]} : vector<16xf32> to vector<1xf32>
      %squeeze3A_628 = vector.extract %slice3A_627[0] : f32 from vector<1xf32>
      %mul3A_629 = arith.mulf %squeeze3A_626, %squeeze3A_628 : f32
      %add3A_630 = arith.addf %mul3A_624, %mul3A_629 : f32
      %slice3A_631 = vector.extract_strided_slice %get3A_54 {offsets = [3], sizes = [1], strides = [1]} : vector<16xf32> to vector<1xf32>
      %squeeze3A_632 = vector.extract %slice3A_631[0] : f32 from vector<1xf32>
      %slice3A_633 = vector.extract_strided_slice %get3A_54 {offsets = [3], sizes = [1], strides = [1]} : vector<16xf32> to vector<1xf32>
      %squeeze3A_634 = vector.extract %slice3A_633[0] : f32 from vector<1xf32>
      %mul3A_635 = arith.mulf %squeeze3A_632, %squeeze3A_634 : f32
      %add3A_636 = arith.addf %add3A_630, %mul3A_635 : f32
      %iota3A_637 = tpu.iota {dimensions = array<i32: 0>} : vector<16xi32>
      %add3A_638 = arith.constant 8 : i32
      %add3A_639 = vector.broadcast %add3A_638 : i32 to vector<16xi32>
      %add3A_640 = arith.addi %iota3A_637, %add3A_639 : vector<16xi32>
      %jit3A_641 = arith.constant 16 : i32
      %eq3A_642 = arith.constant 0 : i32
      %eq3A_643 = arith.cmpi eq, %jit3A_641, %eq3A_642 : i32
      %jit3A_644 = arith.constant 1 : i32
      %select_n3A_645 = arith.select %eq3A_643, %jit3A_644, %jit3A_641 : i32
      %rem3A_646 = vector.broadcast %select_n3A_645 : i32 to vector<16xi32>
      %rem3A_647 = arith.remsi %add3A_640, %rem3A_646 : vector<16xi32>
      %ne3A_648 = arith.constant 0 : i32
      %ne3A_649 = vector.broadcast %ne3A_648 : i32 to vector<16xi32>
      %ne3A_650 = arith.cmpi ne, %rem3A_647, %ne3A_649 : vector<16xi32>
      %lt3A_651 = arith.constant 0 : i32
      %lt3A_652 = vector.broadcast %lt3A_651 : i32 to vector<16xi32>
      %lt3A_653 = arith.cmpi slt, %rem3A_647, %lt3A_652 : vector<16xi32>
      %lt3A_654 = arith.constant 0 : i32
      %lt3A_655 = arith.cmpi slt, %select_n3A_645, %lt3A_654 : i32
      %ne3A_656 = vector.broadcast %lt3A_655 : i1 to vector<16xi1>
      %ne3A_657 = vector.broadcast %ne3A_656 : vector<16xi1> to vector<16xi1>
      %ne3A_658 = arith.xori %lt3A_653, %ne3A_657 : vector<16xi1>
      %and3A_659 = arith.andi %ne3A_658, %ne3A_650 : vector<16xi1>
      %add3A_660 = vector.broadcast %select_n3A_645 : i32 to vector<16xi32>
      %add3A_661 = arith.addi %rem3A_647, %add3A_660 : vector<16xi32>
      %select_n3A_662 = arith.select %and3A_659, %add3A_661, %rem3A_647 : vector<16xi1>, vector<16xi32>
      %broadcast_in_dim3A_663 = vector.shape_cast %select_n3A_662 : vector<16xi32> to vector<16x1xi32>
      %gather3A_664 = vector.shape_cast %broadcast_in_dim3A_663 : vector<16x1xi32> to vector<16xi32>
      %gather3A_665 = tpu.dynamic_gather %scan3A_189#3[%gather3A_664] in [0] : vector<16xf32>, vector<16xi32> -> vector<16xf32>
      %min3A_666 = arith.minimumf %scan3A_189#3, %gather3A_665 : vector<16xf32>
      %iota3A_667 = tpu.iota {dimensions = array<i32: 0>} : vector<16xi32>
      %add3A_668 = arith.constant 4 : i32
      %add3A_669 = vector.broadcast %add3A_668 : i32 to vector<16xi32>
      %add3A_670 = arith.addi %iota3A_667, %add3A_669 : vector<16xi32>
      %jit3A_671 = arith.constant 16 : i32
      %eq3A_672 = arith.constant 0 : i32
      %eq3A_673 = arith.cmpi eq, %jit3A_671, %eq3A_672 : i32
      %jit3A_674 = arith.constant 1 : i32
      %select_n3A_675 = arith.select %eq3A_673, %jit3A_674, %jit3A_671 : i32
      %rem3A_676 = vector.broadcast %select_n3A_675 : i32 to vector<16xi32>
      %rem3A_677 = arith.remsi %add3A_670, %rem3A_676 : vector<16xi32>
      %ne3A_678 = arith.constant 0 : i32
      %ne3A_679 = vector.broadcast %ne3A_678 : i32 to vector<16xi32>
      %ne3A_680 = arith.cmpi ne, %rem3A_677, %ne3A_679 : vector<16xi32>
      %lt3A_681 = arith.constant 0 : i32
      %lt3A_682 = vector.broadcast %lt3A_681 : i32 to vector<16xi32>
      %lt3A_683 = arith.cmpi slt, %rem3A_677, %lt3A_682 : vector<16xi32>
      %lt3A_684 = arith.constant 0 : i32
      %lt3A_685 = arith.cmpi slt, %select_n3A_675, %lt3A_684 : i32
      %ne3A_686 = vector.broadcast %lt3A_685 : i1 to vector<16xi1>
      %ne3A_687 = vector.broadcast %ne3A_686 : vector<16xi1> to vector<16xi1>
      %ne3A_688 = arith.xori %lt3A_683, %ne3A_687 : vector<16xi1>
      %and3A_689 = arith.andi %ne3A_688, %ne3A_680 : vector<16xi1>
      %add3A_690 = vector.broadcast %select_n3A_675 : i32 to vector<16xi32>
      %add3A_691 = arith.addi %rem3A_677, %add3A_690 : vector<16xi32>
      %select_n3A_692 = arith.select %and3A_689, %add3A_691, %rem3A_677 : vector<16xi1>, vector<16xi32>
      %broadcast_in_dim3A_693 = vector.shape_cast %select_n3A_692 : vector<16xi32> to vector<16x1xi32>
      %gather3A_694 = vector.shape_cast %broadcast_in_dim3A_693 : vector<16x1xi32> to vector<16xi32>
      %gather3A_695 = tpu.dynamic_gather %min3A_666[%gather3A_694] in [0] : vector<16xf32>, vector<16xi32> -> vector<16xf32>
      %min3A_696 = arith.minimumf %min3A_666, %gather3A_695 : vector<16xf32>
      %iota3A_697 = tpu.iota {dimensions = array<i32: 0>} : vector<16xi32>
      %add3A_698 = arith.constant 2 : i32
      %add3A_699 = vector.broadcast %add3A_698 : i32 to vector<16xi32>
      %add3A_700 = arith.addi %iota3A_697, %add3A_699 : vector<16xi32>
      %jit3A_701 = arith.constant 16 : i32
      %eq3A_702 = arith.constant 0 : i32
      %eq3A_703 = arith.cmpi eq, %jit3A_701, %eq3A_702 : i32
      %jit3A_704 = arith.constant 1 : i32
      %select_n3A_705 = arith.select %eq3A_703, %jit3A_704, %jit3A_701 : i32
      %rem3A_706 = vector.broadcast %select_n3A_705 : i32 to vector<16xi32>
      %rem3A_707 = arith.remsi %add3A_700, %rem3A_706 : vector<16xi32>
      %ne3A_708 = arith.constant 0 : i32
      %ne3A_709 = vector.broadcast %ne3A_708 : i32 to vector<16xi32>
      %ne3A_710 = arith.cmpi ne, %rem3A_707, %ne3A_709 : vector<16xi32>
      %lt3A_711 = arith.constant 0 : i32
      %lt3A_712 = vector.broadcast %lt3A_711 : i32 to vector<16xi32>
      %lt3A_713 = arith.cmpi slt, %rem3A_707, %lt3A_712 : vector<16xi32>
      %lt3A_714 = arith.constant 0 : i32
      %lt3A_715 = arith.cmpi slt, %select_n3A_705, %lt3A_714 : i32
      %ne3A_716 = vector.broadcast %lt3A_715 : i1 to vector<16xi1>
      %ne3A_717 = vector.broadcast %ne3A_716 : vector<16xi1> to vector<16xi1>
      %ne3A_718 = arith.xori %lt3A_713, %ne3A_717 : vector<16xi1>
      %and3A_719 = arith.andi %ne3A_718, %ne3A_710 : vector<16xi1>
      %add3A_720 = vector.broadcast %select_n3A_705 : i32 to vector<16xi32>
      %add3A_721 = arith.addi %rem3A_707, %add3A_720 : vector<16xi32>
      %select_n3A_722 = arith.select %and3A_719, %add3A_721, %rem3A_707 : vector<16xi1>, vector<16xi32>
      %broadcast_in_dim3A_723 = vector.shape_cast %select_n3A_722 : vector<16xi32> to vector<16x1xi32>
      %gather3A_724 = vector.shape_cast %broadcast_in_dim3A_723 : vector<16x1xi32> to vector<16xi32>
      %gather3A_725 = tpu.dynamic_gather %min3A_696[%gather3A_724] in [0] : vector<16xf32>, vector<16xi32> -> vector<16xf32>
      %min3A_726 = arith.minimumf %min3A_696, %gather3A_725 : vector<16xf32>
      %iota3A_727 = tpu.iota {dimensions = array<i32: 0>} : vector<16xi32>
      %add3A_728 = arith.constant 1 : i32
      %add3A_729 = vector.broadcast %add3A_728 : i32 to vector<16xi32>
      %add3A_730 = arith.addi %iota3A_727, %add3A_729 : vector<16xi32>
      %jit3A_731 = arith.constant 16 : i32
      %eq3A_732 = arith.constant 0 : i32
      %eq3A_733 = arith.cmpi eq, %jit3A_731, %eq3A_732 : i32
      %jit3A_734 = arith.constant 1 : i32
      %select_n3A_735 = arith.select %eq3A_733, %jit3A_734, %jit3A_731 : i32
      %rem3A_736 = vector.broadcast %select_n3A_735 : i32 to vector<16xi32>
      %rem3A_737 = arith.remsi %add3A_730, %rem3A_736 : vector<16xi32>
      %ne3A_738 = arith.constant 0 : i32
      %ne3A_739 = vector.broadcast %ne3A_738 : i32 to vector<16xi32>
      %ne3A_740 = arith.cmpi ne, %rem3A_737, %ne3A_739 : vector<16xi32>
      %lt3A_741 = arith.constant 0 : i32
      %lt3A_742 = vector.broadcast %lt3A_741 : i32 to vector<16xi32>
      %lt3A_743 = arith.cmpi slt, %rem3A_737, %lt3A_742 : vector<16xi32>
      %lt3A_744 = arith.constant 0 : i32
      %lt3A_745 = arith.cmpi slt, %select_n3A_735, %lt3A_744 : i32
      %ne3A_746 = vector.broadcast %lt3A_745 : i1 to vector<16xi1>
      %ne3A_747 = vector.broadcast %ne3A_746 : vector<16xi1> to vector<16xi1>
      %ne3A_748 = arith.xori %lt3A_743, %ne3A_747 : vector<16xi1>
      %and3A_749 = arith.andi %ne3A_748, %ne3A_740 : vector<16xi1>
      %add3A_750 = vector.broadcast %select_n3A_735 : i32 to vector<16xi32>
      %add3A_751 = arith.addi %rem3A_737, %add3A_750 : vector<16xi32>
      %select_n3A_752 = arith.select %and3A_749, %add3A_751, %rem3A_737 : vector<16xi1>, vector<16xi32>
      %broadcast_in_dim3A_753 = vector.shape_cast %select_n3A_752 : vector<16xi32> to vector<16x1xi32>
      %gather3A_754 = vector.shape_cast %broadcast_in_dim3A_753 : vector<16x1xi32> to vector<16xi32>
      %gather3A_755 = tpu.dynamic_gather %min3A_726[%gather3A_754] in [0] : vector<16xf32>, vector<16xi32> -> vector<16xf32>
      %min3A_756 = arith.minimumf %min3A_726, %gather3A_755 : vector<16xf32>
      %slice3A_757 = vector.extract_strided_slice %min3A_756 {offsets = [0], sizes = [1], strides = [1]} : vector<16xf32> to vector<1xf32>
      %squeeze3A_758 = vector.extract %slice3A_757[0] : f32 from vector<1xf32>
      %add3A_759 = arith.addf %squeeze3A_758, %add3A_636 : f32
      %slice3A_760 = vector.extract_strided_slice %get3A_66 {offsets = [3], sizes = [1], strides = [1]} : vector<16xf32> to vector<1xf32>
      %squeeze3A_761 = vector.extract %slice3A_760[0] : f32 from vector<1xf32>
      %mul3A_762 = arith.mulf %add3A_759, %squeeze3A_761 : f32
      %add3A_763 = arith.addf %add3A_619, %mul3A_762 : f32
      %slice3A_764 = vector.extract_strided_slice %get3A_48 {offsets = [4], sizes = [1], strides = [1]} : vector<16xf32> to vector<1xf32>
      %squeeze3A_765 = vector.extract %slice3A_764[0] : f32 from vector<1xf32>
      %slice3A_766 = vector.extract_strided_slice %get3A_48 {offsets = [4], sizes = [1], strides = [1]} : vector<16xf32> to vector<1xf32>
      %squeeze3A_767 = vector.extract %slice3A_766[0] : f32 from vector<1xf32>
      %mul3A_768 = arith.mulf %squeeze3A_765, %squeeze3A_767 : f32
      %slice3A_769 = vector.extract_strided_slice %get3A_51 {offsets = [4], sizes = [1], strides = [1]} : vector<16xf32> to vector<1xf32>
      %squeeze3A_770 = vector.extract %slice3A_769[0] : f32 from vector<1xf32>
      %slice3A_771 = vector.extract_strided_slice %get3A_51 {offsets = [4], sizes = [1], strides = [1]} : vector<16xf32> to vector<1xf32>
      %squeeze3A_772 = vector.extract %slice3A_771[0] : f32 from vector<1xf32>
      %mul3A_773 = arith.mulf %squeeze3A_770, %squeeze3A_772 : f32
      %add3A_774 = arith.addf %mul3A_768, %mul3A_773 : f32
      %slice3A_775 = vector.extract_strided_slice %get3A_54 {offsets = [4], sizes = [1], strides = [1]} : vector<16xf32> to vector<1xf32>
      %squeeze3A_776 = vector.extract %slice3A_775[0] : f32 from vector<1xf32>
      %slice3A_777 = vector.extract_strided_slice %get3A_54 {offsets = [4], sizes = [1], strides = [1]} : vector<16xf32> to vector<1xf32>
      %squeeze3A_778 = vector.extract %slice3A_777[0] : f32 from vector<1xf32>
      %mul3A_779 = arith.mulf %squeeze3A_776, %squeeze3A_778 : f32
      %add3A_780 = arith.addf %add3A_774, %mul3A_779 : f32
      %iota3A_781 = tpu.iota {dimensions = array<i32: 0>} : vector<16xi32>
      %add3A_782 = arith.constant 8 : i32
      %add3A_783 = vector.broadcast %add3A_782 : i32 to vector<16xi32>
      %add3A_784 = arith.addi %iota3A_781, %add3A_783 : vector<16xi32>
      %jit3A_785 = arith.constant 16 : i32
      %eq3A_786 = arith.constant 0 : i32
      %eq3A_787 = arith.cmpi eq, %jit3A_785, %eq3A_786 : i32
      %jit3A_788 = arith.constant 1 : i32
      %select_n3A_789 = arith.select %eq3A_787, %jit3A_788, %jit3A_785 : i32
      %rem3A_790 = vector.broadcast %select_n3A_789 : i32 to vector<16xi32>
      %rem3A_791 = arith.remsi %add3A_784, %rem3A_790 : vector<16xi32>
      %ne3A_792 = arith.constant 0 : i32
      %ne3A_793 = vector.broadcast %ne3A_792 : i32 to vector<16xi32>
      %ne3A_794 = arith.cmpi ne, %rem3A_791, %ne3A_793 : vector<16xi32>
      %lt3A_795 = arith.constant 0 : i32
      %lt3A_796 = vector.broadcast %lt3A_795 : i32 to vector<16xi32>
      %lt3A_797 = arith.cmpi slt, %rem3A_791, %lt3A_796 : vector<16xi32>
      %lt3A_798 = arith.constant 0 : i32
      %lt3A_799 = arith.cmpi slt, %select_n3A_789, %lt3A_798 : i32
      %ne3A_800 = vector.broadcast %lt3A_799 : i1 to vector<16xi1>
      %ne3A_801 = vector.broadcast %ne3A_800 : vector<16xi1> to vector<16xi1>
      %ne3A_802 = arith.xori %lt3A_797, %ne3A_801 : vector<16xi1>
      %and3A_803 = arith.andi %ne3A_802, %ne3A_794 : vector<16xi1>
      %add3A_804 = vector.broadcast %select_n3A_789 : i32 to vector<16xi32>
      %add3A_805 = arith.addi %rem3A_791, %add3A_804 : vector<16xi32>
      %select_n3A_806 = arith.select %and3A_803, %add3A_805, %rem3A_791 : vector<16xi1>, vector<16xi32>
      %broadcast_in_dim3A_807 = vector.shape_cast %select_n3A_806 : vector<16xi32> to vector<16x1xi32>
      %gather3A_808 = vector.shape_cast %broadcast_in_dim3A_807 : vector<16x1xi32> to vector<16xi32>
      %gather3A_809 = tpu.dynamic_gather %scan3A_189#4[%gather3A_808] in [0] : vector<16xf32>, vector<16xi32> -> vector<16xf32>
      %min3A_810 = arith.minimumf %scan3A_189#4, %gather3A_809 : vector<16xf32>
      %iota3A_811 = tpu.iota {dimensions = array<i32: 0>} : vector<16xi32>
      %add3A_812 = arith.constant 4 : i32
      %add3A_813 = vector.broadcast %add3A_812 : i32 to vector<16xi32>
      %add3A_814 = arith.addi %iota3A_811, %add3A_813 : vector<16xi32>
      %jit3A_815 = arith.constant 16 : i32
      %eq3A_816 = arith.constant 0 : i32
      %eq3A_817 = arith.cmpi eq, %jit3A_815, %eq3A_816 : i32
      %jit3A_818 = arith.constant 1 : i32
      %select_n3A_819 = arith.select %eq3A_817, %jit3A_818, %jit3A_815 : i32
      %rem3A_820 = vector.broadcast %select_n3A_819 : i32 to vector<16xi32>
      %rem3A_821 = arith.remsi %add3A_814, %rem3A_820 : vector<16xi32>
      %ne3A_822 = arith.constant 0 : i32
      %ne3A_823 = vector.broadcast %ne3A_822 : i32 to vector<16xi32>
      %ne3A_824 = arith.cmpi ne, %rem3A_821, %ne3A_823 : vector<16xi32>
      %lt3A_825 = arith.constant 0 : i32
      %lt3A_826 = vector.broadcast %lt3A_825 : i32 to vector<16xi32>
      %lt3A_827 = arith.cmpi slt, %rem3A_821, %lt3A_826 : vector<16xi32>
      %lt3A_828 = arith.constant 0 : i32
      %lt3A_829 = arith.cmpi slt, %select_n3A_819, %lt3A_828 : i32
      %ne3A_830 = vector.broadcast %lt3A_829 : i1 to vector<16xi1>
      %ne3A_831 = vector.broadcast %ne3A_830 : vector<16xi1> to vector<16xi1>
      %ne3A_832 = arith.xori %lt3A_827, %ne3A_831 : vector<16xi1>
      %and3A_833 = arith.andi %ne3A_832, %ne3A_824 : vector<16xi1>
      %add3A_834 = vector.broadcast %select_n3A_819 : i32 to vector<16xi32>
      %add3A_835 = arith.addi %rem3A_821, %add3A_834 : vector<16xi32>
      %select_n3A_836 = arith.select %and3A_833, %add3A_835, %rem3A_821 : vector<16xi1>, vector<16xi32>
      %broadcast_in_dim3A_837 = vector.shape_cast %select_n3A_836 : vector<16xi32> to vector<16x1xi32>
      %gather3A_838 = vector.shape_cast %broadcast_in_dim3A_837 : vector<16x1xi32> to vector<16xi32>
      %gather3A_839 = tpu.dynamic_gather %min3A_810[%gather3A_838] in [0] : vector<16xf32>, vector<16xi32> -> vector<16xf32>
      %min3A_840 = arith.minimumf %min3A_810, %gather3A_839 : vector<16xf32>
      %iota3A_841 = tpu.iota {dimensions = array<i32: 0>} : vector<16xi32>
      %add3A_842 = arith.constant 2 : i32
      %add3A_843 = vector.broadcast %add3A_842 : i32 to vector<16xi32>
      %add3A_844 = arith.addi %iota3A_841, %add3A_843 : vector<16xi32>
      %jit3A_845 = arith.constant 16 : i32
      %eq3A_846 = arith.constant 0 : i32
      %eq3A_847 = arith.cmpi eq, %jit3A_845, %eq3A_846 : i32
      %jit3A_848 = arith.constant 1 : i32
      %select_n3A_849 = arith.select %eq3A_847, %jit3A_848, %jit3A_845 : i32
      %rem3A_850 = vector.broadcast %select_n3A_849 : i32 to vector<16xi32>
      %rem3A_851 = arith.remsi %add3A_844, %rem3A_850 : vector<16xi32>
      %ne3A_852 = arith.constant 0 : i32
      %ne3A_853 = vector.broadcast %ne3A_852 : i32 to vector<16xi32>
      %ne3A_854 = arith.cmpi ne, %rem3A_851, %ne3A_853 : vector<16xi32>
      %lt3A_855 = arith.constant 0 : i32
      %lt3A_856 = vector.broadcast %lt3A_855 : i32 to vector<16xi32>
      %lt3A_857 = arith.cmpi slt, %rem3A_851, %lt3A_856 : vector<16xi32>
      %lt3A_858 = arith.constant 0 : i32
      %lt3A_859 = arith.cmpi slt, %select_n3A_849, %lt3A_858 : i32
      %ne3A_860 = vector.broadcast %lt3A_859 : i1 to vector<16xi1>
      %ne3A_861 = vector.broadcast %ne3A_860 : vector<16xi1> to vector<16xi1>
      %ne3A_862 = arith.xori %lt3A_857, %ne3A_861 : vector<16xi1>
      %and3A_863 = arith.andi %ne3A_862, %ne3A_854 : vector<16xi1>
      %add3A_864 = vector.broadcast %select_n3A_849 : i32 to vector<16xi32>
      %add3A_865 = arith.addi %rem3A_851, %add3A_864 : vector<16xi32>
      %select_n3A_866 = arith.select %and3A_863, %add3A_865, %rem3A_851 : vector<16xi1>, vector<16xi32>
      %broadcast_in_dim3A_867 = vector.shape_cast %select_n3A_866 : vector<16xi32> to vector<16x1xi32>
      %gather3A_868 = vector.shape_cast %broadcast_in_dim3A_867 : vector<16x1xi32> to vector<16xi32>
      %gather3A_869 = tpu.dynamic_gather %min3A_840[%gather3A_868] in [0] : vector<16xf32>, vector<16xi32> -> vector<16xf32>
      %min3A_870 = arith.minimumf %min3A_840, %gather3A_869 : vector<16xf32>
      %iota3A_871 = tpu.iota {dimensions = array<i32: 0>} : vector<16xi32>
      %add3A_872 = arith.constant 1 : i32
      %add3A_873 = vector.broadcast %add3A_872 : i32 to vector<16xi32>
      %add3A_874 = arith.addi %iota3A_871, %add3A_873 : vector<16xi32>
      %jit3A_875 = arith.constant 16 : i32
      %eq3A_876 = arith.constant 0 : i32
      %eq3A_877 = arith.cmpi eq, %jit3A_875, %eq3A_876 : i32
      %jit3A_878 = arith.constant 1 : i32
      %select_n3A_879 = arith.select %eq3A_877, %jit3A_878, %jit3A_875 : i32
      %rem3A_880 = vector.broadcast %select_n3A_879 : i32 to vector<16xi32>
      %rem3A_881 = arith.remsi %add3A_874, %rem3A_880 : vector<16xi32>
      %ne3A_882 = arith.constant 0 : i32
      %ne3A_883 = vector.broadcast %ne3A_882 : i32 to vector<16xi32>
      %ne3A_884 = arith.cmpi ne, %rem3A_881, %ne3A_883 : vector<16xi32>
      %lt3A_885 = arith.constant 0 : i32
      %lt3A_886 = vector.broadcast %lt3A_885 : i32 to vector<16xi32>
      %lt3A_887 = arith.cmpi slt, %rem3A_881, %lt3A_886 : vector<16xi32>
      %lt3A_888 = arith.constant 0 : i32
      %lt3A_889 = arith.cmpi slt, %select_n3A_879, %lt3A_888 : i32
      %ne3A_890 = vector.broadcast %lt3A_889 : i1 to vector<16xi1>
      %ne3A_891 = vector.broadcast %ne3A_890 : vector<16xi1> to vector<16xi1>
      %ne3A_892 = arith.xori %lt3A_887, %ne3A_891 : vector<16xi1>
      %and3A_893 = arith.andi %ne3A_892, %ne3A_884 : vector<16xi1>
      %add3A_894 = vector.broadcast %select_n3A_879 : i32 to vector<16xi32>
      %add3A_895 = arith.addi %rem3A_881, %add3A_894 : vector<16xi32>
      %select_n3A_896 = arith.select %and3A_893, %add3A_895, %rem3A_881 : vector<16xi1>, vector<16xi32>
      %broadcast_in_dim3A_897 = vector.shape_cast %select_n3A_896 : vector<16xi32> to vector<16x1xi32>
      %gather3A_898 = vector.shape_cast %broadcast_in_dim3A_897 : vector<16x1xi32> to vector<16xi32>
      %gather3A_899 = tpu.dynamic_gather %min3A_870[%gather3A_898] in [0] : vector<16xf32>, vector<16xi32> -> vector<16xf32>
      %min3A_900 = arith.minimumf %min3A_870, %gather3A_899 : vector<16xf32>
      %slice3A_901 = vector.extract_strided_slice %min3A_900 {offsets = [0], sizes = [1], strides = [1]} : vector<16xf32> to vector<1xf32>
      %squeeze3A_902 = vector.extract %slice3A_901[0] : f32 from vector<1xf32>
      %add3A_903 = arith.addf %squeeze3A_902, %add3A_780 : f32
      %slice3A_904 = vector.extract_strided_slice %get3A_66 {offsets = [4], sizes = [1], strides = [1]} : vector<16xf32> to vector<1xf32>
      %squeeze3A_905 = vector.extract %slice3A_904[0] : f32 from vector<1xf32>
      %mul3A_906 = arith.mulf %add3A_903, %squeeze3A_905 : f32
      %add3A_907 = arith.addf %add3A_763, %mul3A_906 : f32
      %slice3A_908 = vector.extract_strided_slice %get3A_48 {offsets = [5], sizes = [1], strides = [1]} : vector<16xf32> to vector<1xf32>
      %squeeze3A_909 = vector.extract %slice3A_908[0] : f32 from vector<1xf32>
      %slice3A_910 = vector.extract_strided_slice %get3A_48 {offsets = [5], sizes = [1], strides = [1]} : vector<16xf32> to vector<1xf32>
      %squeeze3A_911 = vector.extract %slice3A_910[0] : f32 from vector<1xf32>
      %mul3A_912 = arith.mulf %squeeze3A_909, %squeeze3A_911 : f32
      %slice3A_913 = vector.extract_strided_slice %get3A_51 {offsets = [5], sizes = [1], strides = [1]} : vector<16xf32> to vector<1xf32>
      %squeeze3A_914 = vector.extract %slice3A_913[0] : f32 from vector<1xf32>
      %slice3A_915 = vector.extract_strided_slice %get3A_51 {offsets = [5], sizes = [1], strides = [1]} : vector<16xf32> to vector<1xf32>
      %squeeze3A_916 = vector.extract %slice3A_915[0] : f32 from vector<1xf32>
      %mul3A_917 = arith.mulf %squeeze3A_914, %squeeze3A_916 : f32
      %add3A_918 = arith.addf %mul3A_912, %mul3A_917 : f32
      %slice3A_919 = vector.extract_strided_slice %get3A_54 {offsets = [5], sizes = [1], strides = [1]} : vector<16xf32> to vector<1xf32>
      %squeeze3A_920 = vector.extract %slice3A_919[0] : f32 from vector<1xf32>
      %slice3A_921 = vector.extract_strided_slice %get3A_54 {offsets = [5], sizes = [1], strides = [1]} : vector<16xf32> to vector<1xf32>
      %squeeze3A_922 = vector.extract %slice3A_921[0] : f32 from vector<1xf32>
      %mul3A_923 = arith.mulf %squeeze3A_920, %squeeze3A_922 : f32
      %add3A_924 = arith.addf %add3A_918, %mul3A_923 : f32
      %iota3A_925 = tpu.iota {dimensions = array<i32: 0>} : vector<16xi32>
      %add3A_926 = arith.constant 8 : i32
      %add3A_927 = vector.broadcast %add3A_926 : i32 to vector<16xi32>
      %add3A_928 = arith.addi %iota3A_925, %add3A_927 : vector<16xi32>
      %jit3A_929 = arith.constant 16 : i32
      %eq3A_930 = arith.constant 0 : i32
      %eq3A_931 = arith.cmpi eq, %jit3A_929, %eq3A_930 : i32
      %jit3A_932 = arith.constant 1 : i32
      %select_n3A_933 = arith.select %eq3A_931, %jit3A_932, %jit3A_929 : i32
      %rem3A_934 = vector.broadcast %select_n3A_933 : i32 to vector<16xi32>
      %rem3A_935 = arith.remsi %add3A_928, %rem3A_934 : vector<16xi32>
      %ne3A_936 = arith.constant 0 : i32
      %ne3A_937 = vector.broadcast %ne3A_936 : i32 to vector<16xi32>
      %ne3A_938 = arith.cmpi ne, %rem3A_935, %ne3A_937 : vector<16xi32>
      %lt3A_939 = arith.constant 0 : i32
      %lt3A_940 = vector.broadcast %lt3A_939 : i32 to vector<16xi32>
      %lt3A_941 = arith.cmpi slt, %rem3A_935, %lt3A_940 : vector<16xi32>
      %lt3A_942 = arith.constant 0 : i32
      %lt3A_943 = arith.cmpi slt, %select_n3A_933, %lt3A_942 : i32
      %ne3A_944 = vector.broadcast %lt3A_943 : i1 to vector<16xi1>
      %ne3A_945 = vector.broadcast %ne3A_944 : vector<16xi1> to vector<16xi1>
      %ne3A_946 = arith.xori %lt3A_941, %ne3A_945 : vector<16xi1>
      %and3A_947 = arith.andi %ne3A_946, %ne3A_938 : vector<16xi1>
      %add3A_948 = vector.broadcast %select_n3A_933 : i32 to vector<16xi32>
      %add3A_949 = arith.addi %rem3A_935, %add3A_948 : vector<16xi32>
      %select_n3A_950 = arith.select %and3A_947, %add3A_949, %rem3A_935 : vector<16xi1>, vector<16xi32>
      %broadcast_in_dim3A_951 = vector.shape_cast %select_n3A_950 : vector<16xi32> to vector<16x1xi32>
      %gather3A_952 = vector.shape_cast %broadcast_in_dim3A_951 : vector<16x1xi32> to vector<16xi32>
      %gather3A_953 = tpu.dynamic_gather %scan3A_189#5[%gather3A_952] in [0] : vector<16xf32>, vector<16xi32> -> vector<16xf32>
      %min3A_954 = arith.minimumf %scan3A_189#5, %gather3A_953 : vector<16xf32>
      %iota3A_955 = tpu.iota {dimensions = array<i32: 0>} : vector<16xi32>
      %add3A_956 = arith.constant 4 : i32
      %add3A_957 = vector.broadcast %add3A_956 : i32 to vector<16xi32>
      %add3A_958 = arith.addi %iota3A_955, %add3A_957 : vector<16xi32>
      %jit3A_959 = arith.constant 16 : i32
      %eq3A_960 = arith.constant 0 : i32
      %eq3A_961 = arith.cmpi eq, %jit3A_959, %eq3A_960 : i32
      %jit3A_962 = arith.constant 1 : i32
      %select_n3A_963 = arith.select %eq3A_961, %jit3A_962, %jit3A_959 : i32
      %rem3A_964 = vector.broadcast %select_n3A_963 : i32 to vector<16xi32>
      %rem3A_965 = arith.remsi %add3A_958, %rem3A_964 : vector<16xi32>
      %ne3A_966 = arith.constant 0 : i32
      %ne3A_967 = vector.broadcast %ne3A_966 : i32 to vector<16xi32>
      %ne3A_968 = arith.cmpi ne, %rem3A_965, %ne3A_967 : vector<16xi32>
      %lt3A_969 = arith.constant 0 : i32
      %lt3A_970 = vector.broadcast %lt3A_969 : i32 to vector<16xi32>
      %lt3A_971 = arith.cmpi slt, %rem3A_965, %lt3A_970 : vector<16xi32>
      %lt3A_972 = arith.constant 0 : i32
      %lt3A_973 = arith.cmpi slt, %select_n3A_963, %lt3A_972 : i32
      %ne3A_974 = vector.broadcast %lt3A_973 : i1 to vector<16xi1>
      %ne3A_975 = vector.broadcast %ne3A_974 : vector<16xi1> to vector<16xi1>
      %ne3A_976 = arith.xori %lt3A_971, %ne3A_975 : vector<16xi1>
      %and3A_977 = arith.andi %ne3A_976, %ne3A_968 : vector<16xi1>
      %add3A_978 = vector.broadcast %select_n3A_963 : i32 to vector<16xi32>
      %add3A_979 = arith.addi %rem3A_965, %add3A_978 : vector<16xi32>
      %select_n3A_980 = arith.select %and3A_977, %add3A_979, %rem3A_965 : vector<16xi1>, vector<16xi32>
      %broadcast_in_dim3A_981 = vector.shape_cast %select_n3A_980 : vector<16xi32> to vector<16x1xi32>
      %gather3A_982 = vector.shape_cast %broadcast_in_dim3A_981 : vector<16x1xi32> to vector<16xi32>
      %gather3A_983 = tpu.dynamic_gather %min3A_954[%gather3A_982] in [0] : vector<16xf32>, vector<16xi32> -> vector<16xf32>
      %min3A_984 = arith.minimumf %min3A_954, %gather3A_983 : vector<16xf32>
      %iota3A_985 = tpu.iota {dimensions = array<i32: 0>} : vector<16xi32>
      %add3A_986 = arith.constant 2 : i32
      %add3A_987 = vector.broadcast %add3A_986 : i32 to vector<16xi32>
      %add3A_988 = arith.addi %iota3A_985, %add3A_987 : vector<16xi32>
      %jit3A_989 = arith.constant 16 : i32
      %eq3A_990 = arith.constant 0 : i32
      %eq3A_991 = arith.cmpi eq, %jit3A_989, %eq3A_990 : i32
      %jit3A_992 = arith.constant 1 : i32
      %select_n3A_993 = arith.select %eq3A_991, %jit3A_992, %jit3A_989 : i32
      %rem3A_994 = vector.broadcast %select_n3A_993 : i32 to vector<16xi32>
      %rem3A_995 = arith.remsi %add3A_988, %rem3A_994 : vector<16xi32>
      %ne3A_996 = arith.constant 0 : i32
      %ne3A_997 = vector.broadcast %ne3A_996 : i32 to vector<16xi32>
      %ne3A_998 = arith.cmpi ne, %rem3A_995, %ne3A_997 : vector<16xi32>
      %lt3A_999 = arith.constant 0 : i32
      %lt3A_1000 = vector.broadcast %lt3A_999 : i32 to vector<16xi32>
      %lt3A_1001 = arith.cmpi slt, %rem3A_995, %lt3A_1000 : vector<16xi32>
      %lt3A_1002 = arith.constant 0 : i32
      %lt3A_1003 = arith.cmpi slt, %select_n3A_993, %lt3A_1002 : i32
      %ne3A_1004 = vector.broadcast %lt3A_1003 : i1 to vector<16xi1>
      %ne3A_1005 = vector.broadcast %ne3A_1004 : vector<16xi1> to vector<16xi1>
      %ne3A_1006 = arith.xori %lt3A_1001, %ne3A_1005 : vector<16xi1>
      %and3A_1007 = arith.andi %ne3A_1006, %ne3A_998 : vector<16xi1>
      %add3A_1008 = vector.broadcast %select_n3A_993 : i32 to vector<16xi32>
      %add3A_1009 = arith.addi %rem3A_995, %add3A_1008 : vector<16xi32>
      %select_n3A_1010 = arith.select %and3A_1007, %add3A_1009, %rem3A_995 : vector<16xi1>, vector<16xi32>
      %broadcast_in_dim3A_1011 = vector.shape_cast %select_n3A_1010 : vector<16xi32> to vector<16x1xi32>
      %gather3A_1012 = vector.shape_cast %broadcast_in_dim3A_1011 : vector<16x1xi32> to vector<16xi32>
      %gather3A_1013 = tpu.dynamic_gather %min3A_984[%gather3A_1012] in [0] : vector<16xf32>, vector<16xi32> -> vector<16xf32>
      %min3A_1014 = arith.minimumf %min3A_984, %gather3A_1013 : vector<16xf32>
      %iota3A_1015 = tpu.iota {dimensions = array<i32: 0>} : vector<16xi32>
      %add3A_1016 = arith.constant 1 : i32
      %add3A_1017 = vector.broadcast %add3A_1016 : i32 to vector<16xi32>
      %add3A_1018 = arith.addi %iota3A_1015, %add3A_1017 : vector<16xi32>
      %jit3A_1019 = arith.constant 16 : i32
      %eq3A_1020 = arith.constant 0 : i32
      %eq3A_1021 = arith.cmpi eq, %jit3A_1019, %eq3A_1020 : i32
      %jit3A_1022 = arith.constant 1 : i32
      %select_n3A_1023 = arith.select %eq3A_1021, %jit3A_1022, %jit3A_1019 : i32
      %rem3A_1024 = vector.broadcast %select_n3A_1023 : i32 to vector<16xi32>
      %rem3A_1025 = arith.remsi %add3A_1018, %rem3A_1024 : vector<16xi32>
      %ne3A_1026 = arith.constant 0 : i32
      %ne3A_1027 = vector.broadcast %ne3A_1026 : i32 to vector<16xi32>
      %ne3A_1028 = arith.cmpi ne, %rem3A_1025, %ne3A_1027 : vector<16xi32>
      %lt3A_1029 = arith.constant 0 : i32
      %lt3A_1030 = vector.broadcast %lt3A_1029 : i32 to vector<16xi32>
      %lt3A_1031 = arith.cmpi slt, %rem3A_1025, %lt3A_1030 : vector<16xi32>
      %lt3A_1032 = arith.constant 0 : i32
      %lt3A_1033 = arith.cmpi slt, %select_n3A_1023, %lt3A_1032 : i32
      %ne3A_1034 = vector.broadcast %lt3A_1033 : i1 to vector<16xi1>
      %ne3A_1035 = vector.broadcast %ne3A_1034 : vector<16xi1> to vector<16xi1>
      %ne3A_1036 = arith.xori %lt3A_1031, %ne3A_1035 : vector<16xi1>
      %and3A_1037 = arith.andi %ne3A_1036, %ne3A_1028 : vector<16xi1>
      %add3A_1038 = vector.broadcast %select_n3A_1023 : i32 to vector<16xi32>
      %add3A_1039 = arith.addi %rem3A_1025, %add3A_1038 : vector<16xi32>
      %select_n3A_1040 = arith.select %and3A_1037, %add3A_1039, %rem3A_1025 : vector<16xi1>, vector<16xi32>
      %broadcast_in_dim3A_1041 = vector.shape_cast %select_n3A_1040 : vector<16xi32> to vector<16x1xi32>
      %gather3A_1042 = vector.shape_cast %broadcast_in_dim3A_1041 : vector<16x1xi32> to vector<16xi32>
      %gather3A_1043 = tpu.dynamic_gather %min3A_1014[%gather3A_1042] in [0] : vector<16xf32>, vector<16xi32> -> vector<16xf32>
      %min3A_1044 = arith.minimumf %min3A_1014, %gather3A_1043 : vector<16xf32>
      %slice3A_1045 = vector.extract_strided_slice %min3A_1044 {offsets = [0], sizes = [1], strides = [1]} : vector<16xf32> to vector<1xf32>
      %squeeze3A_1046 = vector.extract %slice3A_1045[0] : f32 from vector<1xf32>
      %add3A_1047 = arith.addf %squeeze3A_1046, %add3A_924 : f32
      %slice3A_1048 = vector.extract_strided_slice %get3A_66 {offsets = [5], sizes = [1], strides = [1]} : vector<16xf32> to vector<1xf32>
      %squeeze3A_1049 = vector.extract %slice3A_1048[0] : f32 from vector<1xf32>
      %mul3A_1050 = arith.mulf %add3A_1047, %squeeze3A_1049 : f32
      %add3A_1051 = arith.addf %add3A_907, %mul3A_1050 : f32
      %slice3A_1052 = vector.extract_strided_slice %get3A_48 {offsets = [6], sizes = [1], strides = [1]} : vector<16xf32> to vector<1xf32>
      %squeeze3A_1053 = vector.extract %slice3A_1052[0] : f32 from vector<1xf32>
      %slice3A_1054 = vector.extract_strided_slice %get3A_48 {offsets = [6], sizes = [1], strides = [1]} : vector<16xf32> to vector<1xf32>
      %squeeze3A_1055 = vector.extract %slice3A_1054[0] : f32 from vector<1xf32>
      %mul3A_1056 = arith.mulf %squeeze3A_1053, %squeeze3A_1055 : f32
      %slice3A_1057 = vector.extract_strided_slice %get3A_51 {offsets = [6], sizes = [1], strides = [1]} : vector<16xf32> to vector<1xf32>
      %squeeze3A_1058 = vector.extract %slice3A_1057[0] : f32 from vector<1xf32>
      %slice3A_1059 = vector.extract_strided_slice %get3A_51 {offsets = [6], sizes = [1], strides = [1]} : vector<16xf32> to vector<1xf32>
      %squeeze3A_1060 = vector.extract %slice3A_1059[0] : f32 from vector<1xf32>
      %mul3A_1061 = arith.mulf %squeeze3A_1058, %squeeze3A_1060 : f32
      %add3A_1062 = arith.addf %mul3A_1056, %mul3A_1061 : f32
      %slice3A_1063 = vector.extract_strided_slice %get3A_54 {offsets = [6], sizes = [1], strides = [1]} : vector<16xf32> to vector<1xf32>
      %squeeze3A_1064 = vector.extract %slice3A_1063[0] : f32 from vector<1xf32>
      %slice3A_1065 = vector.extract_strided_slice %get3A_54 {offsets = [6], sizes = [1], strides = [1]} : vector<16xf32> to vector<1xf32>
      %squeeze3A_1066 = vector.extract %slice3A_1065[0] : f32 from vector<1xf32>
      %mul3A_1067 = arith.mulf %squeeze3A_1064, %squeeze3A_1066 : f32
      %add3A_1068 = arith.addf %add3A_1062, %mul3A_1067 : f32
      %iota3A_1069 = tpu.iota {dimensions = array<i32: 0>} : vector<16xi32>
      %add3A_1070 = arith.constant 8 : i32
      %add3A_1071 = vector.broadcast %add3A_1070 : i32 to vector<16xi32>
      %add3A_1072 = arith.addi %iota3A_1069, %add3A_1071 : vector<16xi32>
      %jit3A_1073 = arith.constant 16 : i32
      %eq3A_1074 = arith.constant 0 : i32
      %eq3A_1075 = arith.cmpi eq, %jit3A_1073, %eq3A_1074 : i32
      %jit3A_1076 = arith.constant 1 : i32
      %select_n3A_1077 = arith.select %eq3A_1075, %jit3A_1076, %jit3A_1073 : i32
      %rem3A_1078 = vector.broadcast %select_n3A_1077 : i32 to vector<16xi32>
      %rem3A_1079 = arith.remsi %add3A_1072, %rem3A_1078 : vector<16xi32>
      %ne3A_1080 = arith.constant 0 : i32
      %ne3A_1081 = vector.broadcast %ne3A_1080 : i32 to vector<16xi32>
      %ne3A_1082 = arith.cmpi ne, %rem3A_1079, %ne3A_1081 : vector<16xi32>
      %lt3A_1083 = arith.constant 0 : i32
      %lt3A_1084 = vector.broadcast %lt3A_1083 : i32 to vector<16xi32>
      %lt3A_1085 = arith.cmpi slt, %rem3A_1079, %lt3A_1084 : vector<16xi32>
      %lt3A_1086 = arith.constant 0 : i32
      %lt3A_1087 = arith.cmpi slt, %select_n3A_1077, %lt3A_1086 : i32
      %ne3A_1088 = vector.broadcast %lt3A_1087 : i1 to vector<16xi1>
      %ne3A_1089 = vector.broadcast %ne3A_1088 : vector<16xi1> to vector<16xi1>
      %ne3A_1090 = arith.xori %lt3A_1085, %ne3A_1089 : vector<16xi1>
      %and3A_1091 = arith.andi %ne3A_1090, %ne3A_1082 : vector<16xi1>
      %add3A_1092 = vector.broadcast %select_n3A_1077 : i32 to vector<16xi32>
      %add3A_1093 = arith.addi %rem3A_1079, %add3A_1092 : vector<16xi32>
      %select_n3A_1094 = arith.select %and3A_1091, %add3A_1093, %rem3A_1079 : vector<16xi1>, vector<16xi32>
      %broadcast_in_dim3A_1095 = vector.shape_cast %select_n3A_1094 : vector<16xi32> to vector<16x1xi32>
      %gather3A_1096 = vector.shape_cast %broadcast_in_dim3A_1095 : vector<16x1xi32> to vector<16xi32>
      %gather3A_1097 = tpu.dynamic_gather %scan3A_189#6[%gather3A_1096] in [0] : vector<16xf32>, vector<16xi32> -> vector<16xf32>
      %min3A_1098 = arith.minimumf %scan3A_189#6, %gather3A_1097 : vector<16xf32>
      %iota3A_1099 = tpu.iota {dimensions = array<i32: 0>} : vector<16xi32>
      %add3A_1100 = arith.constant 4 : i32
      %add3A_1101 = vector.broadcast %add3A_1100 : i32 to vector<16xi32>
      %add3A_1102 = arith.addi %iota3A_1099, %add3A_1101 : vector<16xi32>
      %jit3A_1103 = arith.constant 16 : i32
      %eq3A_1104 = arith.constant 0 : i32
      %eq3A_1105 = arith.cmpi eq, %jit3A_1103, %eq3A_1104 : i32
      %jit3A_1106 = arith.constant 1 : i32
      %select_n3A_1107 = arith.select %eq3A_1105, %jit3A_1106, %jit3A_1103 : i32
      %rem3A_1108 = vector.broadcast %select_n3A_1107 : i32 to vector<16xi32>
      %rem3A_1109 = arith.remsi %add3A_1102, %rem3A_1108 : vector<16xi32>
      %ne3A_1110 = arith.constant 0 : i32
      %ne3A_1111 = vector.broadcast %ne3A_1110 : i32 to vector<16xi32>
      %ne3A_1112 = arith.cmpi ne, %rem3A_1109, %ne3A_1111 : vector<16xi32>
      %lt3A_1113 = arith.constant 0 : i32
      %lt3A_1114 = vector.broadcast %lt3A_1113 : i32 to vector<16xi32>
      %lt3A_1115 = arith.cmpi slt, %rem3A_1109, %lt3A_1114 : vector<16xi32>
      %lt3A_1116 = arith.constant 0 : i32
      %lt3A_1117 = arith.cmpi slt, %select_n3A_1107, %lt3A_1116 : i32
      %ne3A_1118 = vector.broadcast %lt3A_1117 : i1 to vector<16xi1>
      %ne3A_1119 = vector.broadcast %ne3A_1118 : vector<16xi1> to vector<16xi1>
      %ne3A_1120 = arith.xori %lt3A_1115, %ne3A_1119 : vector<16xi1>
      %and3A_1121 = arith.andi %ne3A_1120, %ne3A_1112 : vector<16xi1>
      %add3A_1122 = vector.broadcast %select_n3A_1107 : i32 to vector<16xi32>
      %add3A_1123 = arith.addi %rem3A_1109, %add3A_1122 : vector<16xi32>
      %select_n3A_1124 = arith.select %and3A_1121, %add3A_1123, %rem3A_1109 : vector<16xi1>, vector<16xi32>
      %broadcast_in_dim3A_1125 = vector.shape_cast %select_n3A_1124 : vector<16xi32> to vector<16x1xi32>
      %gather3A_1126 = vector.shape_cast %broadcast_in_dim3A_1125 : vector<16x1xi32> to vector<16xi32>
      %gather3A_1127 = tpu.dynamic_gather %min3A_1098[%gather3A_1126] in [0] : vector<16xf32>, vector<16xi32> -> vector<16xf32>
      %min3A_1128 = arith.minimumf %min3A_1098, %gather3A_1127 : vector<16xf32>
      %iota3A_1129 = tpu.iota {dimensions = array<i32: 0>} : vector<16xi32>
      %add3A_1130 = arith.constant 2 : i32
      %add3A_1131 = vector.broadcast %add3A_1130 : i32 to vector<16xi32>
      %add3A_1132 = arith.addi %iota3A_1129, %add3A_1131 : vector<16xi32>
      %jit3A_1133 = arith.constant 16 : i32
      %eq3A_1134 = arith.constant 0 : i32
      %eq3A_1135 = arith.cmpi eq, %jit3A_1133, %eq3A_1134 : i32
      %jit3A_1136 = arith.constant 1 : i32
      %select_n3A_1137 = arith.select %eq3A_1135, %jit3A_1136, %jit3A_1133 : i32
      %rem3A_1138 = vector.broadcast %select_n3A_1137 : i32 to vector<16xi32>
      %rem3A_1139 = arith.remsi %add3A_1132, %rem3A_1138 : vector<16xi32>
      %ne3A_1140 = arith.constant 0 : i32
      %ne3A_1141 = vector.broadcast %ne3A_1140 : i32 to vector<16xi32>
      %ne3A_1142 = arith.cmpi ne, %rem3A_1139, %ne3A_1141 : vector<16xi32>
      %lt3A_1143 = arith.constant 0 : i32
      %lt3A_1144 = vector.broadcast %lt3A_1143 : i32 to vector<16xi32>
      %lt3A_1145 = arith.cmpi slt, %rem3A_1139, %lt3A_1144 : vector<16xi32>
      %lt3A_1146 = arith.constant 0 : i32
      %lt3A_1147 = arith.cmpi slt, %select_n3A_1137, %lt3A_1146 : i32
      %ne3A_1148 = vector.broadcast %lt3A_1147 : i1 to vector<16xi1>
      %ne3A_1149 = vector.broadcast %ne3A_1148 : vector<16xi1> to vector<16xi1>
      %ne3A_1150 = arith.xori %lt3A_1145, %ne3A_1149 : vector<16xi1>
      %and3A_1151 = arith.andi %ne3A_1150, %ne3A_1142 : vector<16xi1>
      %add3A_1152 = vector.broadcast %select_n3A_1137 : i32 to vector<16xi32>
      %add3A_1153 = arith.addi %rem3A_1139, %add3A_1152 : vector<16xi32>
      %select_n3A_1154 = arith.select %and3A_1151, %add3A_1153, %rem3A_1139 : vector<16xi1>, vector<16xi32>
      %broadcast_in_dim3A_1155 = vector.shape_cast %select_n3A_1154 : vector<16xi32> to vector<16x1xi32>
      %gather3A_1156 = vector.shape_cast %broadcast_in_dim3A_1155 : vector<16x1xi32> to vector<16xi32>
      %gather3A_1157 = tpu.dynamic_gather %min3A_1128[%gather3A_1156] in [0] : vector<16xf32>, vector<16xi32> -> vector<16xf32>
      %min3A_1158 = arith.minimumf %min3A_1128, %gather3A_1157 : vector<16xf32>
      %iota3A_1159 = tpu.iota {dimensions = array<i32: 0>} : vector<16xi32>
      %add3A_1160 = arith.constant 1 : i32
      %add3A_1161 = vector.broadcast %add3A_1160 : i32 to vector<16xi32>
      %add3A_1162 = arith.addi %iota3A_1159, %add3A_1161 : vector<16xi32>
      %jit3A_1163 = arith.constant 16 : i32
      %eq3A_1164 = arith.constant 0 : i32
      %eq3A_1165 = arith.cmpi eq, %jit3A_1163, %eq3A_1164 : i32
      %jit3A_1166 = arith.constant 1 : i32
      %select_n3A_1167 = arith.select %eq3A_1165, %jit3A_1166, %jit3A_1163 : i32
      %rem3A_1168 = vector.broadcast %select_n3A_1167 : i32 to vector<16xi32>
      %rem3A_1169 = arith.remsi %add3A_1162, %rem3A_1168 : vector<16xi32>
      %ne3A_1170 = arith.constant 0 : i32
      %ne3A_1171 = vector.broadcast %ne3A_1170 : i32 to vector<16xi32>
      %ne3A_1172 = arith.cmpi ne, %rem3A_1169, %ne3A_1171 : vector<16xi32>
      %lt3A_1173 = arith.constant 0 : i32
      %lt3A_1174 = vector.broadcast %lt3A_1173 : i32 to vector<16xi32>
      %lt3A_1175 = arith.cmpi slt, %rem3A_1169, %lt3A_1174 : vector<16xi32>
      %lt3A_1176 = arith.constant 0 : i32
      %lt3A_1177 = arith.cmpi slt, %select_n3A_1167, %lt3A_1176 : i32
      %ne3A_1178 = vector.broadcast %lt3A_1177 : i1 to vector<16xi1>
      %ne3A_1179 = vector.broadcast %ne3A_1178 : vector<16xi1> to vector<16xi1>
      %ne3A_1180 = arith.xori %lt3A_1175, %ne3A_1179 : vector<16xi1>
      %and3A_1181 = arith.andi %ne3A_1180, %ne3A_1172 : vector<16xi1>
      %add3A_1182 = vector.broadcast %select_n3A_1167 : i32 to vector<16xi32>
      %add3A_1183 = arith.addi %rem3A_1169, %add3A_1182 : vector<16xi32>
      %select_n3A_1184 = arith.select %and3A_1181, %add3A_1183, %rem3A_1169 : vector<16xi1>, vector<16xi32>
      %broadcast_in_dim3A_1185 = vector.shape_cast %select_n3A_1184 : vector<16xi32> to vector<16x1xi32>
      %gather3A_1186 = vector.shape_cast %broadcast_in_dim3A_1185 : vector<16x1xi32> to vector<16xi32>
      %gather3A_1187 = tpu.dynamic_gather %min3A_1158[%gather3A_1186] in [0] : vector<16xf32>, vector<16xi32> -> vector<16xf32>
      %min3A_1188 = arith.minimumf %min3A_1158, %gather3A_1187 : vector<16xf32>
      %slice3A_1189 = vector.extract_strided_slice %min3A_1188 {offsets = [0], sizes = [1], strides = [1]} : vector<16xf32> to vector<1xf32>
      %squeeze3A_1190 = vector.extract %slice3A_1189[0] : f32 from vector<1xf32>
      %add3A_1191 = arith.addf %squeeze3A_1190, %add3A_1068 : f32
      %slice3A_1192 = vector.extract_strided_slice %get3A_66 {offsets = [6], sizes = [1], strides = [1]} : vector<16xf32> to vector<1xf32>
      %squeeze3A_1193 = vector.extract %slice3A_1192[0] : f32 from vector<1xf32>
      %mul3A_1194 = arith.mulf %add3A_1191, %squeeze3A_1193 : f32
      %add3A_1195 = arith.addf %add3A_1051, %mul3A_1194 : f32
      %slice3A_1196 = vector.extract_strided_slice %get3A_48 {offsets = [7], sizes = [1], strides = [1]} : vector<16xf32> to vector<1xf32>
      %squeeze3A_1197 = vector.extract %slice3A_1196[0] : f32 from vector<1xf32>
      %slice3A_1198 = vector.extract_strided_slice %get3A_48 {offsets = [7], sizes = [1], strides = [1]} : vector<16xf32> to vector<1xf32>
      %squeeze3A_1199 = vector.extract %slice3A_1198[0] : f32 from vector<1xf32>
      %mul3A_1200 = arith.mulf %squeeze3A_1197, %squeeze3A_1199 : f32
      %slice3A_1201 = vector.extract_strided_slice %get3A_51 {offsets = [7], sizes = [1], strides = [1]} : vector<16xf32> to vector<1xf32>
      %squeeze3A_1202 = vector.extract %slice3A_1201[0] : f32 from vector<1xf32>
      %slice3A_1203 = vector.extract_strided_slice %get3A_51 {offsets = [7], sizes = [1], strides = [1]} : vector<16xf32> to vector<1xf32>
      %squeeze3A_1204 = vector.extract %slice3A_1203[0] : f32 from vector<1xf32>
      %mul3A_1205 = arith.mulf %squeeze3A_1202, %squeeze3A_1204 : f32
      %add3A_1206 = arith.addf %mul3A_1200, %mul3A_1205 : f32
      %slice3A_1207 = vector.extract_strided_slice %get3A_54 {offsets = [7], sizes = [1], strides = [1]} : vector<16xf32> to vector<1xf32>
      %squeeze3A_1208 = vector.extract %slice3A_1207[0] : f32 from vector<1xf32>
      %slice3A_1209 = vector.extract_strided_slice %get3A_54 {offsets = [7], sizes = [1], strides = [1]} : vector<16xf32> to vector<1xf32>
      %squeeze3A_1210 = vector.extract %slice3A_1209[0] : f32 from vector<1xf32>
      %mul3A_1211 = arith.mulf %squeeze3A_1208, %squeeze3A_1210 : f32
      %add3A_1212 = arith.addf %add3A_1206, %mul3A_1211 : f32
      %iota3A_1213 = tpu.iota {dimensions = array<i32: 0>} : vector<16xi32>
      %add3A_1214 = arith.constant 8 : i32
      %add3A_1215 = vector.broadcast %add3A_1214 : i32 to vector<16xi32>
      %add3A_1216 = arith.addi %iota3A_1213, %add3A_1215 : vector<16xi32>
      %jit3A_1217 = arith.constant 16 : i32
      %eq3A_1218 = arith.constant 0 : i32
      %eq3A_1219 = arith.cmpi eq, %jit3A_1217, %eq3A_1218 : i32
      %jit3A_1220 = arith.constant 1 : i32
      %select_n3A_1221 = arith.select %eq3A_1219, %jit3A_1220, %jit3A_1217 : i32
      %rem3A_1222 = vector.broadcast %select_n3A_1221 : i32 to vector<16xi32>
      %rem3A_1223 = arith.remsi %add3A_1216, %rem3A_1222 : vector<16xi32>
      %ne3A_1224 = arith.constant 0 : i32
      %ne3A_1225 = vector.broadcast %ne3A_1224 : i32 to vector<16xi32>
      %ne3A_1226 = arith.cmpi ne, %rem3A_1223, %ne3A_1225 : vector<16xi32>
      %lt3A_1227 = arith.constant 0 : i32
      %lt3A_1228 = vector.broadcast %lt3A_1227 : i32 to vector<16xi32>
      %lt3A_1229 = arith.cmpi slt, %rem3A_1223, %lt3A_1228 : vector<16xi32>
      %lt3A_1230 = arith.constant 0 : i32
      %lt3A_1231 = arith.cmpi slt, %select_n3A_1221, %lt3A_1230 : i32
      %ne3A_1232 = vector.broadcast %lt3A_1231 : i1 to vector<16xi1>
      %ne3A_1233 = vector.broadcast %ne3A_1232 : vector<16xi1> to vector<16xi1>
      %ne3A_1234 = arith.xori %lt3A_1229, %ne3A_1233 : vector<16xi1>
      %and3A_1235 = arith.andi %ne3A_1234, %ne3A_1226 : vector<16xi1>
      %add3A_1236 = vector.broadcast %select_n3A_1221 : i32 to vector<16xi32>
      %add3A_1237 = arith.addi %rem3A_1223, %add3A_1236 : vector<16xi32>
      %select_n3A_1238 = arith.select %and3A_1235, %add3A_1237, %rem3A_1223 : vector<16xi1>, vector<16xi32>
      %broadcast_in_dim3A_1239 = vector.shape_cast %select_n3A_1238 : vector<16xi32> to vector<16x1xi32>
      %gather3A_1240 = vector.shape_cast %broadcast_in_dim3A_1239 : vector<16x1xi32> to vector<16xi32>
      %gather3A_1241 = tpu.dynamic_gather %scan3A_189#7[%gather3A_1240] in [0] : vector<16xf32>, vector<16xi32> -> vector<16xf32>
      %min3A_1242 = arith.minimumf %scan3A_189#7, %gather3A_1241 : vector<16xf32>
      %iota3A_1243 = tpu.iota {dimensions = array<i32: 0>} : vector<16xi32>
      %add3A_1244 = arith.constant 4 : i32
      %add3A_1245 = vector.broadcast %add3A_1244 : i32 to vector<16xi32>
      %add3A_1246 = arith.addi %iota3A_1243, %add3A_1245 : vector<16xi32>
      %jit3A_1247 = arith.constant 16 : i32
      %eq3A_1248 = arith.constant 0 : i32
      %eq3A_1249 = arith.cmpi eq, %jit3A_1247, %eq3A_1248 : i32
      %jit3A_1250 = arith.constant 1 : i32
      %select_n3A_1251 = arith.select %eq3A_1249, %jit3A_1250, %jit3A_1247 : i32
      %rem3A_1252 = vector.broadcast %select_n3A_1251 : i32 to vector<16xi32>
      %rem3A_1253 = arith.remsi %add3A_1246, %rem3A_1252 : vector<16xi32>
      %ne3A_1254 = arith.constant 0 : i32
      %ne3A_1255 = vector.broadcast %ne3A_1254 : i32 to vector<16xi32>
      %ne3A_1256 = arith.cmpi ne, %rem3A_1253, %ne3A_1255 : vector<16xi32>
      %lt3A_1257 = arith.constant 0 : i32
      %lt3A_1258 = vector.broadcast %lt3A_1257 : i32 to vector<16xi32>
      %lt3A_1259 = arith.cmpi slt, %rem3A_1253, %lt3A_1258 : vector<16xi32>
      %lt3A_1260 = arith.constant 0 : i32
      %lt3A_1261 = arith.cmpi slt, %select_n3A_1251, %lt3A_1260 : i32
      %ne3A_1262 = vector.broadcast %lt3A_1261 : i1 to vector<16xi1>
      %ne3A_1263 = vector.broadcast %ne3A_1262 : vector<16xi1> to vector<16xi1>
      %ne3A_1264 = arith.xori %lt3A_1259, %ne3A_1263 : vector<16xi1>
      %and3A_1265 = arith.andi %ne3A_1264, %ne3A_1256 : vector<16xi1>
      %add3A_1266 = vector.broadcast %select_n3A_1251 : i32 to vector<16xi32>
      %add3A_1267 = arith.addi %rem3A_1253, %add3A_1266 : vector<16xi32>
      %select_n3A_1268 = arith.select %and3A_1265, %add3A_1267, %rem3A_1253 : vector<16xi1>, vector<16xi32>
      %broadcast_in_dim3A_1269 = vector.shape_cast %select_n3A_1268 : vector<16xi32> to vector<16x1xi32>
      %gather3A_1270 = vector.shape_cast %broadcast_in_dim3A_1269 : vector<16x1xi32> to vector<16xi32>
      %gather3A_1271 = tpu.dynamic_gather %min3A_1242[%gather3A_1270] in [0] : vector<16xf32>, vector<16xi32> -> vector<16xf32>
      %min3A_1272 = arith.minimumf %min3A_1242, %gather3A_1271 : vector<16xf32>
      %iota3A_1273 = tpu.iota {dimensions = array<i32: 0>} : vector<16xi32>
      %add3A_1274 = arith.constant 2 : i32
      %add3A_1275 = vector.broadcast %add3A_1274 : i32 to vector<16xi32>
      %add3A_1276 = arith.addi %iota3A_1273, %add3A_1275 : vector<16xi32>
      %jit3A_1277 = arith.constant 16 : i32
      %eq3A_1278 = arith.constant 0 : i32
      %eq3A_1279 = arith.cmpi eq, %jit3A_1277, %eq3A_1278 : i32
      %jit3A_1280 = arith.constant 1 : i32
      %select_n3A_1281 = arith.select %eq3A_1279, %jit3A_1280, %jit3A_1277 : i32
      %rem3A_1282 = vector.broadcast %select_n3A_1281 : i32 to vector<16xi32>
      %rem3A_1283 = arith.remsi %add3A_1276, %rem3A_1282 : vector<16xi32>
      %ne3A_1284 = arith.constant 0 : i32
      %ne3A_1285 = vector.broadcast %ne3A_1284 : i32 to vector<16xi32>
      %ne3A_1286 = arith.cmpi ne, %rem3A_1283, %ne3A_1285 : vector<16xi32>
      %lt3A_1287 = arith.constant 0 : i32
      %lt3A_1288 = vector.broadcast %lt3A_1287 : i32 to vector<16xi32>
      %lt3A_1289 = arith.cmpi slt, %rem3A_1283, %lt3A_1288 : vector<16xi32>
      %lt3A_1290 = arith.constant 0 : i32
      %lt3A_1291 = arith.cmpi slt, %select_n3A_1281, %lt3A_1290 : i32
      %ne3A_1292 = vector.broadcast %lt3A_1291 : i1 to vector<16xi1>
      %ne3A_1293 = vector.broadcast %ne3A_1292 : vector<16xi1> to vector<16xi1>
      %ne3A_1294 = arith.xori %lt3A_1289, %ne3A_1293 : vector<16xi1>
      %and3A_1295 = arith.andi %ne3A_1294, %ne3A_1286 : vector<16xi1>
      %add3A_1296 = vector.broadcast %select_n3A_1281 : i32 to vector<16xi32>
      %add3A_1297 = arith.addi %rem3A_1283, %add3A_1296 : vector<16xi32>
      %select_n3A_1298 = arith.select %and3A_1295, %add3A_1297, %rem3A_1283 : vector<16xi1>, vector<16xi32>
      %broadcast_in_dim3A_1299 = vector.shape_cast %select_n3A_1298 : vector<16xi32> to vector<16x1xi32>
      %gather3A_1300 = vector.shape_cast %broadcast_in_dim3A_1299 : vector<16x1xi32> to vector<16xi32>
      %gather3A_1301 = tpu.dynamic_gather %min3A_1272[%gather3A_1300] in [0] : vector<16xf32>, vector<16xi32> -> vector<16xf32>
      %min3A_1302 = arith.minimumf %min3A_1272, %gather3A_1301 : vector<16xf32>
      %iota3A_1303 = tpu.iota {dimensions = array<i32: 0>} : vector<16xi32>
      %add3A_1304 = arith.constant 1 : i32
      %add3A_1305 = vector.broadcast %add3A_1304 : i32 to vector<16xi32>
      %add3A_1306 = arith.addi %iota3A_1303, %add3A_1305 : vector<16xi32>
      %jit3A_1307 = arith.constant 16 : i32
      %eq3A_1308 = arith.constant 0 : i32
      %eq3A_1309 = arith.cmpi eq, %jit3A_1307, %eq3A_1308 : i32
      %jit3A_1310 = arith.constant 1 : i32
      %select_n3A_1311 = arith.select %eq3A_1309, %jit3A_1310, %jit3A_1307 : i32
      %rem3A_1312 = vector.broadcast %select_n3A_1311 : i32 to vector<16xi32>
      %rem3A_1313 = arith.remsi %add3A_1306, %rem3A_1312 : vector<16xi32>
      %ne3A_1314 = arith.constant 0 : i32
      %ne3A_1315 = vector.broadcast %ne3A_1314 : i32 to vector<16xi32>
      %ne3A_1316 = arith.cmpi ne, %rem3A_1313, %ne3A_1315 : vector<16xi32>
      %lt3A_1317 = arith.constant 0 : i32
      %lt3A_1318 = vector.broadcast %lt3A_1317 : i32 to vector<16xi32>
      %lt3A_1319 = arith.cmpi slt, %rem3A_1313, %lt3A_1318 : vector<16xi32>
      %lt3A_1320 = arith.constant 0 : i32
      %lt3A_1321 = arith.cmpi slt, %select_n3A_1311, %lt3A_1320 : i32
      %ne3A_1322 = vector.broadcast %lt3A_1321 : i1 to vector<16xi1>
      %ne3A_1323 = vector.broadcast %ne3A_1322 : vector<16xi1> to vector<16xi1>
      %ne3A_1324 = arith.xori %lt3A_1319, %ne3A_1323 : vector<16xi1>
      %and3A_1325 = arith.andi %ne3A_1324, %ne3A_1316 : vector<16xi1>
      %add3A_1326 = vector.broadcast %select_n3A_1311 : i32 to vector<16xi32>
      %add3A_1327 = arith.addi %rem3A_1313, %add3A_1326 : vector<16xi32>
      %select_n3A_1328 = arith.select %and3A_1325, %add3A_1327, %rem3A_1313 : vector<16xi1>, vector<16xi32>
      %broadcast_in_dim3A_1329 = vector.shape_cast %select_n3A_1328 : vector<16xi32> to vector<16x1xi32>
      %gather3A_1330 = vector.shape_cast %broadcast_in_dim3A_1329 : vector<16x1xi32> to vector<16xi32>
      %gather3A_1331 = tpu.dynamic_gather %min3A_1302[%gather3A_1330] in [0] : vector<16xf32>, vector<16xi32> -> vector<16xf32>
      %min3A_1332 = arith.minimumf %min3A_1302, %gather3A_1331 : vector<16xf32>
      %slice3A_1333 = vector.extract_strided_slice %min3A_1332 {offsets = [0], sizes = [1], strides = [1]} : vector<16xf32> to vector<1xf32>
      %squeeze3A_1334 = vector.extract %slice3A_1333[0] : f32 from vector<1xf32>
      %add3A_1335 = arith.addf %squeeze3A_1334, %add3A_1212 : f32
      %slice3A_1336 = vector.extract_strided_slice %get3A_66 {offsets = [7], sizes = [1], strides = [1]} : vector<16xf32> to vector<1xf32>
      %squeeze3A_1337 = vector.extract %slice3A_1336[0] : f32 from vector<1xf32>
      %mul3A_1338 = arith.mulf %add3A_1335, %squeeze3A_1337 : f32
      %add3A_1339 = arith.addf %add3A_1195, %mul3A_1338 : f32
      %slice3A_1340 = vector.extract_strided_slice %get3A_57 {offsets = [8], sizes = [1], strides = [1]} : vector<16xf32> to vector<1xf32>
      %squeeze3A_1341 = vector.extract %slice3A_1340[0] : f32 from vector<1xf32>
      %mul3A_1342 = arith.constant -2.000000e+00 : f32
      %mul3A_1343 = arith.mulf %squeeze3A_1341, %mul3A_1342 : f32
      %broadcast_in_dim3A_1344 = vector.broadcast %mul3A_1343 : f32 to vector<16xf32>
      %slice3A_1345 = vector.extract_strided_slice %get3A_57 {offsets = [9], sizes = [1], strides = [1]} : vector<16xf32> to vector<1xf32>
      %squeeze3A_1346 = vector.extract %slice3A_1345[0] : f32 from vector<1xf32>
      %mul3A_1347 = arith.constant -2.000000e+00 : f32
      %mul3A_1348 = arith.mulf %squeeze3A_1346, %mul3A_1347 : f32
      %broadcast_in_dim3A_1349 = vector.broadcast %mul3A_1348 : f32 to vector<16xf32>
      %slice3A_1350 = vector.extract_strided_slice %get3A_57 {offsets = [10], sizes = [1], strides = [1]} : vector<16xf32> to vector<1xf32>
      %squeeze3A_1351 = vector.extract %slice3A_1350[0] : f32 from vector<1xf32>
      %mul3A_1352 = arith.constant -2.000000e+00 : f32
      %mul3A_1353 = arith.mulf %squeeze3A_1351, %mul3A_1352 : f32
      %broadcast_in_dim3A_1354 = vector.broadcast %mul3A_1353 : f32 to vector<16xf32>
      %slice3A_1355 = vector.extract_strided_slice %get3A_57 {offsets = [11], sizes = [1], strides = [1]} : vector<16xf32> to vector<1xf32>
      %squeeze3A_1356 = vector.extract %slice3A_1355[0] : f32 from vector<1xf32>
      %mul3A_1357 = arith.constant -2.000000e+00 : f32
      %mul3A_1358 = arith.mulf %squeeze3A_1356, %mul3A_1357 : f32
      %broadcast_in_dim3A_1359 = vector.broadcast %mul3A_1358 : f32 to vector<16xf32>
      %slice3A_1360 = vector.extract_strided_slice %get3A_57 {offsets = [12], sizes = [1], strides = [1]} : vector<16xf32> to vector<1xf32>
      %squeeze3A_1361 = vector.extract %slice3A_1360[0] : f32 from vector<1xf32>
      %mul3A_1362 = arith.constant -2.000000e+00 : f32
      %mul3A_1363 = arith.mulf %squeeze3A_1361, %mul3A_1362 : f32
      %broadcast_in_dim3A_1364 = vector.broadcast %mul3A_1363 : f32 to vector<16xf32>
      %slice3A_1365 = vector.extract_strided_slice %get3A_57 {offsets = [13], sizes = [1], strides = [1]} : vector<16xf32> to vector<1xf32>
      %squeeze3A_1366 = vector.extract %slice3A_1365[0] : f32 from vector<1xf32>
      %mul3A_1367 = arith.constant -2.000000e+00 : f32
      %mul3A_1368 = arith.mulf %squeeze3A_1366, %mul3A_1367 : f32
      %broadcast_in_dim3A_1369 = vector.broadcast %mul3A_1368 : f32 to vector<16xf32>
      %slice3A_1370 = vector.extract_strided_slice %get3A_57 {offsets = [14], sizes = [1], strides = [1]} : vector<16xf32> to vector<1xf32>
      %squeeze3A_1371 = vector.extract %slice3A_1370[0] : f32 from vector<1xf32>
      %mul3A_1372 = arith.constant -2.000000e+00 : f32
      %mul3A_1373 = arith.mulf %squeeze3A_1371, %mul3A_1372 : f32
      %broadcast_in_dim3A_1374 = vector.broadcast %mul3A_1373 : f32 to vector<16xf32>
      %slice3A_1375 = vector.extract_strided_slice %get3A_57 {offsets = [15], sizes = [1], strides = [1]} : vector<16xf32> to vector<1xf32>
      %squeeze3A_1376 = vector.extract %slice3A_1375[0] : f32 from vector<1xf32>
      %mul3A_1377 = arith.constant -2.000000e+00 : f32
      %mul3A_1378 = arith.mulf %squeeze3A_1376, %mul3A_1377 : f32
      %broadcast_in_dim3A_1379 = vector.broadcast %mul3A_1378 : f32 to vector<16xf32>
      %slice3A_1380 = vector.extract_strided_slice %get3A_60 {offsets = [8], sizes = [1], strides = [1]} : vector<16xf32> to vector<1xf32>
      %squeeze3A_1381 = vector.extract %slice3A_1380[0] : f32 from vector<1xf32>
      %mul3A_1382 = arith.constant -2.000000e+00 : f32
      %mul3A_1383 = arith.mulf %squeeze3A_1381, %mul3A_1382 : f32
      %broadcast_in_dim3A_1384 = vector.broadcast %mul3A_1383 : f32 to vector<16xf32>
      %slice3A_1385 = vector.extract_strided_slice %get3A_60 {offsets = [9], sizes = [1], strides = [1]} : vector<16xf32> to vector<1xf32>
      %squeeze3A_1386 = vector.extract %slice3A_1385[0] : f32 from vector<1xf32>
      %mul3A_1387 = arith.constant -2.000000e+00 : f32
      %mul3A_1388 = arith.mulf %squeeze3A_1386, %mul3A_1387 : f32
      %broadcast_in_dim3A_1389 = vector.broadcast %mul3A_1388 : f32 to vector<16xf32>
      %slice3A_1390 = vector.extract_strided_slice %get3A_60 {offsets = [10], sizes = [1], strides = [1]} : vector<16xf32> to vector<1xf32>
      %squeeze3A_1391 = vector.extract %slice3A_1390[0] : f32 from vector<1xf32>
      %mul3A_1392 = arith.constant -2.000000e+00 : f32
      %mul3A_1393 = arith.mulf %squeeze3A_1391, %mul3A_1392 : f32
      %broadcast_in_dim3A_1394 = vector.broadcast %mul3A_1393 : f32 to vector<16xf32>
      %slice3A_1395 = vector.extract_strided_slice %get3A_60 {offsets = [11], sizes = [1], strides = [1]} : vector<16xf32> to vector<1xf32>
      %squeeze3A_1396 = vector.extract %slice3A_1395[0] : f32 from vector<1xf32>
      %mul3A_1397 = arith.constant -2.000000e+00 : f32
      %mul3A_1398 = arith.mulf %squeeze3A_1396, %mul3A_1397 : f32
      %broadcast_in_dim3A_1399 = vector.broadcast %mul3A_1398 : f32 to vector<16xf32>
      %slice3A_1400 = vector.extract_strided_slice %get3A_60 {offsets = [12], sizes = [1], strides = [1]} : vector<16xf32> to vector<1xf32>
      %squeeze3A_1401 = vector.extract %slice3A_1400[0] : f32 from vector<1xf32>
      %mul3A_1402 = arith.constant -2.000000e+00 : f32
      %mul3A_1403 = arith.mulf %squeeze3A_1401, %mul3A_1402 : f32
      %broadcast_in_dim3A_1404 = vector.broadcast %mul3A_1403 : f32 to vector<16xf32>
      %slice3A_1405 = vector.extract_strided_slice %get3A_60 {offsets = [13], sizes = [1], strides = [1]} : vector<16xf32> to vector<1xf32>
      %squeeze3A_1406 = vector.extract %slice3A_1405[0] : f32 from vector<1xf32>
      %mul3A_1407 = arith.constant -2.000000e+00 : f32
      %mul3A_1408 = arith.mulf %squeeze3A_1406, %mul3A_1407 : f32
      %broadcast_in_dim3A_1409 = vector.broadcast %mul3A_1408 : f32 to vector<16xf32>
      %slice3A_1410 = vector.extract_strided_slice %get3A_60 {offsets = [14], sizes = [1], strides = [1]} : vector<16xf32> to vector<1xf32>
      %squeeze3A_1411 = vector.extract %slice3A_1410[0] : f32 from vector<1xf32>
      %mul3A_1412 = arith.constant -2.000000e+00 : f32
      %mul3A_1413 = arith.mulf %squeeze3A_1411, %mul3A_1412 : f32
      %broadcast_in_dim3A_1414 = vector.broadcast %mul3A_1413 : f32 to vector<16xf32>
      %slice3A_1415 = vector.extract_strided_slice %get3A_60 {offsets = [15], sizes = [1], strides = [1]} : vector<16xf32> to vector<1xf32>
      %squeeze3A_1416 = vector.extract %slice3A_1415[0] : f32 from vector<1xf32>
      %mul3A_1417 = arith.constant -2.000000e+00 : f32
      %mul3A_1418 = arith.mulf %squeeze3A_1416, %mul3A_1417 : f32
      %broadcast_in_dim3A_1419 = vector.broadcast %mul3A_1418 : f32 to vector<16xf32>
      %slice3A_1420 = vector.extract_strided_slice %get3A_63 {offsets = [8], sizes = [1], strides = [1]} : vector<16xf32> to vector<1xf32>
      %squeeze3A_1421 = vector.extract %slice3A_1420[0] : f32 from vector<1xf32>
      %mul3A_1422 = arith.constant -2.000000e+00 : f32
      %mul3A_1423 = arith.mulf %squeeze3A_1421, %mul3A_1422 : f32
      %broadcast_in_dim3A_1424 = vector.broadcast %mul3A_1423 : f32 to vector<16xf32>
      %slice3A_1425 = vector.extract_strided_slice %get3A_63 {offsets = [9], sizes = [1], strides = [1]} : vector<16xf32> to vector<1xf32>
      %squeeze3A_1426 = vector.extract %slice3A_1425[0] : f32 from vector<1xf32>
      %mul3A_1427 = arith.constant -2.000000e+00 : f32
      %mul3A_1428 = arith.mulf %squeeze3A_1426, %mul3A_1427 : f32
      %broadcast_in_dim3A_1429 = vector.broadcast %mul3A_1428 : f32 to vector<16xf32>
      %slice3A_1430 = vector.extract_strided_slice %get3A_63 {offsets = [10], sizes = [1], strides = [1]} : vector<16xf32> to vector<1xf32>
      %squeeze3A_1431 = vector.extract %slice3A_1430[0] : f32 from vector<1xf32>
      %mul3A_1432 = arith.constant -2.000000e+00 : f32
      %mul3A_1433 = arith.mulf %squeeze3A_1431, %mul3A_1432 : f32
      %broadcast_in_dim3A_1434 = vector.broadcast %mul3A_1433 : f32 to vector<16xf32>
      %slice3A_1435 = vector.extract_strided_slice %get3A_63 {offsets = [11], sizes = [1], strides = [1]} : vector<16xf32> to vector<1xf32>
      %squeeze3A_1436 = vector.extract %slice3A_1435[0] : f32 from vector<1xf32>
      %mul3A_1437 = arith.constant -2.000000e+00 : f32
      %mul3A_1438 = arith.mulf %squeeze3A_1436, %mul3A_1437 : f32
      %broadcast_in_dim3A_1439 = vector.broadcast %mul3A_1438 : f32 to vector<16xf32>
      %slice3A_1440 = vector.extract_strided_slice %get3A_63 {offsets = [12], sizes = [1], strides = [1]} : vector<16xf32> to vector<1xf32>
      %squeeze3A_1441 = vector.extract %slice3A_1440[0] : f32 from vector<1xf32>
      %mul3A_1442 = arith.constant -2.000000e+00 : f32
      %mul3A_1443 = arith.mulf %squeeze3A_1441, %mul3A_1442 : f32
      %broadcast_in_dim3A_1444 = vector.broadcast %mul3A_1443 : f32 to vector<16xf32>
      %slice3A_1445 = vector.extract_strided_slice %get3A_63 {offsets = [13], sizes = [1], strides = [1]} : vector<16xf32> to vector<1xf32>
      %squeeze3A_1446 = vector.extract %slice3A_1445[0] : f32 from vector<1xf32>
      %mul3A_1447 = arith.constant -2.000000e+00 : f32
      %mul3A_1448 = arith.mulf %squeeze3A_1446, %mul3A_1447 : f32
      %broadcast_in_dim3A_1449 = vector.broadcast %mul3A_1448 : f32 to vector<16xf32>
      %slice3A_1450 = vector.extract_strided_slice %get3A_63 {offsets = [14], sizes = [1], strides = [1]} : vector<16xf32> to vector<1xf32>
      %squeeze3A_1451 = vector.extract %slice3A_1450[0] : f32 from vector<1xf32>
      %mul3A_1452 = arith.constant -2.000000e+00 : f32
      %mul3A_1453 = arith.mulf %squeeze3A_1451, %mul3A_1452 : f32
      %broadcast_in_dim3A_1454 = vector.broadcast %mul3A_1453 : f32 to vector<16xf32>
      %slice3A_1455 = vector.extract_strided_slice %get3A_63 {offsets = [15], sizes = [1], strides = [1]} : vector<16xf32> to vector<1xf32>
      %squeeze3A_1456 = vector.extract %slice3A_1455[0] : f32 from vector<1xf32>
      %mul3A_1457 = arith.constant -2.000000e+00 : f32
      %mul3A_1458 = arith.mulf %squeeze3A_1456, %mul3A_1457 : f32
      %broadcast_in_dim3A_1459 = vector.broadcast %mul3A_1458 : f32 to vector<16xf32>
      %scan3A_1460 = arith.constant 0 : i32
      %scan3A_1461 = arith.constant 256 : i32
      %scan3A_1462 = arith.addi %scan3A_1460, %scan3A_1461 : i32
      %scan3A_1463 = arith.constant 1 : i32
      %scan3A_1464:8 = scf.for %scan3A_2618 = %scan3A_1460 to %scan3A_1462 step %scan3A_1463 iter_args(%scan3A_2619 = %broadcast_in_dim3A_26, %scan3A_2620 = %broadcast_in_dim3A_26, %scan3A_2621 = %broadcast_in_dim3A_26, %scan3A_2622 = %broadcast_in_dim3A_26, %scan3A_2623 = %broadcast_in_dim3A_26, %scan3A_2624 = %broadcast_in_dim3A_26, %scan3A_2625 = %broadcast_in_dim3A_26, %scan3A_2626 = %broadcast_in_dim3A_26) -> (vector<16xf32>, vector<16xf32>, vector<16xf32>, vector<16xf32>, vector<16xf32>, vector<16xf32>, vector<16xf32>, vector<16xf32>)  : i32 {
        %mul3A_2627 = arith.constant 16 : i32
        %mul3A_2628 = arith.muli %scan3A_2618, %mul3A_2627 : i32
        %get3A_2629 = arith.index_cast %mul3A_2628 : i32 to index
        %get3A_2630 = tpu.vector_load %arg26[%get3A_2629] {strides = array<i32>} : memref<4096xf32, #tpu.memory_space<vmem>>, vector<16xf32>,
        %get3A_2631 = vector.shape_cast %get3A_2630 : vector<16xf32> to vector<16xf32>
        %get3A_2632 = arith.index_cast %mul3A_2628 : i32 to index
        %get3A_2633 = tpu.vector_load %arg27[%get3A_2632] {strides = array<i32>} : memref<4096xf32, #tpu.memory_space<vmem>>, vector<16xf32>,
        %get3A_2634 = vector.shape_cast %get3A_2633 : vector<16xf32> to vector<16xf32>
        %get3A_2635 = arith.index_cast %mul3A_2628 : i32 to index
        %get3A_2636 = tpu.vector_load %arg28[%get3A_2635] {strides = array<i32>} : memref<4096xf32, #tpu.memory_space<vmem>>, vector<16xf32>,
        %get3A_2637 = vector.shape_cast %get3A_2636 : vector<16xf32> to vector<16xf32>
        %get3A_2638 = arith.index_cast %mul3A_2628 : i32 to index
        %get3A_2639 = tpu.vector_load %arg29[%get3A_2638] {strides = array<i32>} : memref<4096xf32, #tpu.memory_space<vmem>>, vector<16xf32>,
        %get3A_2640 = vector.shape_cast %get3A_2639 : vector<16xf32> to vector<16xf32>
        %mul3A_2641 = arith.mulf %broadcast_in_dim3A_1344, %get3A_2631 : vector<16xf32>
        %add3A_2642 = arith.addf %get3A_2640, %mul3A_2641 : vector<16xf32>
        %mul3A_2643 = arith.mulf %broadcast_in_dim3A_1384, %get3A_2634 : vector<16xf32>
        %add3A_2644 = arith.addf %add3A_2642, %mul3A_2643 : vector<16xf32>
        %mul3A_2645 = arith.mulf %broadcast_in_dim3A_1424, %get3A_2637 : vector<16xf32>
        %add3A_2646 = arith.addf %add3A_2644, %mul3A_2645 : vector<16xf32>
        %min3A_2647 = arith.minimumf %scan3A_2619, %add3A_2646 : vector<16xf32>
        %mul3A_2648 = arith.mulf %broadcast_in_dim3A_1349, %get3A_2631 : vector<16xf32>
        %add3A_2649 = arith.addf %get3A_2640, %mul3A_2648 : vector<16xf32>
        %mul3A_2650 = arith.mulf %broadcast_in_dim3A_1389, %get3A_2634 : vector<16xf32>
        %add3A_2651 = arith.addf %add3A_2649, %mul3A_2650 : vector<16xf32>
        %mul3A_2652 = arith.mulf %broadcast_in_dim3A_1429, %get3A_2637 : vector<16xf32>
        %add3A_2653 = arith.addf %add3A_2651, %mul3A_2652 : vector<16xf32>
        %min3A_2654 = arith.minimumf %scan3A_2620, %add3A_2653 : vector<16xf32>
        %mul3A_2655 = arith.mulf %broadcast_in_dim3A_1354, %get3A_2631 : vector<16xf32>
        %add3A_2656 = arith.addf %get3A_2640, %mul3A_2655 : vector<16xf32>
        %mul3A_2657 = arith.mulf %broadcast_in_dim3A_1394, %get3A_2634 : vector<16xf32>
        %add3A_2658 = arith.addf %add3A_2656, %mul3A_2657 : vector<16xf32>
        %mul3A_2659 = arith.mulf %broadcast_in_dim3A_1434, %get3A_2637 : vector<16xf32>
        %add3A_2660 = arith.addf %add3A_2658, %mul3A_2659 : vector<16xf32>
        %min3A_2661 = arith.minimumf %scan3A_2621, %add3A_2660 : vector<16xf32>
        %mul3A_2662 = arith.mulf %broadcast_in_dim3A_1359, %get3A_2631 : vector<16xf32>
        %add3A_2663 = arith.addf %get3A_2640, %mul3A_2662 : vector<16xf32>
        %mul3A_2664 = arith.mulf %broadcast_in_dim3A_1399, %get3A_2634 : vector<16xf32>
        %add3A_2665 = arith.addf %add3A_2663, %mul3A_2664 : vector<16xf32>
        %mul3A_2666 = arith.mulf %broadcast_in_dim3A_1439, %get3A_2637 : vector<16xf32>
        %add3A_2667 = arith.addf %add3A_2665, %mul3A_2666 : vector<16xf32>
        %min3A_2668 = arith.minimumf %scan3A_2622, %add3A_2667 : vector<16xf32>
        %mul3A_2669 = arith.mulf %broadcast_in_dim3A_1364, %get3A_2631 : vector<16xf32>
        %add3A_2670 = arith.addf %get3A_2640, %mul3A_2669 : vector<16xf32>
        %mul3A_2671 = arith.mulf %broadcast_in_dim3A_1404, %get3A_2634 : vector<16xf32>
        %add3A_2672 = arith.addf %add3A_2670, %mul3A_2671 : vector<16xf32>
        %mul3A_2673 = arith.mulf %broadcast_in_dim3A_1444, %get3A_2637 : vector<16xf32>
        %add3A_2674 = arith.addf %add3A_2672, %mul3A_2673 : vector<16xf32>
        %min3A_2675 = arith.minimumf %scan3A_2623, %add3A_2674 : vector<16xf32>
        %mul3A_2676 = arith.mulf %broadcast_in_dim3A_1369, %get3A_2631 : vector<16xf32>
        %add3A_2677 = arith.addf %get3A_2640, %mul3A_2676 : vector<16xf32>
        %mul3A_2678 = arith.mulf %broadcast_in_dim3A_1409, %get3A_2634 : vector<16xf32>
        %add3A_2679 = arith.addf %add3A_2677, %mul3A_2678 : vector<16xf32>
        %mul3A_2680 = arith.mulf %broadcast_in_dim3A_1449, %get3A_2637 : vector<16xf32>
        %add3A_2681 = arith.addf %add3A_2679, %mul3A_2680 : vector<16xf32>
        %min3A_2682 = arith.minimumf %scan3A_2624, %add3A_2681 : vector<16xf32>
        %mul3A_2683 = arith.mulf %broadcast_in_dim3A_1374, %get3A_2631 : vector<16xf32>
        %add3A_2684 = arith.addf %get3A_2640, %mul3A_2683 : vector<16xf32>
        %mul3A_2685 = arith.mulf %broadcast_in_dim3A_1414, %get3A_2634 : vector<16xf32>
        %add3A_2686 = arith.addf %add3A_2684, %mul3A_2685 : vector<16xf32>
        %mul3A_2687 = arith.mulf %broadcast_in_dim3A_1454, %get3A_2637 : vector<16xf32>
        %add3A_2688 = arith.addf %add3A_2686, %mul3A_2687 : vector<16xf32>
        %min3A_2689 = arith.minimumf %scan3A_2625, %add3A_2688 : vector<16xf32>
        %mul3A_2690 = arith.mulf %broadcast_in_dim3A_1379, %get3A_2631 : vector<16xf32>
        %add3A_2691 = arith.addf %get3A_2640, %mul3A_2690 : vector<16xf32>
        %mul3A_2692 = arith.mulf %broadcast_in_dim3A_1419, %get3A_2634 : vector<16xf32>
        %add3A_2693 = arith.addf %add3A_2691, %mul3A_2692 : vector<16xf32>
        %mul3A_2694 = arith.mulf %broadcast_in_dim3A_1459, %get3A_2637 : vector<16xf32>
        %add3A_2695 = arith.addf %add3A_2693, %mul3A_2694 : vector<16xf32>
        %min3A_2696 = arith.minimumf %scan3A_2626, %add3A_2695 : vector<16xf32>
        scf.yield %min3A_2647, %min3A_2654, %min3A_2661, %min3A_2668, %min3A_2675, %min3A_2682, %min3A_2689, %min3A_2696 : vector<16xf32>, vector<16xf32>, vector<16xf32>, vector<16xf32>, vector<16xf32>, vector<16xf32>, vector<16xf32>, vector<16xf32>
      }
      %scan3A_1465 = arith.constant 256 : i32
      %slice3A_1466 = vector.extract_strided_slice %get3A_48 {offsets = [8], sizes = [1], strides = [1]} : vector<16xf32> to vector<1xf32>
      %squeeze3A_1467 = vector.extract %slice3A_1466[0] : f32 from vector<1xf32>
      %slice3A_1468 = vector.extract_strided_slice %get3A_48 {offsets = [8], sizes = [1], strides = [1]} : vector<16xf32> to vector<1xf32>
      %squeeze3A_1469 = vector.extract %slice3A_1468[0] : f32 from vector<1xf32>
      %mul3A_1470 = arith.mulf %squeeze3A_1467, %squeeze3A_1469 : f32
      %slice3A_1471 = vector.extract_strided_slice %get3A_51 {offsets = [8], sizes = [1], strides = [1]} : vector<16xf32> to vector<1xf32>
      %squeeze3A_1472 = vector.extract %slice3A_1471[0] : f32 from vector<1xf32>
      %slice3A_1473 = vector.extract_strided_slice %get3A_51 {offsets = [8], sizes = [1], strides = [1]} : vector<16xf32> to vector<1xf32>
      %squeeze3A_1474 = vector.extract %slice3A_1473[0] : f32 from vector<1xf32>
      %mul3A_1475 = arith.mulf %squeeze3A_1472, %squeeze3A_1474 : f32
      %add3A_1476 = arith.addf %mul3A_1470, %mul3A_1475 : f32
      %slice3A_1477 = vector.extract_strided_slice %get3A_54 {offsets = [8], sizes = [1], strides = [1]} : vector<16xf32> to vector<1xf32>
      %squeeze3A_1478 = vector.extract %slice3A_1477[0] : f32 from vector<1xf32>
      %slice3A_1479 = vector.extract_strided_slice %get3A_54 {offsets = [8], sizes = [1], strides = [1]} : vector<16xf32> to vector<1xf32>
      %squeeze3A_1480 = vector.extract %slice3A_1479[0] : f32 from vector<1xf32>
      %mul3A_1481 = arith.mulf %squeeze3A_1478, %squeeze3A_1480 : f32
      %add3A_1482 = arith.addf %add3A_1476, %mul3A_1481 : f32
      %iota3A_1483 = tpu.iota {dimensions = array<i32: 0>} : vector<16xi32>
      %add3A_1484 = arith.constant 8 : i32
      %add3A_1485 = vector.broadcast %add3A_1484 : i32 to vector<16xi32>
      %add3A_1486 = arith.addi %iota3A_1483, %add3A_1485 : vector<16xi32>
      %jit3A_1487 = arith.constant 16 : i32
      %eq3A_1488 = arith.constant 0 : i32
      %eq3A_1489 = arith.cmpi eq, %jit3A_1487, %eq3A_1488 : i32
      %jit3A_1490 = arith.constant 1 : i32
      %select_n3A_1491 = arith.select %eq3A_1489, %jit3A_1490, %jit3A_1487 : i32
      %rem3A_1492 = vector.broadcast %select_n3A_1491 : i32 to vector<16xi32>
      %rem3A_1493 = arith.remsi %add3A_1486, %rem3A_1492 : vector<16xi32>
      %ne3A_1494 = arith.constant 0 : i32
      %ne3A_1495 = vector.broadcast %ne3A_1494 : i32 to vector<16xi32>
      %ne3A_1496 = arith.cmpi ne, %rem3A_1493, %ne3A_1495 : vector<16xi32>
      %lt3A_1497 = arith.constant 0 : i32
      %lt3A_1498 = vector.broadcast %lt3A_1497 : i32 to vector<16xi32>
      %lt3A_1499 = arith.cmpi slt, %rem3A_1493, %lt3A_1498 : vector<16xi32>
      %lt3A_1500 = arith.constant 0 : i32
      %lt3A_1501 = arith.cmpi slt, %select_n3A_1491, %lt3A_1500 : i32
      %ne3A_1502 = vector.broadcast %lt3A_1501 : i1 to vector<16xi1>
      %ne3A_1503 = vector.broadcast %ne3A_1502 : vector<16xi1> to vector<16xi1>
      %ne3A_1504 = arith.xori %lt3A_1499, %ne3A_1503 : vector<16xi1>
      %and3A_1505 = arith.andi %ne3A_1504, %ne3A_1496 : vector<16xi1>
      %add3A_1506 = vector.broadcast %select_n3A_1491 : i32 to vector<16xi32>
      %add3A_1507 = arith.addi %rem3A_1493, %add3A_1506 : vector<16xi32>
      %select_n3A_1508 = arith.select %and3A_1505, %add3A_1507, %rem3A_1493 : vector<16xi1>, vector<16xi32>
      %broadcast_in_dim3A_1509 = vector.shape_cast %select_n3A_1508 : vector<16xi32> to vector<16x1xi32>
      %gather3A_1510 = vector.shape_cast %broadcast_in_dim3A_1509 : vector<16x1xi32> to vector<16xi32>
      %gather3A_1511 = tpu.dynamic_gather %scan3A_1464#0[%gather3A_1510] in [0] : vector<16xf32>, vector<16xi32> -> vector<16xf32>
      %min3A_1512 = arith.minimumf %scan3A_1464#0, %gather3A_1511 : vector<16xf32>
      %iota3A_1513 = tpu.iota {dimensions = array<i32: 0>} : vector<16xi32>
      %add3A_1514 = arith.constant 4 : i32
      %add3A_1515 = vector.broadcast %add3A_1514 : i32 to vector<16xi32>
      %add3A_1516 = arith.addi %iota3A_1513, %add3A_1515 : vector<16xi32>
      %jit3A_1517 = arith.constant 16 : i32
      %eq3A_1518 = arith.constant 0 : i32
      %eq3A_1519 = arith.cmpi eq, %jit3A_1517, %eq3A_1518 : i32
      %jit3A_1520 = arith.constant 1 : i32
      %select_n3A_1521 = arith.select %eq3A_1519, %jit3A_1520, %jit3A_1517 : i32
      %rem3A_1522 = vector.broadcast %select_n3A_1521 : i32 to vector<16xi32>
      %rem3A_1523 = arith.remsi %add3A_1516, %rem3A_1522 : vector<16xi32>
      %ne3A_1524 = arith.constant 0 : i32
      %ne3A_1525 = vector.broadcast %ne3A_1524 : i32 to vector<16xi32>
      %ne3A_1526 = arith.cmpi ne, %rem3A_1523, %ne3A_1525 : vector<16xi32>
      %lt3A_1527 = arith.constant 0 : i32
      %lt3A_1528 = vector.broadcast %lt3A_1527 : i32 to vector<16xi32>
      %lt3A_1529 = arith.cmpi slt, %rem3A_1523, %lt3A_1528 : vector<16xi32>
      %lt3A_1530 = arith.constant 0 : i32
      %lt3A_1531 = arith.cmpi slt, %select_n3A_1521, %lt3A_1530 : i32
      %ne3A_1532 = vector.broadcast %lt3A_1531 : i1 to vector<16xi1>
      %ne3A_1533 = vector.broadcast %ne3A_1532 : vector<16xi1> to vector<16xi1>
      %ne3A_1534 = arith.xori %lt3A_1529, %ne3A_1533 : vector<16xi1>
      %and3A_1535 = arith.andi %ne3A_1534, %ne3A_1526 : vector<16xi1>
      %add3A_1536 = vector.broadcast %select_n3A_1521 : i32 to vector<16xi32>
      %add3A_1537 = arith.addi %rem3A_1523, %add3A_1536 : vector<16xi32>
      %select_n3A_1538 = arith.select %and3A_1535, %add3A_1537, %rem3A_1523 : vector<16xi1>, vector<16xi32>
      %broadcast_in_dim3A_1539 = vector.shape_cast %select_n3A_1538 : vector<16xi32> to vector<16x1xi32>
      %gather3A_1540 = vector.shape_cast %broadcast_in_dim3A_1539 : vector<16x1xi32> to vector<16xi32>
      %gather3A_1541 = tpu.dynamic_gather %min3A_1512[%gather3A_1540] in [0] : vector<16xf32>, vector<16xi32> -> vector<16xf32>
      %min3A_1542 = arith.minimumf %min3A_1512, %gather3A_1541 : vector<16xf32>
      %iota3A_1543 = tpu.iota {dimensions = array<i32: 0>} : vector<16xi32>
      %add3A_1544 = arith.constant 2 : i32
      %add3A_1545 = vector.broadcast %add3A_1544 : i32 to vector<16xi32>
      %add3A_1546 = arith.addi %iota3A_1543, %add3A_1545 : vector<16xi32>
      %jit3A_1547 = arith.constant 16 : i32
      %eq3A_1548 = arith.constant 0 : i32
      %eq3A_1549 = arith.cmpi eq, %jit3A_1547, %eq3A_1548 : i32
      %jit3A_1550 = arith.constant 1 : i32
      %select_n3A_1551 = arith.select %eq3A_1549, %jit3A_1550, %jit3A_1547 : i32
      %rem3A_1552 = vector.broadcast %select_n3A_1551 : i32 to vector<16xi32>
      %rem3A_1553 = arith.remsi %add3A_1546, %rem3A_1552 : vector<16xi32>
      %ne3A_1554 = arith.constant 0 : i32
      %ne3A_1555 = vector.broadcast %ne3A_1554 : i32 to vector<16xi32>
      %ne3A_1556 = arith.cmpi ne, %rem3A_1553, %ne3A_1555 : vector<16xi32>
      %lt3A_1557 = arith.constant 0 : i32
      %lt3A_1558 = vector.broadcast %lt3A_1557 : i32 to vector<16xi32>
      %lt3A_1559 = arith.cmpi slt, %rem3A_1553, %lt3A_1558 : vector<16xi32>
      %lt3A_1560 = arith.constant 0 : i32
      %lt3A_1561 = arith.cmpi slt, %select_n3A_1551, %lt3A_1560 : i32
      %ne3A_1562 = vector.broadcast %lt3A_1561 : i1 to vector<16xi1>
      %ne3A_1563 = vector.broadcast %ne3A_1562 : vector<16xi1> to vector<16xi1>
      %ne3A_1564 = arith.xori %lt3A_1559, %ne3A_1563 : vector<16xi1>
      %and3A_1565 = arith.andi %ne3A_1564, %ne3A_1556 : vector<16xi1>
      %add3A_1566 = vector.broadcast %select_n3A_1551 : i32 to vector<16xi32>
      %add3A_1567 = arith.addi %rem3A_1553, %add3A_1566 : vector<16xi32>
      %select_n3A_1568 = arith.select %and3A_1565, %add3A_1567, %rem3A_1553 : vector<16xi1>, vector<16xi32>
      %broadcast_in_dim3A_1569 = vector.shape_cast %select_n3A_1568 : vector<16xi32> to vector<16x1xi32>
      %gather3A_1570 = vector.shape_cast %broadcast_in_dim3A_1569 : vector<16x1xi32> to vector<16xi32>
      %gather3A_1571 = tpu.dynamic_gather %min3A_1542[%gather3A_1570] in [0] : vector<16xf32>, vector<16xi32> -> vector<16xf32>
      %min3A_1572 = arith.minimumf %min3A_1542, %gather3A_1571 : vector<16xf32>
      %iota3A_1573 = tpu.iota {dimensions = array<i32: 0>} : vector<16xi32>
      %add3A_1574 = arith.constant 1 : i32
      %add3A_1575 = vector.broadcast %add3A_1574 : i32 to vector<16xi32>
      %add3A_1576 = arith.addi %iota3A_1573, %add3A_1575 : vector<16xi32>
      %jit3A_1577 = arith.constant 16 : i32
      %eq3A_1578 = arith.constant 0 : i32
      %eq3A_1579 = arith.cmpi eq, %jit3A_1577, %eq3A_1578 : i32
      %jit3A_1580 = arith.constant 1 : i32
      %select_n3A_1581 = arith.select %eq3A_1579, %jit3A_1580, %jit3A_1577 : i32
      %rem3A_1582 = vector.broadcast %select_n3A_1581 : i32 to vector<16xi32>
      %rem3A_1583 = arith.remsi %add3A_1576, %rem3A_1582 : vector<16xi32>
      %ne3A_1584 = arith.constant 0 : i32
      %ne3A_1585 = vector.broadcast %ne3A_1584 : i32 to vector<16xi32>
      %ne3A_1586 = arith.cmpi ne, %rem3A_1583, %ne3A_1585 : vector<16xi32>
      %lt3A_1587 = arith.constant 0 : i32
      %lt3A_1588 = vector.broadcast %lt3A_1587 : i32 to vector<16xi32>
      %lt3A_1589 = arith.cmpi slt, %rem3A_1583, %lt3A_1588 : vector<16xi32>
      %lt3A_1590 = arith.constant 0 : i32
      %lt3A_1591 = arith.cmpi slt, %select_n3A_1581, %lt3A_1590 : i32
      %ne3A_1592 = vector.broadcast %lt3A_1591 : i1 to vector<16xi1>
      %ne3A_1593 = vector.broadcast %ne3A_1592 : vector<16xi1> to vector<16xi1>
      %ne3A_1594 = arith.xori %lt3A_1589, %ne3A_1593 : vector<16xi1>
      %and3A_1595 = arith.andi %ne3A_1594, %ne3A_1586 : vector<16xi1>
      %add3A_1596 = vector.broadcast %select_n3A_1581 : i32 to vector<16xi32>
      %add3A_1597 = arith.addi %rem3A_1583, %add3A_1596 : vector<16xi32>
      %select_n3A_1598 = arith.select %and3A_1595, %add3A_1597, %rem3A_1583 : vector<16xi1>, vector<16xi32>
      %broadcast_in_dim3A_1599 = vector.shape_cast %select_n3A_1598 : vector<16xi32> to vector<16x1xi32>
      %gather3A_1600 = vector.shape_cast %broadcast_in_dim3A_1599 : vector<16x1xi32> to vector<16xi32>
      %gather3A_1601 = tpu.dynamic_gather %min3A_1572[%gather3A_1600] in [0] : vector<16xf32>, vector<16xi32> -> vector<16xf32>
      %min3A_1602 = arith.minimumf %min3A_1572, %gather3A_1601 : vector<16xf32>
      %slice3A_1603 = vector.extract_strided_slice %min3A_1602 {offsets = [0], sizes = [1], strides = [1]} : vector<16xf32> to vector<1xf32>
      %squeeze3A_1604 = vector.extract %slice3A_1603[0] : f32 from vector<1xf32>
      %add3A_1605 = arith.addf %squeeze3A_1604, %add3A_1482 : f32
      %slice3A_1606 = vector.extract_strided_slice %get3A_66 {offsets = [8], sizes = [1], strides = [1]} : vector<16xf32> to vector<1xf32>
      %squeeze3A_1607 = vector.extract %slice3A_1606[0] : f32 from vector<1xf32>
      %mul3A_1608 = arith.mulf %add3A_1605, %squeeze3A_1607 : f32
      %add3A_1609 = arith.addf %add3A_1339, %mul3A_1608 : f32
      %slice3A_1610 = vector.extract_strided_slice %get3A_48 {offsets = [9], sizes = [1], strides = [1]} : vector<16xf32> to vector<1xf32>
      %squeeze3A_1611 = vector.extract %slice3A_1610[0] : f32 from vector<1xf32>
      %slice3A_1612 = vector.extract_strided_slice %get3A_48 {offsets = [9], sizes = [1], strides = [1]} : vector<16xf32> to vector<1xf32>
      %squeeze3A_1613 = vector.extract %slice3A_1612[0] : f32 from vector<1xf32>
      %mul3A_1614 = arith.mulf %squeeze3A_1611, %squeeze3A_1613 : f32
      %slice3A_1615 = vector.extract_strided_slice %get3A_51 {offsets = [9], sizes = [1], strides = [1]} : vector<16xf32> to vector<1xf32>
      %squeeze3A_1616 = vector.extract %slice3A_1615[0] : f32 from vector<1xf32>
      %slice3A_1617 = vector.extract_strided_slice %get3A_51 {offsets = [9], sizes = [1], strides = [1]} : vector<16xf32> to vector<1xf32>
      %squeeze3A_1618 = vector.extract %slice3A_1617[0] : f32 from vector<1xf32>
      %mul3A_1619 = arith.mulf %squeeze3A_1616, %squeeze3A_1618 : f32
      %add3A_1620 = arith.addf %mul3A_1614, %mul3A_1619 : f32
      %slice3A_1621 = vector.extract_strided_slice %get3A_54 {offsets = [9], sizes = [1], strides = [1]} : vector<16xf32> to vector<1xf32>
      %squeeze3A_1622 = vector.extract %slice3A_1621[0] : f32 from vector<1xf32>
      %slice3A_1623 = vector.extract_strided_slice %get3A_54 {offsets = [9], sizes = [1], strides = [1]} : vector<16xf32> to vector<1xf32>
      %squeeze3A_1624 = vector.extract %slice3A_1623[0] : f32 from vector<1xf32>
      %mul3A_1625 = arith.mulf %squeeze3A_1622, %squeeze3A_1624 : f32
      %add3A_1626 = arith.addf %add3A_1620, %mul3A_1625 : f32
      %iota3A_1627 = tpu.iota {dimensions = array<i32: 0>} : vector<16xi32>
      %add3A_1628 = arith.constant 8 : i32
      %add3A_1629 = vector.broadcast %add3A_1628 : i32 to vector<16xi32>
      %add3A_1630 = arith.addi %iota3A_1627, %add3A_1629 : vector<16xi32>
      %jit3A_1631 = arith.constant 16 : i32
      %eq3A_1632 = arith.constant 0 : i32
      %eq3A_1633 = arith.cmpi eq, %jit3A_1631, %eq3A_1632 : i32
      %jit3A_1634 = arith.constant 1 : i32
      %select_n3A_1635 = arith.select %eq3A_1633, %jit3A_1634, %jit3A_1631 : i32
      %rem3A_1636 = vector.broadcast %select_n3A_1635 : i32 to vector<16xi32>
      %rem3A_1637 = arith.remsi %add3A_1630, %rem3A_1636 : vector<16xi32>
      %ne3A_1638 = arith.constant 0 : i32
      %ne3A_1639 = vector.broadcast %ne3A_1638 : i32 to vector<16xi32>
      %ne3A_1640 = arith.cmpi ne, %rem3A_1637, %ne3A_1639 : vector<16xi32>
      %lt3A_1641 = arith.constant 0 : i32
      %lt3A_1642 = vector.broadcast %lt3A_1641 : i32 to vector<16xi32>
      %lt3A_1643 = arith.cmpi slt, %rem3A_1637, %lt3A_1642 : vector<16xi32>
      %lt3A_1644 = arith.constant 0 : i32
      %lt3A_1645 = arith.cmpi slt, %select_n3A_1635, %lt3A_1644 : i32
      %ne3A_1646 = vector.broadcast %lt3A_1645 : i1 to vector<16xi1>
      %ne3A_1647 = vector.broadcast %ne3A_1646 : vector<16xi1> to vector<16xi1>
      %ne3A_1648 = arith.xori %lt3A_1643, %ne3A_1647 : vector<16xi1>
      %and3A_1649 = arith.andi %ne3A_1648, %ne3A_1640 : vector<16xi1>
      %add3A_1650 = vector.broadcast %select_n3A_1635 : i32 to vector<16xi32>
      %add3A_1651 = arith.addi %rem3A_1637, %add3A_1650 : vector<16xi32>
      %select_n3A_1652 = arith.select %and3A_1649, %add3A_1651, %rem3A_1637 : vector<16xi1>, vector<16xi32>
      %broadcast_in_dim3A_1653 = vector.shape_cast %select_n3A_1652 : vector<16xi32> to vector<16x1xi32>
      %gather3A_1654 = vector.shape_cast %broadcast_in_dim3A_1653 : vector<16x1xi32> to vector<16xi32>
      %gather3A_1655 = tpu.dynamic_gather %scan3A_1464#1[%gather3A_1654] in [0] : vector<16xf32>, vector<16xi32> -> vector<16xf32>
      %min3A_1656 = arith.minimumf %scan3A_1464#1, %gather3A_1655 : vector<16xf32>
      %iota3A_1657 = tpu.iota {dimensions = array<i32: 0>} : vector<16xi32>
      %add3A_1658 = arith.constant 4 : i32
      %add3A_1659 = vector.broadcast %add3A_1658 : i32 to vector<16xi32>
      %add3A_1660 = arith.addi %iota3A_1657, %add3A_1659 : vector<16xi32>
      %jit3A_1661 = arith.constant 16 : i32
      %eq3A_1662 = arith.constant 0 : i32
      %eq3A_1663 = arith.cmpi eq, %jit3A_1661, %eq3A_1662 : i32
      %jit3A_1664 = arith.constant 1 : i32
      %select_n3A_1665 = arith.select %eq3A_1663, %jit3A_1664, %jit3A_1661 : i32
      %rem3A_1666 = vector.broadcast %select_n3A_1665 : i32 to vector<16xi32>
      %rem3A_1667 = arith.remsi %add3A_1660, %rem3A_1666 : vector<16xi32>
      %ne3A_1668 = arith.constant 0 : i32
      %ne3A_1669 = vector.broadcast %ne3A_1668 : i32 to vector<16xi32>
      %ne3A_1670 = arith.cmpi ne, %rem3A_1667, %ne3A_1669 : vector<16xi32>
      %lt3A_1671 = arith.constant 0 : i32
      %lt3A_1672 = vector.broadcast %lt3A_1671 : i32 to vector<16xi32>
      %lt3A_1673 = arith.cmpi slt, %rem3A_1667, %lt3A_1672 : vector<16xi32>
      %lt3A_1674 = arith.constant 0 : i32
      %lt3A_1675 = arith.cmpi slt, %select_n3A_1665, %lt3A_1674 : i32
      %ne3A_1676 = vector.broadcast %lt3A_1675 : i1 to vector<16xi1>
      %ne3A_1677 = vector.broadcast %ne3A_1676 : vector<16xi1> to vector<16xi1>
      %ne3A_1678 = arith.xori %lt3A_1673, %ne3A_1677 : vector<16xi1>
      %and3A_1679 = arith.andi %ne3A_1678, %ne3A_1670 : vector<16xi1>
      %add3A_1680 = vector.broadcast %select_n3A_1665 : i32 to vector<16xi32>
      %add3A_1681 = arith.addi %rem3A_1667, %add3A_1680 : vector<16xi32>
      %select_n3A_1682 = arith.select %and3A_1679, %add3A_1681, %rem3A_1667 : vector<16xi1>, vector<16xi32>
      %broadcast_in_dim3A_1683 = vector.shape_cast %select_n3A_1682 : vector<16xi32> to vector<16x1xi32>
      %gather3A_1684 = vector.shape_cast %broadcast_in_dim3A_1683 : vector<16x1xi32> to vector<16xi32>
      %gather3A_1685 = tpu.dynamic_gather %min3A_1656[%gather3A_1684] in [0] : vector<16xf32>, vector<16xi32> -> vector<16xf32>
      %min3A_1686 = arith.minimumf %min3A_1656, %gather3A_1685 : vector<16xf32>
      %iota3A_1687 = tpu.iota {dimensions = array<i32: 0>} : vector<16xi32>
      %add3A_1688 = arith.constant 2 : i32
      %add3A_1689 = vector.broadcast %add3A_1688 : i32 to vector<16xi32>
      %add3A_1690 = arith.addi %iota3A_1687, %add3A_1689 : vector<16xi32>
      %jit3A_1691 = arith.constant 16 : i32
      %eq3A_1692 = arith.constant 0 : i32
      %eq3A_1693 = arith.cmpi eq, %jit3A_1691, %eq3A_1692 : i32
      %jit3A_1694 = arith.constant 1 : i32
      %select_n3A_1695 = arith.select %eq3A_1693, %jit3A_1694, %jit3A_1691 : i32
      %rem3A_1696 = vector.broadcast %select_n3A_1695 : i32 to vector<16xi32>
      %rem3A_1697 = arith.remsi %add3A_1690, %rem3A_1696 : vector<16xi32>
      %ne3A_1698 = arith.constant 0 : i32
      %ne3A_1699 = vector.broadcast %ne3A_1698 : i32 to vector<16xi32>
      %ne3A_1700 = arith.cmpi ne, %rem3A_1697, %ne3A_1699 : vector<16xi32>
      %lt3A_1701 = arith.constant 0 : i32
      %lt3A_1702 = vector.broadcast %lt3A_1701 : i32 to vector<16xi32>
      %lt3A_1703 = arith.cmpi slt, %rem3A_1697, %lt3A_1702 : vector<16xi32>
      %lt3A_1704 = arith.constant 0 : i32
      %lt3A_1705 = arith.cmpi slt, %select_n3A_1695, %lt3A_1704 : i32
      %ne3A_1706 = vector.broadcast %lt3A_1705 : i1 to vector<16xi1>
      %ne3A_1707 = vector.broadcast %ne3A_1706 : vector<16xi1> to vector<16xi1>
      %ne3A_1708 = arith.xori %lt3A_1703, %ne3A_1707 : vector<16xi1>
      %and3A_1709 = arith.andi %ne3A_1708, %ne3A_1700 : vector<16xi1>
      %add3A_1710 = vector.broadcast %select_n3A_1695 : i32 to vector<16xi32>
      %add3A_1711 = arith.addi %rem3A_1697, %add3A_1710 : vector<16xi32>
      %select_n3A_1712 = arith.select %and3A_1709, %add3A_1711, %rem3A_1697 : vector<16xi1>, vector<16xi32>
      %broadcast_in_dim3A_1713 = vector.shape_cast %select_n3A_1712 : vector<16xi32> to vector<16x1xi32>
      %gather3A_1714 = vector.shape_cast %broadcast_in_dim3A_1713 : vector<16x1xi32> to vector<16xi32>
      %gather3A_1715 = tpu.dynamic_gather %min3A_1686[%gather3A_1714] in [0] : vector<16xf32>, vector<16xi32> -> vector<16xf32>
      %min3A_1716 = arith.minimumf %min3A_1686, %gather3A_1715 : vector<16xf32>
      %iota3A_1717 = tpu.iota {dimensions = array<i32: 0>} : vector<16xi32>
      %add3A_1718 = arith.constant 1 : i32
      %add3A_1719 = vector.broadcast %add3A_1718 : i32 to vector<16xi32>
      %add3A_1720 = arith.addi %iota3A_1717, %add3A_1719 : vector<16xi32>
      %jit3A_1721 = arith.constant 16 : i32
      %eq3A_1722 = arith.constant 0 : i32
      %eq3A_1723 = arith.cmpi eq, %jit3A_1721, %eq3A_1722 : i32
      %jit3A_1724 = arith.constant 1 : i32
      %select_n3A_1725 = arith.select %eq3A_1723, %jit3A_1724, %jit3A_1721 : i32
      %rem3A_1726 = vector.broadcast %select_n3A_1725 : i32 to vector<16xi32>
      %rem3A_1727 = arith.remsi %add3A_1720, %rem3A_1726 : vector<16xi32>
      %ne3A_1728 = arith.constant 0 : i32
      %ne3A_1729 = vector.broadcast %ne3A_1728 : i32 to vector<16xi32>
      %ne3A_1730 = arith.cmpi ne, %rem3A_1727, %ne3A_1729 : vector<16xi32>
      %lt3A_1731 = arith.constant 0 : i32
      %lt3A_1732 = vector.broadcast %lt3A_1731 : i32 to vector<16xi32>
      %lt3A_1733 = arith.cmpi slt, %rem3A_1727, %lt3A_1732 : vector<16xi32>
      %lt3A_1734 = arith.constant 0 : i32
      %lt3A_1735 = arith.cmpi slt, %select_n3A_1725, %lt3A_1734 : i32
      %ne3A_1736 = vector.broadcast %lt3A_1735 : i1 to vector<16xi1>
      %ne3A_1737 = vector.broadcast %ne3A_1736 : vector<16xi1> to vector<16xi1>
      %ne3A_1738 = arith.xori %lt3A_1733, %ne3A_1737 : vector<16xi1>
      %and3A_1739 = arith.andi %ne3A_1738, %ne3A_1730 : vector<16xi1>
      %add3A_1740 = vector.broadcast %select_n3A_1725 : i32 to vector<16xi32>
      %add3A_1741 = arith.addi %rem3A_1727, %add3A_1740 : vector<16xi32>
      %select_n3A_1742 = arith.select %and3A_1739, %add3A_1741, %rem3A_1727 : vector<16xi1>, vector<16xi32>
      %broadcast_in_dim3A_1743 = vector.shape_cast %select_n3A_1742 : vector<16xi32> to vector<16x1xi32>
      %gather3A_1744 = vector.shape_cast %broadcast_in_dim3A_1743 : vector<16x1xi32> to vector<16xi32>
      %gather3A_1745 = tpu.dynamic_gather %min3A_1716[%gather3A_1744] in [0] : vector<16xf32>, vector<16xi32> -> vector<16xf32>
      %min3A_1746 = arith.minimumf %min3A_1716, %gather3A_1745 : vector<16xf32>
      %slice3A_1747 = vector.extract_strided_slice %min3A_1746 {offsets = [0], sizes = [1], strides = [1]} : vector<16xf32> to vector<1xf32>
      %squeeze3A_1748 = vector.extract %slice3A_1747[0] : f32 from vector<1xf32>
      %add3A_1749 = arith.addf %squeeze3A_1748, %add3A_1626 : f32
      %slice3A_1750 = vector.extract_strided_slice %get3A_66 {offsets = [9], sizes = [1], strides = [1]} : vector<16xf32> to vector<1xf32>
      %squeeze3A_1751 = vector.extract %slice3A_1750[0] : f32 from vector<1xf32>
      %mul3A_1752 = arith.mulf %add3A_1749, %squeeze3A_1751 : f32
      %add3A_1753 = arith.addf %add3A_1609, %mul3A_1752 : f32
      %slice3A_1754 = vector.extract_strided_slice %get3A_48 {offsets = [10], sizes = [1], strides = [1]} : vector<16xf32> to vector<1xf32>
      %squeeze3A_1755 = vector.extract %slice3A_1754[0] : f32 from vector<1xf32>
      %slice3A_1756 = vector.extract_strided_slice %get3A_48 {offsets = [10], sizes = [1], strides = [1]} : vector<16xf32> to vector<1xf32>
      %squeeze3A_1757 = vector.extract %slice3A_1756[0] : f32 from vector<1xf32>
      %mul3A_1758 = arith.mulf %squeeze3A_1755, %squeeze3A_1757 : f32
      %slice3A_1759 = vector.extract_strided_slice %get3A_51 {offsets = [10], sizes = [1], strides = [1]} : vector<16xf32> to vector<1xf32>
      %squeeze3A_1760 = vector.extract %slice3A_1759[0] : f32 from vector<1xf32>
      %slice3A_1761 = vector.extract_strided_slice %get3A_51 {offsets = [10], sizes = [1], strides = [1]} : vector<16xf32> to vector<1xf32>
      %squeeze3A_1762 = vector.extract %slice3A_1761[0] : f32 from vector<1xf32>
      %mul3A_1763 = arith.mulf %squeeze3A_1760, %squeeze3A_1762 : f32
      %add3A_1764 = arith.addf %mul3A_1758, %mul3A_1763 : f32
      %slice3A_1765 = vector.extract_strided_slice %get3A_54 {offsets = [10], sizes = [1], strides = [1]} : vector<16xf32> to vector<1xf32>
      %squeeze3A_1766 = vector.extract %slice3A_1765[0] : f32 from vector<1xf32>
      %slice3A_1767 = vector.extract_strided_slice %get3A_54 {offsets = [10], sizes = [1], strides = [1]} : vector<16xf32> to vector<1xf32>
      %squeeze3A_1768 = vector.extract %slice3A_1767[0] : f32 from vector<1xf32>
      %mul3A_1769 = arith.mulf %squeeze3A_1766, %squeeze3A_1768 : f32
      %add3A_1770 = arith.addf %add3A_1764, %mul3A_1769 : f32
      %iota3A_1771 = tpu.iota {dimensions = array<i32: 0>} : vector<16xi32>
      %add3A_1772 = arith.constant 8 : i32
      %add3A_1773 = vector.broadcast %add3A_1772 : i32 to vector<16xi32>
      %add3A_1774 = arith.addi %iota3A_1771, %add3A_1773 : vector<16xi32>
      %jit3A_1775 = arith.constant 16 : i32
      %eq3A_1776 = arith.constant 0 : i32
      %eq3A_1777 = arith.cmpi eq, %jit3A_1775, %eq3A_1776 : i32
      %jit3A_1778 = arith.constant 1 : i32
      %select_n3A_1779 = arith.select %eq3A_1777, %jit3A_1778, %jit3A_1775 : i32
      %rem3A_1780 = vector.broadcast %select_n3A_1779 : i32 to vector<16xi32>
      %rem3A_1781 = arith.remsi %add3A_1774, %rem3A_1780 : vector<16xi32>
      %ne3A_1782 = arith.constant 0 : i32
      %ne3A_1783 = vector.broadcast %ne3A_1782 : i32 to vector<16xi32>
      %ne3A_1784 = arith.cmpi ne, %rem3A_1781, %ne3A_1783 : vector<16xi32>
      %lt3A_1785 = arith.constant 0 : i32
      %lt3A_1786 = vector.broadcast %lt3A_1785 : i32 to vector<16xi32>
      %lt3A_1787 = arith.cmpi slt, %rem3A_1781, %lt3A_1786 : vector<16xi32>
      %lt3A_1788 = arith.constant 0 : i32
      %lt3A_1789 = arith.cmpi slt, %select_n3A_1779, %lt3A_1788 : i32
      %ne3A_1790 = vector.broadcast %lt3A_1789 : i1 to vector<16xi1>
      %ne3A_1791 = vector.broadcast %ne3A_1790 : vector<16xi1> to vector<16xi1>
      %ne3A_1792 = arith.xori %lt3A_1787, %ne3A_1791 : vector<16xi1>
      %and3A_1793 = arith.andi %ne3A_1792, %ne3A_1784 : vector<16xi1>
      %add3A_1794 = vector.broadcast %select_n3A_1779 : i32 to vector<16xi32>
      %add3A_1795 = arith.addi %rem3A_1781, %add3A_1794 : vector<16xi32>
      %select_n3A_1796 = arith.select %and3A_1793, %add3A_1795, %rem3A_1781 : vector<16xi1>, vector<16xi32>
      %broadcast_in_dim3A_1797 = vector.shape_cast %select_n3A_1796 : vector<16xi32> to vector<16x1xi32>
      %gather3A_1798 = vector.shape_cast %broadcast_in_dim3A_1797 : vector<16x1xi32> to vector<16xi32>
      %gather3A_1799 = tpu.dynamic_gather %scan3A_1464#2[%gather3A_1798] in [0] : vector<16xf32>, vector<16xi32> -> vector<16xf32>
      %min3A_1800 = arith.minimumf %scan3A_1464#2, %gather3A_1799 : vector<16xf32>
      %iota3A_1801 = tpu.iota {dimensions = array<i32: 0>} : vector<16xi32>
      %add3A_1802 = arith.constant 4 : i32
      %add3A_1803 = vector.broadcast %add3A_1802 : i32 to vector<16xi32>
      %add3A_1804 = arith.addi %iota3A_1801, %add3A_1803 : vector<16xi32>
      %jit3A_1805 = arith.constant 16 : i32
      %eq3A_1806 = arith.constant 0 : i32
      %eq3A_1807 = arith.cmpi eq, %jit3A_1805, %eq3A_1806 : i32
      %jit3A_1808 = arith.constant 1 : i32
      %select_n3A_1809 = arith.select %eq3A_1807, %jit3A_1808, %jit3A_1805 : i32
      %rem3A_1810 = vector.broadcast %select_n3A_1809 : i32 to vector<16xi32>
      %rem3A_1811 = arith.remsi %add3A_1804, %rem3A_1810 : vector<16xi32>
      %ne3A_1812 = arith.constant 0 : i32
      %ne3A_1813 = vector.broadcast %ne3A_1812 : i32 to vector<16xi32>
      %ne3A_1814 = arith.cmpi ne, %rem3A_1811, %ne3A_1813 : vector<16xi32>
      %lt3A_1815 = arith.constant 0 : i32
      %lt3A_1816 = vector.broadcast %lt3A_1815 : i32 to vector<16xi32>
      %lt3A_1817 = arith.cmpi slt, %rem3A_1811, %lt3A_1816 : vector<16xi32>
      %lt3A_1818 = arith.constant 0 : i32
      %lt3A_1819 = arith.cmpi slt, %select_n3A_1809, %lt3A_1818 : i32
      %ne3A_1820 = vector.broadcast %lt3A_1819 : i1 to vector<16xi1>
      %ne3A_1821 = vector.broadcast %ne3A_1820 : vector<16xi1> to vector<16xi1>
      %ne3A_1822 = arith.xori %lt3A_1817, %ne3A_1821 : vector<16xi1>
      %and3A_1823 = arith.andi %ne3A_1822, %ne3A_1814 : vector<16xi1>
      %add3A_1824 = vector.broadcast %select_n3A_1809 : i32 to vector<16xi32>
      %add3A_1825 = arith.addi %rem3A_1811, %add3A_1824 : vector<16xi32>
      %select_n3A_1826 = arith.select %and3A_1823, %add3A_1825, %rem3A_1811 : vector<16xi1>, vector<16xi32>
      %broadcast_in_dim3A_1827 = vector.shape_cast %select_n3A_1826 : vector<16xi32> to vector<16x1xi32>
      %gather3A_1828 = vector.shape_cast %broadcast_in_dim3A_1827 : vector<16x1xi32> to vector<16xi32>
      %gather3A_1829 = tpu.dynamic_gather %min3A_1800[%gather3A_1828] in [0] : vector<16xf32>, vector<16xi32> -> vector<16xf32>
      %min3A_1830 = arith.minimumf %min3A_1800, %gather3A_1829 : vector<16xf32>
      %iota3A_1831 = tpu.iota {dimensions = array<i32: 0>} : vector<16xi32>
      %add3A_1832 = arith.constant 2 : i32
      %add3A_1833 = vector.broadcast %add3A_1832 : i32 to vector<16xi32>
      %add3A_1834 = arith.addi %iota3A_1831, %add3A_1833 : vector<16xi32>
      %jit3A_1835 = arith.constant 16 : i32
      %eq3A_1836 = arith.constant 0 : i32
      %eq3A_1837 = arith.cmpi eq, %jit3A_1835, %eq3A_1836 : i32
      %jit3A_1838 = arith.constant 1 : i32
      %select_n3A_1839 = arith.select %eq3A_1837, %jit3A_1838, %jit3A_1835 : i32
      %rem3A_1840 = vector.broadcast %select_n3A_1839 : i32 to vector<16xi32>
      %rem3A_1841 = arith.remsi %add3A_1834, %rem3A_1840 : vector<16xi32>
      %ne3A_1842 = arith.constant 0 : i32
      %ne3A_1843 = vector.broadcast %ne3A_1842 : i32 to vector<16xi32>
      %ne3A_1844 = arith.cmpi ne, %rem3A_1841, %ne3A_1843 : vector<16xi32>
      %lt3A_1845 = arith.constant 0 : i32
      %lt3A_1846 = vector.broadcast %lt3A_1845 : i32 to vector<16xi32>
      %lt3A_1847 = arith.cmpi slt, %rem3A_1841, %lt3A_1846 : vector<16xi32>
      %lt3A_1848 = arith.constant 0 : i32
      %lt3A_1849 = arith.cmpi slt, %select_n3A_1839, %lt3A_1848 : i32
      %ne3A_1850 = vector.broadcast %lt3A_1849 : i1 to vector<16xi1>
      %ne3A_1851 = vector.broadcast %ne3A_1850 : vector<16xi1> to vector<16xi1>
      %ne3A_1852 = arith.xori %lt3A_1847, %ne3A_1851 : vector<16xi1>
      %and3A_1853 = arith.andi %ne3A_1852, %ne3A_1844 : vector<16xi1>
      %add3A_1854 = vector.broadcast %select_n3A_1839 : i32 to vector<16xi32>
      %add3A_1855 = arith.addi %rem3A_1841, %add3A_1854 : vector<16xi32>
      %select_n3A_1856 = arith.select %and3A_1853, %add3A_1855, %rem3A_1841 : vector<16xi1>, vector<16xi32>
      %broadcast_in_dim3A_1857 = vector.shape_cast %select_n3A_1856 : vector<16xi32> to vector<16x1xi32>
      %gather3A_1858 = vector.shape_cast %broadcast_in_dim3A_1857 : vector<16x1xi32> to vector<16xi32>
      %gather3A_1859 = tpu.dynamic_gather %min3A_1830[%gather3A_1858] in [0] : vector<16xf32>, vector<16xi32> -> vector<16xf32>
      %min3A_1860 = arith.minimumf %min3A_1830, %gather3A_1859 : vector<16xf32>
      %iota3A_1861 = tpu.iota {dimensions = array<i32: 0>} : vector<16xi32>
      %add3A_1862 = arith.constant 1 : i32
      %add3A_1863 = vector.broadcast %add3A_1862 : i32 to vector<16xi32>
      %add3A_1864 = arith.addi %iota3A_1861, %add3A_1863 : vector<16xi32>
      %jit3A_1865 = arith.constant 16 : i32
      %eq3A_1866 = arith.constant 0 : i32
      %eq3A_1867 = arith.cmpi eq, %jit3A_1865, %eq3A_1866 : i32
      %jit3A_1868 = arith.constant 1 : i32
      %select_n3A_1869 = arith.select %eq3A_1867, %jit3A_1868, %jit3A_1865 : i32
      %rem3A_1870 = vector.broadcast %select_n3A_1869 : i32 to vector<16xi32>
      %rem3A_1871 = arith.remsi %add3A_1864, %rem3A_1870 : vector<16xi32>
      %ne3A_1872 = arith.constant 0 : i32
      %ne3A_1873 = vector.broadcast %ne3A_1872 : i32 to vector<16xi32>
      %ne3A_1874 = arith.cmpi ne, %rem3A_1871, %ne3A_1873 : vector<16xi32>
      %lt3A_1875 = arith.constant 0 : i32
      %lt3A_1876 = vector.broadcast %lt3A_1875 : i32 to vector<16xi32>
      %lt3A_1877 = arith.cmpi slt, %rem3A_1871, %lt3A_1876 : vector<16xi32>
      %lt3A_1878 = arith.constant 0 : i32
      %lt3A_1879 = arith.cmpi slt, %select_n3A_1869, %lt3A_1878 : i32
      %ne3A_1880 = vector.broadcast %lt3A_1879 : i1 to vector<16xi1>
      %ne3A_1881 = vector.broadcast %ne3A_1880 : vector<16xi1> to vector<16xi1>
      %ne3A_1882 = arith.xori %lt3A_1877, %ne3A_1881 : vector<16xi1>
      %and3A_1883 = arith.andi %ne3A_1882, %ne3A_1874 : vector<16xi1>
      %add3A_1884 = vector.broadcast %select_n3A_1869 : i32 to vector<16xi32>
      %add3A_1885 = arith.addi %rem3A_1871, %add3A_1884 : vector<16xi32>
      %select_n3A_1886 = arith.select %and3A_1883, %add3A_1885, %rem3A_1871 : vector<16xi1>, vector<16xi32>
      %broadcast_in_dim3A_1887 = vector.shape_cast %select_n3A_1886 : vector<16xi32> to vector<16x1xi32>
      %gather3A_1888 = vector.shape_cast %broadcast_in_dim3A_1887 : vector<16x1xi32> to vector<16xi32>
      %gather3A_1889 = tpu.dynamic_gather %min3A_1860[%gather3A_1888] in [0] : vector<16xf32>, vector<16xi32> -> vector<16xf32>
      %min3A_1890 = arith.minimumf %min3A_1860, %gather3A_1889 : vector<16xf32>
      %slice3A_1891 = vector.extract_strided_slice %min3A_1890 {offsets = [0], sizes = [1], strides = [1]} : vector<16xf32> to vector<1xf32>
      %squeeze3A_1892 = vector.extract %slice3A_1891[0] : f32 from vector<1xf32>
      %add3A_1893 = arith.addf %squeeze3A_1892, %add3A_1770 : f32
      %slice3A_1894 = vector.extract_strided_slice %get3A_66 {offsets = [10], sizes = [1], strides = [1]} : vector<16xf32> to vector<1xf32>
      %squeeze3A_1895 = vector.extract %slice3A_1894[0] : f32 from vector<1xf32>
      %mul3A_1896 = arith.mulf %add3A_1893, %squeeze3A_1895 : f32
      %add3A_1897 = arith.addf %add3A_1753, %mul3A_1896 : f32
      %slice3A_1898 = vector.extract_strided_slice %get3A_48 {offsets = [11], sizes = [1], strides = [1]} : vector<16xf32> to vector<1xf32>
      %squeeze3A_1899 = vector.extract %slice3A_1898[0] : f32 from vector<1xf32>
      %slice3A_1900 = vector.extract_strided_slice %get3A_48 {offsets = [11], sizes = [1], strides = [1]} : vector<16xf32> to vector<1xf32>
      %squeeze3A_1901 = vector.extract %slice3A_1900[0] : f32 from vector<1xf32>
      %mul3A_1902 = arith.mulf %squeeze3A_1899, %squeeze3A_1901 : f32
      %slice3A_1903 = vector.extract_strided_slice %get3A_51 {offsets = [11], sizes = [1], strides = [1]} : vector<16xf32> to vector<1xf32>
      %squeeze3A_1904 = vector.extract %slice3A_1903[0] : f32 from vector<1xf32>
      %slice3A_1905 = vector.extract_strided_slice %get3A_51 {offsets = [11], sizes = [1], strides = [1]} : vector<16xf32> to vector<1xf32>
      %squeeze3A_1906 = vector.extract %slice3A_1905[0] : f32 from vector<1xf32>
      %mul3A_1907 = arith.mulf %squeeze3A_1904, %squeeze3A_1906 : f32
      %add3A_1908 = arith.addf %mul3A_1902, %mul3A_1907 : f32
      %slice3A_1909 = vector.extract_strided_slice %get3A_54 {offsets = [11], sizes = [1], strides = [1]} : vector<16xf32> to vector<1xf32>
      %squeeze3A_1910 = vector.extract %slice3A_1909[0] : f32 from vector<1xf32>
      %slice3A_1911 = vector.extract_strided_slice %get3A_54 {offsets = [11], sizes = [1], strides = [1]} : vector<16xf32> to vector<1xf32>
      %squeeze3A_1912 = vector.extract %slice3A_1911[0] : f32 from vector<1xf32>
      %mul3A_1913 = arith.mulf %squeeze3A_1910, %squeeze3A_1912 : f32
      %add3A_1914 = arith.addf %add3A_1908, %mul3A_1913 : f32
      %iota3A_1915 = tpu.iota {dimensions = array<i32: 0>} : vector<16xi32>
      %add3A_1916 = arith.constant 8 : i32
      %add3A_1917 = vector.broadcast %add3A_1916 : i32 to vector<16xi32>
      %add3A_1918 = arith.addi %iota3A_1915, %add3A_1917 : vector<16xi32>
      %jit3A_1919 = arith.constant 16 : i32
      %eq3A_1920 = arith.constant 0 : i32
      %eq3A_1921 = arith.cmpi eq, %jit3A_1919, %eq3A_1920 : i32
      %jit3A_1922 = arith.constant 1 : i32
      %select_n3A_1923 = arith.select %eq3A_1921, %jit3A_1922, %jit3A_1919 : i32
      %rem3A_1924 = vector.broadcast %select_n3A_1923 : i32 to vector<16xi32>
      %rem3A_1925 = arith.remsi %add3A_1918, %rem3A_1924 : vector<16xi32>
      %ne3A_1926 = arith.constant 0 : i32
      %ne3A_1927 = vector.broadcast %ne3A_1926 : i32 to vector<16xi32>
      %ne3A_1928 = arith.cmpi ne, %rem3A_1925, %ne3A_1927 : vector<16xi32>
      %lt3A_1929 = arith.constant 0 : i32
      %lt3A_1930 = vector.broadcast %lt3A_1929 : i32 to vector<16xi32>
      %lt3A_1931 = arith.cmpi slt, %rem3A_1925, %lt3A_1930 : vector<16xi32>
      %lt3A_1932 = arith.constant 0 : i32
      %lt3A_1933 = arith.cmpi slt, %select_n3A_1923, %lt3A_1932 : i32
      %ne3A_1934 = vector.broadcast %lt3A_1933 : i1 to vector<16xi1>
      %ne3A_1935 = vector.broadcast %ne3A_1934 : vector<16xi1> to vector<16xi1>
      %ne3A_1936 = arith.xori %lt3A_1931, %ne3A_1935 : vector<16xi1>
      %and3A_1937 = arith.andi %ne3A_1936, %ne3A_1928 : vector<16xi1>
      %add3A_1938 = vector.broadcast %select_n3A_1923 : i32 to vector<16xi32>
      %add3A_1939 = arith.addi %rem3A_1925, %add3A_1938 : vector<16xi32>
      %select_n3A_1940 = arith.select %and3A_1937, %add3A_1939, %rem3A_1925 : vector<16xi1>, vector<16xi32>
      %broadcast_in_dim3A_1941 = vector.shape_cast %select_n3A_1940 : vector<16xi32> to vector<16x1xi32>
      %gather3A_1942 = vector.shape_cast %broadcast_in_dim3A_1941 : vector<16x1xi32> to vector<16xi32>
      %gather3A_1943 = tpu.dynamic_gather %scan3A_1464#3[%gather3A_1942] in [0] : vector<16xf32>, vector<16xi32> -> vector<16xf32>
      %min3A_1944 = arith.minimumf %scan3A_1464#3, %gather3A_1943 : vector<16xf32>
      %iota3A_1945 = tpu.iota {dimensions = array<i32: 0>} : vector<16xi32>
      %add3A_1946 = arith.constant 4 : i32
      %add3A_1947 = vector.broadcast %add3A_1946 : i32 to vector<16xi32>
      %add3A_1948 = arith.addi %iota3A_1945, %add3A_1947 : vector<16xi32>
      %jit3A_1949 = arith.constant 16 : i32
      %eq3A_1950 = arith.constant 0 : i32
      %eq3A_1951 = arith.cmpi eq, %jit3A_1949, %eq3A_1950 : i32
      %jit3A_1952 = arith.constant 1 : i32
      %select_n3A_1953 = arith.select %eq3A_1951, %jit3A_1952, %jit3A_1949 : i32
      %rem3A_1954 = vector.broadcast %select_n3A_1953 : i32 to vector<16xi32>
      %rem3A_1955 = arith.remsi %add3A_1948, %rem3A_1954 : vector<16xi32>
      %ne3A_1956 = arith.constant 0 : i32
      %ne3A_1957 = vector.broadcast %ne3A_1956 : i32 to vector<16xi32>
      %ne3A_1958 = arith.cmpi ne, %rem3A_1955, %ne3A_1957 : vector<16xi32>
      %lt3A_1959 = arith.constant 0 : i32
      %lt3A_1960 = vector.broadcast %lt3A_1959 : i32 to vector<16xi32>
      %lt3A_1961 = arith.cmpi slt, %rem3A_1955, %lt3A_1960 : vector<16xi32>
      %lt3A_1962 = arith.constant 0 : i32
      %lt3A_1963 = arith.cmpi slt, %select_n3A_1953, %lt3A_1962 : i32
      %ne3A_1964 = vector.broadcast %lt3A_1963 : i1 to vector<16xi1>
      %ne3A_1965 = vector.broadcast %ne3A_1964 : vector<16xi1> to vector<16xi1>
      %ne3A_1966 = arith.xori %lt3A_1961, %ne3A_1965 : vector<16xi1>
      %and3A_1967 = arith.andi %ne3A_1966, %ne3A_1958 : vector<16xi1>
      %add3A_1968 = vector.broadcast %select_n3A_1953 : i32 to vector<16xi32>
      %add3A_1969 = arith.addi %rem3A_1955, %add3A_1968 : vector<16xi32>
      %select_n3A_1970 = arith.select %and3A_1967, %add3A_1969, %rem3A_1955 : vector<16xi1>, vector<16xi32>
      %broadcast_in_dim3A_1971 = vector.shape_cast %select_n3A_1970 : vector<16xi32> to vector<16x1xi32>
      %gather3A_1972 = vector.shape_cast %broadcast_in_dim3A_1971 : vector<16x1xi32> to vector<16xi32>
      %gather3A_1973 = tpu.dynamic_gather %min3A_1944[%gather3A_1972] in [0] : vector<16xf32>, vector<16xi32> -> vector<16xf32>
      %min3A_1974 = arith.minimumf %min3A_1944, %gather3A_1973 : vector<16xf32>
      %iota3A_1975 = tpu.iota {dimensions = array<i32: 0>} : vector<16xi32>
      %add3A_1976 = arith.constant 2 : i32
      %add3A_1977 = vector.broadcast %add3A_1976 : i32 to vector<16xi32>
      %add3A_1978 = arith.addi %iota3A_1975, %add3A_1977 : vector<16xi32>
      %jit3A_1979 = arith.constant 16 : i32
      %eq3A_1980 = arith.constant 0 : i32
      %eq3A_1981 = arith.cmpi eq, %jit3A_1979, %eq3A_1980 : i32
      %jit3A_1982 = arith.constant 1 : i32
      %select_n3A_1983 = arith.select %eq3A_1981, %jit3A_1982, %jit3A_1979 : i32
      %rem3A_1984 = vector.broadcast %select_n3A_1983 : i32 to vector<16xi32>
      %rem3A_1985 = arith.remsi %add3A_1978, %rem3A_1984 : vector<16xi32>
      %ne3A_1986 = arith.constant 0 : i32
      %ne3A_1987 = vector.broadcast %ne3A_1986 : i32 to vector<16xi32>
      %ne3A_1988 = arith.cmpi ne, %rem3A_1985, %ne3A_1987 : vector<16xi32>
      %lt3A_1989 = arith.constant 0 : i32
      %lt3A_1990 = vector.broadcast %lt3A_1989 : i32 to vector<16xi32>
      %lt3A_1991 = arith.cmpi slt, %rem3A_1985, %lt3A_1990 : vector<16xi32>
      %lt3A_1992 = arith.constant 0 : i32
      %lt3A_1993 = arith.cmpi slt, %select_n3A_1983, %lt3A_1992 : i32
      %ne3A_1994 = vector.broadcast %lt3A_1993 : i1 to vector<16xi1>
      %ne3A_1995 = vector.broadcast %ne3A_1994 : vector<16xi1> to vector<16xi1>
      %ne3A_1996 = arith.xori %lt3A_1991, %ne3A_1995 : vector<16xi1>
      %and3A_1997 = arith.andi %ne3A_1996, %ne3A_1988 : vector<16xi1>
      %add3A_1998 = vector.broadcast %select_n3A_1983 : i32 to vector<16xi32>
      %add3A_1999 = arith.addi %rem3A_1985, %add3A_1998 : vector<16xi32>
      %select_n3A_2000 = arith.select %and3A_1997, %add3A_1999, %rem3A_1985 : vector<16xi1>, vector<16xi32>
      %broadcast_in_dim3A_2001 = vector.shape_cast %select_n3A_2000 : vector<16xi32> to vector<16x1xi32>
      %gather3A_2002 = vector.shape_cast %broadcast_in_dim3A_2001 : vector<16x1xi32> to vector<16xi32>
      %gather3A_2003 = tpu.dynamic_gather %min3A_1974[%gather3A_2002] in [0] : vector<16xf32>, vector<16xi32> -> vector<16xf32>
      %min3A_2004 = arith.minimumf %min3A_1974, %gather3A_2003 : vector<16xf32>
      %iota3A_2005 = tpu.iota {dimensions = array<i32: 0>} : vector<16xi32>
      %add3A_2006 = arith.constant 1 : i32
      %add3A_2007 = vector.broadcast %add3A_2006 : i32 to vector<16xi32>
      %add3A_2008 = arith.addi %iota3A_2005, %add3A_2007 : vector<16xi32>
      %jit3A_2009 = arith.constant 16 : i32
      %eq3A_2010 = arith.constant 0 : i32
      %eq3A_2011 = arith.cmpi eq, %jit3A_2009, %eq3A_2010 : i32
      %jit3A_2012 = arith.constant 1 : i32
      %select_n3A_2013 = arith.select %eq3A_2011, %jit3A_2012, %jit3A_2009 : i32
      %rem3A_2014 = vector.broadcast %select_n3A_2013 : i32 to vector<16xi32>
      %rem3A_2015 = arith.remsi %add3A_2008, %rem3A_2014 : vector<16xi32>
      %ne3A_2016 = arith.constant 0 : i32
      %ne3A_2017 = vector.broadcast %ne3A_2016 : i32 to vector<16xi32>
      %ne3A_2018 = arith.cmpi ne, %rem3A_2015, %ne3A_2017 : vector<16xi32>
      %lt3A_2019 = arith.constant 0 : i32
      %lt3A_2020 = vector.broadcast %lt3A_2019 : i32 to vector<16xi32>
      %lt3A_2021 = arith.cmpi slt, %rem3A_2015, %lt3A_2020 : vector<16xi32>
      %lt3A_2022 = arith.constant 0 : i32
      %lt3A_2023 = arith.cmpi slt, %select_n3A_2013, %lt3A_2022 : i32
      %ne3A_2024 = vector.broadcast %lt3A_2023 : i1 to vector<16xi1>
      %ne3A_2025 = vector.broadcast %ne3A_2024 : vector<16xi1> to vector<16xi1>
      %ne3A_2026 = arith.xori %lt3A_2021, %ne3A_2025 : vector<16xi1>
      %and3A_2027 = arith.andi %ne3A_2026, %ne3A_2018 : vector<16xi1>
      %add3A_2028 = vector.broadcast %select_n3A_2013 : i32 to vector<16xi32>
      %add3A_2029 = arith.addi %rem3A_2015, %add3A_2028 : vector<16xi32>
      %select_n3A_2030 = arith.select %and3A_2027, %add3A_2029, %rem3A_2015 : vector<16xi1>, vector<16xi32>
      %broadcast_in_dim3A_2031 = vector.shape_cast %select_n3A_2030 : vector<16xi32> to vector<16x1xi32>
      %gather3A_2032 = vector.shape_cast %broadcast_in_dim3A_2031 : vector<16x1xi32> to vector<16xi32>
      %gather3A_2033 = tpu.dynamic_gather %min3A_2004[%gather3A_2032] in [0] : vector<16xf32>, vector<16xi32> -> vector<16xf32>
      %min3A_2034 = arith.minimumf %min3A_2004, %gather3A_2033 : vector<16xf32>
      %slice3A_2035 = vector.extract_strided_slice %min3A_2034 {offsets = [0], sizes = [1], strides = [1]} : vector<16xf32> to vector<1xf32>
      %squeeze3A_2036 = vector.extract %slice3A_2035[0] : f32 from vector<1xf32>
      %add3A_2037 = arith.addf %squeeze3A_2036, %add3A_1914 : f32
      %slice3A_2038 = vector.extract_strided_slice %get3A_66 {offsets = [11], sizes = [1], strides = [1]} : vector<16xf32> to vector<1xf32>
      %squeeze3A_2039 = vector.extract %slice3A_2038[0] : f32 from vector<1xf32>
      %mul3A_2040 = arith.mulf %add3A_2037, %squeeze3A_2039 : f32
      %add3A_2041 = arith.addf %add3A_1897, %mul3A_2040 : f32
      %slice3A_2042 = vector.extract_strided_slice %get3A_48 {offsets = [12], sizes = [1], strides = [1]} : vector<16xf32> to vector<1xf32>
      %squeeze3A_2043 = vector.extract %slice3A_2042[0] : f32 from vector<1xf32>
      %slice3A_2044 = vector.extract_strided_slice %get3A_48 {offsets = [12], sizes = [1], strides = [1]} : vector<16xf32> to vector<1xf32>
      %squeeze3A_2045 = vector.extract %slice3A_2044[0] : f32 from vector<1xf32>
      %mul3A_2046 = arith.mulf %squeeze3A_2043, %squeeze3A_2045 : f32
      %slice3A_2047 = vector.extract_strided_slice %get3A_51 {offsets = [12], sizes = [1], strides = [1]} : vector<16xf32> to vector<1xf32>
      %squeeze3A_2048 = vector.extract %slice3A_2047[0] : f32 from vector<1xf32>
      %slice3A_2049 = vector.extract_strided_slice %get3A_51 {offsets = [12], sizes = [1], strides = [1]} : vector<16xf32> to vector<1xf32>
      %squeeze3A_2050 = vector.extract %slice3A_2049[0] : f32 from vector<1xf32>
      %mul3A_2051 = arith.mulf %squeeze3A_2048, %squeeze3A_2050 : f32
      %add3A_2052 = arith.addf %mul3A_2046, %mul3A_2051 : f32
      %slice3A_2053 = vector.extract_strided_slice %get3A_54 {offsets = [12], sizes = [1], strides = [1]} : vector<16xf32> to vector<1xf32>
      %squeeze3A_2054 = vector.extract %slice3A_2053[0] : f32 from vector<1xf32>
      %slice3A_2055 = vector.extract_strided_slice %get3A_54 {offsets = [12], sizes = [1], strides = [1]} : vector<16xf32> to vector<1xf32>
      %squeeze3A_2056 = vector.extract %slice3A_2055[0] : f32 from vector<1xf32>
      %mul3A_2057 = arith.mulf %squeeze3A_2054, %squeeze3A_2056 : f32
      %add3A_2058 = arith.addf %add3A_2052, %mul3A_2057 : f32
      %iota3A_2059 = tpu.iota {dimensions = array<i32: 0>} : vector<16xi32>
      %add3A_2060 = arith.constant 8 : i32
      %add3A_2061 = vector.broadcast %add3A_2060 : i32 to vector<16xi32>
      %add3A_2062 = arith.addi %iota3A_2059, %add3A_2061 : vector<16xi32>
      %jit3A_2063 = arith.constant 16 : i32
      %eq3A_2064 = arith.constant 0 : i32
      %eq3A_2065 = arith.cmpi eq, %jit3A_2063, %eq3A_2064 : i32
      %jit3A_2066 = arith.constant 1 : i32
      %select_n3A_2067 = arith.select %eq3A_2065, %jit3A_2066, %jit3A_2063 : i32
      %rem3A_2068 = vector.broadcast %select_n3A_2067 : i32 to vector<16xi32>
      %rem3A_2069 = arith.remsi %add3A_2062, %rem3A_2068 : vector<16xi32>
      %ne3A_2070 = arith.constant 0 : i32
      %ne3A_2071 = vector.broadcast %ne3A_2070 : i32 to vector<16xi32>
      %ne3A_2072 = arith.cmpi ne, %rem3A_2069, %ne3A_2071 : vector<16xi32>
      %lt3A_2073 = arith.constant 0 : i32
      %lt3A_2074 = vector.broadcast %lt3A_2073 : i32 to vector<16xi32>
      %lt3A_2075 = arith.cmpi slt, %rem3A_2069, %lt3A_2074 : vector<16xi32>
      %lt3A_2076 = arith.constant 0 : i32
      %lt3A_2077 = arith.cmpi slt, %select_n3A_2067, %lt3A_2076 : i32
      %ne3A_2078 = vector.broadcast %lt3A_2077 : i1 to vector<16xi1>
      %ne3A_2079 = vector.broadcast %ne3A_2078 : vector<16xi1> to vector<16xi1>
      %ne3A_2080 = arith.xori %lt3A_2075, %ne3A_2079 : vector<16xi1>
      %and3A_2081 = arith.andi %ne3A_2080, %ne3A_2072 : vector<16xi1>
      %add3A_2082 = vector.broadcast %select_n3A_2067 : i32 to vector<16xi32>
      %add3A_2083 = arith.addi %rem3A_2069, %add3A_2082 : vector<16xi32>
      %select_n3A_2084 = arith.select %and3A_2081, %add3A_2083, %rem3A_2069 : vector<16xi1>, vector<16xi32>
      %broadcast_in_dim3A_2085 = vector.shape_cast %select_n3A_2084 : vector<16xi32> to vector<16x1xi32>
      %gather3A_2086 = vector.shape_cast %broadcast_in_dim3A_2085 : vector<16x1xi32> to vector<16xi32>
      %gather3A_2087 = tpu.dynamic_gather %scan3A_1464#4[%gather3A_2086] in [0] : vector<16xf32>, vector<16xi32> -> vector<16xf32>
      %min3A_2088 = arith.minimumf %scan3A_1464#4, %gather3A_2087 : vector<16xf32>
      %iota3A_2089 = tpu.iota {dimensions = array<i32: 0>} : vector<16xi32>
      %add3A_2090 = arith.constant 4 : i32
      %add3A_2091 = vector.broadcast %add3A_2090 : i32 to vector<16xi32>
      %add3A_2092 = arith.addi %iota3A_2089, %add3A_2091 : vector<16xi32>
      %jit3A_2093 = arith.constant 16 : i32
      %eq3A_2094 = arith.constant 0 : i32
      %eq3A_2095 = arith.cmpi eq, %jit3A_2093, %eq3A_2094 : i32
      %jit3A_2096 = arith.constant 1 : i32
      %select_n3A_2097 = arith.select %eq3A_2095, %jit3A_2096, %jit3A_2093 : i32
      %rem3A_2098 = vector.broadcast %select_n3A_2097 : i32 to vector<16xi32>
      %rem3A_2099 = arith.remsi %add3A_2092, %rem3A_2098 : vector<16xi32>
      %ne3A_2100 = arith.constant 0 : i32
      %ne3A_2101 = vector.broadcast %ne3A_2100 : i32 to vector<16xi32>
      %ne3A_2102 = arith.cmpi ne, %rem3A_2099, %ne3A_2101 : vector<16xi32>
      %lt3A_2103 = arith.constant 0 : i32
      %lt3A_2104 = vector.broadcast %lt3A_2103 : i32 to vector<16xi32>
      %lt3A_2105 = arith.cmpi slt, %rem3A_2099, %lt3A_2104 : vector<16xi32>
      %lt3A_2106 = arith.constant 0 : i32
      %lt3A_2107 = arith.cmpi slt, %select_n3A_2097, %lt3A_2106 : i32
      %ne3A_2108 = vector.broadcast %lt3A_2107 : i1 to vector<16xi1>
      %ne3A_2109 = vector.broadcast %ne3A_2108 : vector<16xi1> to vector<16xi1>
      %ne3A_2110 = arith.xori %lt3A_2105, %ne3A_2109 : vector<16xi1>
      %and3A_2111 = arith.andi %ne3A_2110, %ne3A_2102 : vector<16xi1>
      %add3A_2112 = vector.broadcast %select_n3A_2097 : i32 to vector<16xi32>
      %add3A_2113 = arith.addi %rem3A_2099, %add3A_2112 : vector<16xi32>
      %select_n3A_2114 = arith.select %and3A_2111, %add3A_2113, %rem3A_2099 : vector<16xi1>, vector<16xi32>
      %broadcast_in_dim3A_2115 = vector.shape_cast %select_n3A_2114 : vector<16xi32> to vector<16x1xi32>
      %gather3A_2116 = vector.shape_cast %broadcast_in_dim3A_2115 : vector<16x1xi32> to vector<16xi32>
      %gather3A_2117 = tpu.dynamic_gather %min3A_2088[%gather3A_2116] in [0] : vector<16xf32>, vector<16xi32> -> vector<16xf32>
      %min3A_2118 = arith.minimumf %min3A_2088, %gather3A_2117 : vector<16xf32>
      %iota3A_2119 = tpu.iota {dimensions = array<i32: 0>} : vector<16xi32>
      %add3A_2120 = arith.constant 2 : i32
      %add3A_2121 = vector.broadcast %add3A_2120 : i32 to vector<16xi32>
      %add3A_2122 = arith.addi %iota3A_2119, %add3A_2121 : vector<16xi32>
      %jit3A_2123 = arith.constant 16 : i32
      %eq3A_2124 = arith.constant 0 : i32
      %eq3A_2125 = arith.cmpi eq, %jit3A_2123, %eq3A_2124 : i32
      %jit3A_2126 = arith.constant 1 : i32
      %select_n3A_2127 = arith.select %eq3A_2125, %jit3A_2126, %jit3A_2123 : i32
      %rem3A_2128 = vector.broadcast %select_n3A_2127 : i32 to vector<16xi32>
      %rem3A_2129 = arith.remsi %add3A_2122, %rem3A_2128 : vector<16xi32>
      %ne3A_2130 = arith.constant 0 : i32
      %ne3A_2131 = vector.broadcast %ne3A_2130 : i32 to vector<16xi32>
      %ne3A_2132 = arith.cmpi ne, %rem3A_2129, %ne3A_2131 : vector<16xi32>
      %lt3A_2133 = arith.constant 0 : i32
      %lt3A_2134 = vector.broadcast %lt3A_2133 : i32 to vector<16xi32>
      %lt3A_2135 = arith.cmpi slt, %rem3A_2129, %lt3A_2134 : vector<16xi32>
      %lt3A_2136 = arith.constant 0 : i32
      %lt3A_2137 = arith.cmpi slt, %select_n3A_2127, %lt3A_2136 : i32
      %ne3A_2138 = vector.broadcast %lt3A_2137 : i1 to vector<16xi1>
      %ne3A_2139 = vector.broadcast %ne3A_2138 : vector<16xi1> to vector<16xi1>
      %ne3A_2140 = arith.xori %lt3A_2135, %ne3A_2139 : vector<16xi1>
      %and3A_2141 = arith.andi %ne3A_2140, %ne3A_2132 : vector<16xi1>
      %add3A_2142 = vector.broadcast %select_n3A_2127 : i32 to vector<16xi32>
      %add3A_2143 = arith.addi %rem3A_2129, %add3A_2142 : vector<16xi32>
      %select_n3A_2144 = arith.select %and3A_2141, %add3A_2143, %rem3A_2129 : vector<16xi1>, vector<16xi32>
      %broadcast_in_dim3A_2145 = vector.shape_cast %select_n3A_2144 : vector<16xi32> to vector<16x1xi32>
      %gather3A_2146 = vector.shape_cast %broadcast_in_dim3A_2145 : vector<16x1xi32> to vector<16xi32>
      %gather3A_2147 = tpu.dynamic_gather %min3A_2118[%gather3A_2146] in [0] : vector<16xf32>, vector<16xi32> -> vector<16xf32>
      %min3A_2148 = arith.minimumf %min3A_2118, %gather3A_2147 : vector<16xf32>
      %iota3A_2149 = tpu.iota {dimensions = array<i32: 0>} : vector<16xi32>
      %add3A_2150 = arith.constant 1 : i32
      %add3A_2151 = vector.broadcast %add3A_2150 : i32 to vector<16xi32>
      %add3A_2152 = arith.addi %iota3A_2149, %add3A_2151 : vector<16xi32>
      %jit3A_2153 = arith.constant 16 : i32
      %eq3A_2154 = arith.constant 0 : i32
      %eq3A_2155 = arith.cmpi eq, %jit3A_2153, %eq3A_2154 : i32
      %jit3A_2156 = arith.constant 1 : i32
      %select_n3A_2157 = arith.select %eq3A_2155, %jit3A_2156, %jit3A_2153 : i32
      %rem3A_2158 = vector.broadcast %select_n3A_2157 : i32 to vector<16xi32>
      %rem3A_2159 = arith.remsi %add3A_2152, %rem3A_2158 : vector<16xi32>
      %ne3A_2160 = arith.constant 0 : i32
      %ne3A_2161 = vector.broadcast %ne3A_2160 : i32 to vector<16xi32>
      %ne3A_2162 = arith.cmpi ne, %rem3A_2159, %ne3A_2161 : vector<16xi32>
      %lt3A_2163 = arith.constant 0 : i32
      %lt3A_2164 = vector.broadcast %lt3A_2163 : i32 to vector<16xi32>
      %lt3A_2165 = arith.cmpi slt, %rem3A_2159, %lt3A_2164 : vector<16xi32>
      %lt3A_2166 = arith.constant 0 : i32
      %lt3A_2167 = arith.cmpi slt, %select_n3A_2157, %lt3A_2166 : i32
      %ne3A_2168 = vector.broadcast %lt3A_2167 : i1 to vector<16xi1>
      %ne3A_2169 = vector.broadcast %ne3A_2168 : vector<16xi1> to vector<16xi1>
      %ne3A_2170 = arith.xori %lt3A_2165, %ne3A_2169 : vector<16xi1>
      %and3A_2171 = arith.andi %ne3A_2170, %ne3A_2162 : vector<16xi1>
      %add3A_2172 = vector.broadcast %select_n3A_2157 : i32 to vector<16xi32>
      %add3A_2173 = arith.addi %rem3A_2159, %add3A_2172 : vector<16xi32>
      %select_n3A_2174 = arith.select %and3A_2171, %add3A_2173, %rem3A_2159 : vector<16xi1>, vector<16xi32>
      %broadcast_in_dim3A_2175 = vector.shape_cast %select_n3A_2174 : vector<16xi32> to vector<16x1xi32>
      %gather3A_2176 = vector.shape_cast %broadcast_in_dim3A_2175 : vector<16x1xi32> to vector<16xi32>
      %gather3A_2177 = tpu.dynamic_gather %min3A_2148[%gather3A_2176] in [0] : vector<16xf32>, vector<16xi32> -> vector<16xf32>
      %min3A_2178 = arith.minimumf %min3A_2148, %gather3A_2177 : vector<16xf32>
      %slice3A_2179 = vector.extract_strided_slice %min3A_2178 {offsets = [0], sizes = [1], strides = [1]} : vector<16xf32> to vector<1xf32>
      %squeeze3A_2180 = vector.extract %slice3A_2179[0] : f32 from vector<1xf32>
      %add3A_2181 = arith.addf %squeeze3A_2180, %add3A_2058 : f32
      %slice3A_2182 = vector.extract_strided_slice %get3A_66 {offsets = [12], sizes = [1], strides = [1]} : vector<16xf32> to vector<1xf32>
      %squeeze3A_2183 = vector.extract %slice3A_2182[0] : f32 from vector<1xf32>
      %mul3A_2184 = arith.mulf %add3A_2181, %squeeze3A_2183 : f32
      %add3A_2185 = arith.addf %add3A_2041, %mul3A_2184 : f32
      %slice3A_2186 = vector.extract_strided_slice %get3A_48 {offsets = [13], sizes = [1], strides = [1]} : vector<16xf32> to vector<1xf32>
      %squeeze3A_2187 = vector.extract %slice3A_2186[0] : f32 from vector<1xf32>
      %slice3A_2188 = vector.extract_strided_slice %get3A_48 {offsets = [13], sizes = [1], strides = [1]} : vector<16xf32> to vector<1xf32>
      %squeeze3A_2189 = vector.extract %slice3A_2188[0] : f32 from vector<1xf32>
      %mul3A_2190 = arith.mulf %squeeze3A_2187, %squeeze3A_2189 : f32
      %slice3A_2191 = vector.extract_strided_slice %get3A_51 {offsets = [13], sizes = [1], strides = [1]} : vector<16xf32> to vector<1xf32>
      %squeeze3A_2192 = vector.extract %slice3A_2191[0] : f32 from vector<1xf32>
      %slice3A_2193 = vector.extract_strided_slice %get3A_51 {offsets = [13], sizes = [1], strides = [1]} : vector<16xf32> to vector<1xf32>
      %squeeze3A_2194 = vector.extract %slice3A_2193[0] : f32 from vector<1xf32>
      %mul3A_2195 = arith.mulf %squeeze3A_2192, %squeeze3A_2194 : f32
      %add3A_2196 = arith.addf %mul3A_2190, %mul3A_2195 : f32
      %slice3A_2197 = vector.extract_strided_slice %get3A_54 {offsets = [13], sizes = [1], strides = [1]} : vector<16xf32> to vector<1xf32>
      %squeeze3A_2198 = vector.extract %slice3A_2197[0] : f32 from vector<1xf32>
      %slice3A_2199 = vector.extract_strided_slice %get3A_54 {offsets = [13], sizes = [1], strides = [1]} : vector<16xf32> to vector<1xf32>
      %squeeze3A_2200 = vector.extract %slice3A_2199[0] : f32 from vector<1xf32>
      %mul3A_2201 = arith.mulf %squeeze3A_2198, %squeeze3A_2200 : f32
      %add3A_2202 = arith.addf %add3A_2196, %mul3A_2201 : f32
      %iota3A_2203 = tpu.iota {dimensions = array<i32: 0>} : vector<16xi32>
      %add3A_2204 = arith.constant 8 : i32
      %add3A_2205 = vector.broadcast %add3A_2204 : i32 to vector<16xi32>
      %add3A_2206 = arith.addi %iota3A_2203, %add3A_2205 : vector<16xi32>
      %jit3A_2207 = arith.constant 16 : i32
      %eq3A_2208 = arith.constant 0 : i32
      %eq3A_2209 = arith.cmpi eq, %jit3A_2207, %eq3A_2208 : i32
      %jit3A_2210 = arith.constant 1 : i32
      %select_n3A_2211 = arith.select %eq3A_2209, %jit3A_2210, %jit3A_2207 : i32
      %rem3A_2212 = vector.broadcast %select_n3A_2211 : i32 to vector<16xi32>
      %rem3A_2213 = arith.remsi %add3A_2206, %rem3A_2212 : vector<16xi32>
      %ne3A_2214 = arith.constant 0 : i32
      %ne3A_2215 = vector.broadcast %ne3A_2214 : i32 to vector<16xi32>
      %ne3A_2216 = arith.cmpi ne, %rem3A_2213, %ne3A_2215 : vector<16xi32>
      %lt3A_2217 = arith.constant 0 : i32
      %lt3A_2218 = vector.broadcast %lt3A_2217 : i32 to vector<16xi32>
      %lt3A_2219 = arith.cmpi slt, %rem3A_2213, %lt3A_2218 : vector<16xi32>
      %lt3A_2220 = arith.constant 0 : i32
      %lt3A_2221 = arith.cmpi slt, %select_n3A_2211, %lt3A_2220 : i32
      %ne3A_2222 = vector.broadcast %lt3A_2221 : i1 to vector<16xi1>
      %ne3A_2223 = vector.broadcast %ne3A_2222 : vector<16xi1> to vector<16xi1>
      %ne3A_2224 = arith.xori %lt3A_2219, %ne3A_2223 : vector<16xi1>
      %and3A_2225 = arith.andi %ne3A_2224, %ne3A_2216 : vector<16xi1>
      %add3A_2226 = vector.broadcast %select_n3A_2211 : i32 to vector<16xi32>
      %add3A_2227 = arith.addi %rem3A_2213, %add3A_2226 : vector<16xi32>
      %select_n3A_2228 = arith.select %and3A_2225, %add3A_2227, %rem3A_2213 : vector<16xi1>, vector<16xi32>
      %broadcast_in_dim3A_2229 = vector.shape_cast %select_n3A_2228 : vector<16xi32> to vector<16x1xi32>
      %gather3A_2230 = vector.shape_cast %broadcast_in_dim3A_2229 : vector<16x1xi32> to vector<16xi32>
      %gather3A_2231 = tpu.dynamic_gather %scan3A_1464#5[%gather3A_2230] in [0] : vector<16xf32>, vector<16xi32> -> vector<16xf32>
      %min3A_2232 = arith.minimumf %scan3A_1464#5, %gather3A_2231 : vector<16xf32>
      %iota3A_2233 = tpu.iota {dimensions = array<i32: 0>} : vector<16xi32>
      %add3A_2234 = arith.constant 4 : i32
      %add3A_2235 = vector.broadcast %add3A_2234 : i32 to vector<16xi32>
      %add3A_2236 = arith.addi %iota3A_2233, %add3A_2235 : vector<16xi32>
      %jit3A_2237 = arith.constant 16 : i32
      %eq3A_2238 = arith.constant 0 : i32
      %eq3A_2239 = arith.cmpi eq, %jit3A_2237, %eq3A_2238 : i32
      %jit3A_2240 = arith.constant 1 : i32
      %select_n3A_2241 = arith.select %eq3A_2239, %jit3A_2240, %jit3A_2237 : i32
      %rem3A_2242 = vector.broadcast %select_n3A_2241 : i32 to vector<16xi32>
      %rem3A_2243 = arith.remsi %add3A_2236, %rem3A_2242 : vector<16xi32>
      %ne3A_2244 = arith.constant 0 : i32
      %ne3A_2245 = vector.broadcast %ne3A_2244 : i32 to vector<16xi32>
      %ne3A_2246 = arith.cmpi ne, %rem3A_2243, %ne3A_2245 : vector<16xi32>
      %lt3A_2247 = arith.constant 0 : i32
      %lt3A_2248 = vector.broadcast %lt3A_2247 : i32 to vector<16xi32>
      %lt3A_2249 = arith.cmpi slt, %rem3A_2243, %lt3A_2248 : vector<16xi32>
      %lt3A_2250 = arith.constant 0 : i32
      %lt3A_2251 = arith.cmpi slt, %select_n3A_2241, %lt3A_2250 : i32
      %ne3A_2252 = vector.broadcast %lt3A_2251 : i1 to vector<16xi1>
      %ne3A_2253 = vector.broadcast %ne3A_2252 : vector<16xi1> to vector<16xi1>
      %ne3A_2254 = arith.xori %lt3A_2249, %ne3A_2253 : vector<16xi1>
      %and3A_2255 = arith.andi %ne3A_2254, %ne3A_2246 : vector<16xi1>
      %add3A_2256 = vector.broadcast %select_n3A_2241 : i32 to vector<16xi32>
      %add3A_2257 = arith.addi %rem3A_2243, %add3A_2256 : vector<16xi32>
      %select_n3A_2258 = arith.select %and3A_2255, %add3A_2257, %rem3A_2243 : vector<16xi1>, vector<16xi32>
      %broadcast_in_dim3A_2259 = vector.shape_cast %select_n3A_2258 : vector<16xi32> to vector<16x1xi32>
      %gather3A_2260 = vector.shape_cast %broadcast_in_dim3A_2259 : vector<16x1xi32> to vector<16xi32>
      %gather3A_2261 = tpu.dynamic_gather %min3A_2232[%gather3A_2260] in [0] : vector<16xf32>, vector<16xi32> -> vector<16xf32>
      %min3A_2262 = arith.minimumf %min3A_2232, %gather3A_2261 : vector<16xf32>
      %iota3A_2263 = tpu.iota {dimensions = array<i32: 0>} : vector<16xi32>
      %add3A_2264 = arith.constant 2 : i32
      %add3A_2265 = vector.broadcast %add3A_2264 : i32 to vector<16xi32>
      %add3A_2266 = arith.addi %iota3A_2263, %add3A_2265 : vector<16xi32>
      %jit3A_2267 = arith.constant 16 : i32
      %eq3A_2268 = arith.constant 0 : i32
      %eq3A_2269 = arith.cmpi eq, %jit3A_2267, %eq3A_2268 : i32
      %jit3A_2270 = arith.constant 1 : i32
      %select_n3A_2271 = arith.select %eq3A_2269, %jit3A_2270, %jit3A_2267 : i32
      %rem3A_2272 = vector.broadcast %select_n3A_2271 : i32 to vector<16xi32>
      %rem3A_2273 = arith.remsi %add3A_2266, %rem3A_2272 : vector<16xi32>
      %ne3A_2274 = arith.constant 0 : i32
      %ne3A_2275 = vector.broadcast %ne3A_2274 : i32 to vector<16xi32>
      %ne3A_2276 = arith.cmpi ne, %rem3A_2273, %ne3A_2275 : vector<16xi32>
      %lt3A_2277 = arith.constant 0 : i32
      %lt3A_2278 = vector.broadcast %lt3A_2277 : i32 to vector<16xi32>
      %lt3A_2279 = arith.cmpi slt, %rem3A_2273, %lt3A_2278 : vector<16xi32>
      %lt3A_2280 = arith.constant 0 : i32
      %lt3A_2281 = arith.cmpi slt, %select_n3A_2271, %lt3A_2280 : i32
      %ne3A_2282 = vector.broadcast %lt3A_2281 : i1 to vector<16xi1>
      %ne3A_2283 = vector.broadcast %ne3A_2282 : vector<16xi1> to vector<16xi1>
      %ne3A_2284 = arith.xori %lt3A_2279, %ne3A_2283 : vector<16xi1>
      %and3A_2285 = arith.andi %ne3A_2284, %ne3A_2276 : vector<16xi1>
      %add3A_2286 = vector.broadcast %select_n3A_2271 : i32 to vector<16xi32>
      %add3A_2287 = arith.addi %rem3A_2273, %add3A_2286 : vector<16xi32>
      %select_n3A_2288 = arith.select %and3A_2285, %add3A_2287, %rem3A_2273 : vector<16xi1>, vector<16xi32>
      %broadcast_in_dim3A_2289 = vector.shape_cast %select_n3A_2288 : vector<16xi32> to vector<16x1xi32>
      %gather3A_2290 = vector.shape_cast %broadcast_in_dim3A_2289 : vector<16x1xi32> to vector<16xi32>
      %gather3A_2291 = tpu.dynamic_gather %min3A_2262[%gather3A_2290] in [0] : vector<16xf32>, vector<16xi32> -> vector<16xf32>
      %min3A_2292 = arith.minimumf %min3A_2262, %gather3A_2291 : vector<16xf32>
      %iota3A_2293 = tpu.iota {dimensions = array<i32: 0>} : vector<16xi32>
      %add3A_2294 = arith.constant 1 : i32
      %add3A_2295 = vector.broadcast %add3A_2294 : i32 to vector<16xi32>
      %add3A_2296 = arith.addi %iota3A_2293, %add3A_2295 : vector<16xi32>
      %jit3A_2297 = arith.constant 16 : i32
      %eq3A_2298 = arith.constant 0 : i32
      %eq3A_2299 = arith.cmpi eq, %jit3A_2297, %eq3A_2298 : i32
      %jit3A_2300 = arith.constant 1 : i32
      %select_n3A_2301 = arith.select %eq3A_2299, %jit3A_2300, %jit3A_2297 : i32
      %rem3A_2302 = vector.broadcast %select_n3A_2301 : i32 to vector<16xi32>
      %rem3A_2303 = arith.remsi %add3A_2296, %rem3A_2302 : vector<16xi32>
      %ne3A_2304 = arith.constant 0 : i32
      %ne3A_2305 = vector.broadcast %ne3A_2304 : i32 to vector<16xi32>
      %ne3A_2306 = arith.cmpi ne, %rem3A_2303, %ne3A_2305 : vector<16xi32>
      %lt3A_2307 = arith.constant 0 : i32
      %lt3A_2308 = vector.broadcast %lt3A_2307 : i32 to vector<16xi32>
      %lt3A_2309 = arith.cmpi slt, %rem3A_2303, %lt3A_2308 : vector<16xi32>
      %lt3A_2310 = arith.constant 0 : i32
      %lt3A_2311 = arith.cmpi slt, %select_n3A_2301, %lt3A_2310 : i32
      %ne3A_2312 = vector.broadcast %lt3A_2311 : i1 to vector<16xi1>
      %ne3A_2313 = vector.broadcast %ne3A_2312 : vector<16xi1> to vector<16xi1>
      %ne3A_2314 = arith.xori %lt3A_2309, %ne3A_2313 : vector<16xi1>
      %and3A_2315 = arith.andi %ne3A_2314, %ne3A_2306 : vector<16xi1>
      %add3A_2316 = vector.broadcast %select_n3A_2301 : i32 to vector<16xi32>
      %add3A_2317 = arith.addi %rem3A_2303, %add3A_2316 : vector<16xi32>
      %select_n3A_2318 = arith.select %and3A_2315, %add3A_2317, %rem3A_2303 : vector<16xi1>, vector<16xi32>
      %broadcast_in_dim3A_2319 = vector.shape_cast %select_n3A_2318 : vector<16xi32> to vector<16x1xi32>
      %gather3A_2320 = vector.shape_cast %broadcast_in_dim3A_2319 : vector<16x1xi32> to vector<16xi32>
      %gather3A_2321 = tpu.dynamic_gather %min3A_2292[%gather3A_2320] in [0] : vector<16xf32>, vector<16xi32> -> vector<16xf32>
      %min3A_2322 = arith.minimumf %min3A_2292, %gather3A_2321 : vector<16xf32>
      %slice3A_2323 = vector.extract_strided_slice %min3A_2322 {offsets = [0], sizes = [1], strides = [1]} : vector<16xf32> to vector<1xf32>
      %squeeze3A_2324 = vector.extract %slice3A_2323[0] : f32 from vector<1xf32>
      %add3A_2325 = arith.addf %squeeze3A_2324, %add3A_2202 : f32
      %slice3A_2326 = vector.extract_strided_slice %get3A_66 {offsets = [13], sizes = [1], strides = [1]} : vector<16xf32> to vector<1xf32>
      %squeeze3A_2327 = vector.extract %slice3A_2326[0] : f32 from vector<1xf32>
      %mul3A_2328 = arith.mulf %add3A_2325, %squeeze3A_2327 : f32
      %add3A_2329 = arith.addf %add3A_2185, %mul3A_2328 : f32
      %slice3A_2330 = vector.extract_strided_slice %get3A_48 {offsets = [14], sizes = [1], strides = [1]} : vector<16xf32> to vector<1xf32>
      %squeeze3A_2331 = vector.extract %slice3A_2330[0] : f32 from vector<1xf32>
      %slice3A_2332 = vector.extract_strided_slice %get3A_48 {offsets = [14], sizes = [1], strides = [1]} : vector<16xf32> to vector<1xf32>
      %squeeze3A_2333 = vector.extract %slice3A_2332[0] : f32 from vector<1xf32>
      %mul3A_2334 = arith.mulf %squeeze3A_2331, %squeeze3A_2333 : f32
      %slice3A_2335 = vector.extract_strided_slice %get3A_51 {offsets = [14], sizes = [1], strides = [1]} : vector<16xf32> to vector<1xf32>
      %squeeze3A_2336 = vector.extract %slice3A_2335[0] : f32 from vector<1xf32>
      %slice3A_2337 = vector.extract_strided_slice %get3A_51 {offsets = [14], sizes = [1], strides = [1]} : vector<16xf32> to vector<1xf32>
      %squeeze3A_2338 = vector.extract %slice3A_2337[0] : f32 from vector<1xf32>
      %mul3A_2339 = arith.mulf %squeeze3A_2336, %squeeze3A_2338 : f32
      %add3A_2340 = arith.addf %mul3A_2334, %mul3A_2339 : f32
      %slice3A_2341 = vector.extract_strided_slice %get3A_54 {offsets = [14], sizes = [1], strides = [1]} : vector<16xf32> to vector<1xf32>
      %squeeze3A_2342 = vector.extract %slice3A_2341[0] : f32 from vector<1xf32>
      %slice3A_2343 = vector.extract_strided_slice %get3A_54 {offsets = [14], sizes = [1], strides = [1]} : vector<16xf32> to vector<1xf32>
      %squeeze3A_2344 = vector.extract %slice3A_2343[0] : f32 from vector<1xf32>
      %mul3A_2345 = arith.mulf %squeeze3A_2342, %squeeze3A_2344 : f32
      %add3A_2346 = arith.addf %add3A_2340, %mul3A_2345 : f32
      %iota3A_2347 = tpu.iota {dimensions = array<i32: 0>} : vector<16xi32>
      %add3A_2348 = arith.constant 8 : i32
      %add3A_2349 = vector.broadcast %add3A_2348 : i32 to vector<16xi32>
      %add3A_2350 = arith.addi %iota3A_2347, %add3A_2349 : vector<16xi32>
      %jit3A_2351 = arith.constant 16 : i32
      %eq3A_2352 = arith.constant 0 : i32
      %eq3A_2353 = arith.cmpi eq, %jit3A_2351, %eq3A_2352 : i32
      %jit3A_2354 = arith.constant 1 : i32
      %select_n3A_2355 = arith.select %eq3A_2353, %jit3A_2354, %jit3A_2351 : i32
      %rem3A_2356 = vector.broadcast %select_n3A_2355 : i32 to vector<16xi32>
      %rem3A_2357 = arith.remsi %add3A_2350, %rem3A_2356 : vector<16xi32>
      %ne3A_2358 = arith.constant 0 : i32
      %ne3A_2359 = vector.broadcast %ne3A_2358 : i32 to vector<16xi32>
      %ne3A_2360 = arith.cmpi ne, %rem3A_2357, %ne3A_2359 : vector<16xi32>
      %lt3A_2361 = arith.constant 0 : i32
      %lt3A_2362 = vector.broadcast %lt3A_2361 : i32 to vector<16xi32>
      %lt3A_2363 = arith.cmpi slt, %rem3A_2357, %lt3A_2362 : vector<16xi32>
      %lt3A_2364 = arith.constant 0 : i32
      %lt3A_2365 = arith.cmpi slt, %select_n3A_2355, %lt3A_2364 : i32
      %ne3A_2366 = vector.broadcast %lt3A_2365 : i1 to vector<16xi1>
      %ne3A_2367 = vector.broadcast %ne3A_2366 : vector<16xi1> to vector<16xi1>
      %ne3A_2368 = arith.xori %lt3A_2363, %ne3A_2367 : vector<16xi1>
      %and3A_2369 = arith.andi %ne3A_2368, %ne3A_2360 : vector<16xi1>
      %add3A_2370 = vector.broadcast %select_n3A_2355 : i32 to vector<16xi32>
      %add3A_2371 = arith.addi %rem3A_2357, %add3A_2370 : vector<16xi32>
      %select_n3A_2372 = arith.select %and3A_2369, %add3A_2371, %rem3A_2357 : vector<16xi1>, vector<16xi32>
      %broadcast_in_dim3A_2373 = vector.shape_cast %select_n3A_2372 : vector<16xi32> to vector<16x1xi32>
      %gather3A_2374 = vector.shape_cast %broadcast_in_dim3A_2373 : vector<16x1xi32> to vector<16xi32>
      %gather3A_2375 = tpu.dynamic_gather %scan3A_1464#6[%gather3A_2374] in [0] : vector<16xf32>, vector<16xi32> -> vector<16xf32>
      %min3A_2376 = arith.minimumf %scan3A_1464#6, %gather3A_2375 : vector<16xf32>
      %iota3A_2377 = tpu.iota {dimensions = array<i32: 0>} : vector<16xi32>
      %add3A_2378 = arith.constant 4 : i32
      %add3A_2379 = vector.broadcast %add3A_2378 : i32 to vector<16xi32>
      %add3A_2380 = arith.addi %iota3A_2377, %add3A_2379 : vector<16xi32>
      %jit3A_2381 = arith.constant 16 : i32
      %eq3A_2382 = arith.constant 0 : i32
      %eq3A_2383 = arith.cmpi eq, %jit3A_2381, %eq3A_2382 : i32
      %jit3A_2384 = arith.constant 1 : i32
      %select_n3A_2385 = arith.select %eq3A_2383, %jit3A_2384, %jit3A_2381 : i32
      %rem3A_2386 = vector.broadcast %select_n3A_2385 : i32 to vector<16xi32>
      %rem3A_2387 = arith.remsi %add3A_2380, %rem3A_2386 : vector<16xi32>
      %ne3A_2388 = arith.constant 0 : i32
      %ne3A_2389 = vector.broadcast %ne3A_2388 : i32 to vector<16xi32>
      %ne3A_2390 = arith.cmpi ne, %rem3A_2387, %ne3A_2389 : vector<16xi32>
      %lt3A_2391 = arith.constant 0 : i32
      %lt3A_2392 = vector.broadcast %lt3A_2391 : i32 to vector<16xi32>
      %lt3A_2393 = arith.cmpi slt, %rem3A_2387, %lt3A_2392 : vector<16xi32>
      %lt3A_2394 = arith.constant 0 : i32
      %lt3A_2395 = arith.cmpi slt, %select_n3A_2385, %lt3A_2394 : i32
      %ne3A_2396 = vector.broadcast %lt3A_2395 : i1 to vector<16xi1>
      %ne3A_2397 = vector.broadcast %ne3A_2396 : vector<16xi1> to vector<16xi1>
      %ne3A_2398 = arith.xori %lt3A_2393, %ne3A_2397 : vector<16xi1>
      %and3A_2399 = arith.andi %ne3A_2398, %ne3A_2390 : vector<16xi1>
      %add3A_2400 = vector.broadcast %select_n3A_2385 : i32 to vector<16xi32>
      %add3A_2401 = arith.addi %rem3A_2387, %add3A_2400 : vector<16xi32>
      %select_n3A_2402 = arith.select %and3A_2399, %add3A_2401, %rem3A_2387 : vector<16xi1>, vector<16xi32>
      %broadcast_in_dim3A_2403 = vector.shape_cast %select_n3A_2402 : vector<16xi32> to vector<16x1xi32>
      %gather3A_2404 = vector.shape_cast %broadcast_in_dim3A_2403 : vector<16x1xi32> to vector<16xi32>
      %gather3A_2405 = tpu.dynamic_gather %min3A_2376[%gather3A_2404] in [0] : vector<16xf32>, vector<16xi32> -> vector<16xf32>
      %min3A_2406 = arith.minimumf %min3A_2376, %gather3A_2405 : vector<16xf32>
      %iota3A_2407 = tpu.iota {dimensions = array<i32: 0>} : vector<16xi32>
      %add3A_2408 = arith.constant 2 : i32
      %add3A_2409 = vector.broadcast %add3A_2408 : i32 to vector<16xi32>
      %add3A_2410 = arith.addi %iota3A_2407, %add3A_2409 : vector<16xi32>
      %jit3A_2411 = arith.constant 16 : i32
      %eq3A_2412 = arith.constant 0 : i32
      %eq3A_2413 = arith.cmpi eq, %jit3A_2411, %eq3A_2412 : i32
      %jit3A_2414 = arith.constant 1 : i32
      %select_n3A_2415 = arith.select %eq3A_2413, %jit3A_2414, %jit3A_2411 : i32
      %rem3A_2416 = vector.broadcast %select_n3A_2415 : i32 to vector<16xi32>
      %rem3A_2417 = arith.remsi %add3A_2410, %rem3A_2416 : vector<16xi32>
      %ne3A_2418 = arith.constant 0 : i32
      %ne3A_2419 = vector.broadcast %ne3A_2418 : i32 to vector<16xi32>
      %ne3A_2420 = arith.cmpi ne, %rem3A_2417, %ne3A_2419 : vector<16xi32>
      %lt3A_2421 = arith.constant 0 : i32
      %lt3A_2422 = vector.broadcast %lt3A_2421 : i32 to vector<16xi32>
      %lt3A_2423 = arith.cmpi slt, %rem3A_2417, %lt3A_2422 : vector<16xi32>
      %lt3A_2424 = arith.constant 0 : i32
      %lt3A_2425 = arith.cmpi slt, %select_n3A_2415, %lt3A_2424 : i32
      %ne3A_2426 = vector.broadcast %lt3A_2425 : i1 to vector<16xi1>
      %ne3A_2427 = vector.broadcast %ne3A_2426 : vector<16xi1> to vector<16xi1>
      %ne3A_2428 = arith.xori %lt3A_2423, %ne3A_2427 : vector<16xi1>
      %and3A_2429 = arith.andi %ne3A_2428, %ne3A_2420 : vector<16xi1>
      %add3A_2430 = vector.broadcast %select_n3A_2415 : i32 to vector<16xi32>
      %add3A_2431 = arith.addi %rem3A_2417, %add3A_2430 : vector<16xi32>
      %select_n3A_2432 = arith.select %and3A_2429, %add3A_2431, %rem3A_2417 : vector<16xi1>, vector<16xi32>
      %broadcast_in_dim3A_2433 = vector.shape_cast %select_n3A_2432 : vector<16xi32> to vector<16x1xi32>
      %gather3A_2434 = vector.shape_cast %broadcast_in_dim3A_2433 : vector<16x1xi32> to vector<16xi32>
      %gather3A_2435 = tpu.dynamic_gather %min3A_2406[%gather3A_2434] in [0] : vector<16xf32>, vector<16xi32> -> vector<16xf32>
      %min3A_2436 = arith.minimumf %min3A_2406, %gather3A_2435 : vector<16xf32>
      %iota3A_2437 = tpu.iota {dimensions = array<i32: 0>} : vector<16xi32>
      %add3A_2438 = arith.constant 1 : i32
      %add3A_2439 = vector.broadcast %add3A_2438 : i32 to vector<16xi32>
      %add3A_2440 = arith.addi %iota3A_2437, %add3A_2439 : vector<16xi32>
      %jit3A_2441 = arith.constant 16 : i32
      %eq3A_2442 = arith.constant 0 : i32
      %eq3A_2443 = arith.cmpi eq, %jit3A_2441, %eq3A_2442 : i32
      %jit3A_2444 = arith.constant 1 : i32
      %select_n3A_2445 = arith.select %eq3A_2443, %jit3A_2444, %jit3A_2441 : i32
      %rem3A_2446 = vector.broadcast %select_n3A_2445 : i32 to vector<16xi32>
      %rem3A_2447 = arith.remsi %add3A_2440, %rem3A_2446 : vector<16xi32>
      %ne3A_2448 = arith.constant 0 : i32
      %ne3A_2449 = vector.broadcast %ne3A_2448 : i32 to vector<16xi32>
      %ne3A_2450 = arith.cmpi ne, %rem3A_2447, %ne3A_2449 : vector<16xi32>
      %lt3A_2451 = arith.constant 0 : i32
      %lt3A_2452 = vector.broadcast %lt3A_2451 : i32 to vector<16xi32>
      %lt3A_2453 = arith.cmpi slt, %rem3A_2447, %lt3A_2452 : vector<16xi32>
      %lt3A_2454 = arith.constant 0 : i32
      %lt3A_2455 = arith.cmpi slt, %select_n3A_2445, %lt3A_2454 : i32
      %ne3A_2456 = vector.broadcast %lt3A_2455 : i1 to vector<16xi1>
      %ne3A_2457 = vector.broadcast %ne3A_2456 : vector<16xi1> to vector<16xi1>
      %ne3A_2458 = arith.xori %lt3A_2453, %ne3A_2457 : vector<16xi1>
      %and3A_2459 = arith.andi %ne3A_2458, %ne3A_2450 : vector<16xi1>
      %add3A_2460 = vector.broadcast %select_n3A_2445 : i32 to vector<16xi32>
      %add3A_2461 = arith.addi %rem3A_2447, %add3A_2460 : vector<16xi32>
      %select_n3A_2462 = arith.select %and3A_2459, %add3A_2461, %rem3A_2447 : vector<16xi1>, vector<16xi32>
      %broadcast_in_dim3A_2463 = vector.shape_cast %select_n3A_2462 : vector<16xi32> to vector<16x1xi32>
      %gather3A_2464 = vector.shape_cast %broadcast_in_dim3A_2463 : vector<16x1xi32> to vector<16xi32>
      %gather3A_2465 = tpu.dynamic_gather %min3A_2436[%gather3A_2464] in [0] : vector<16xf32>, vector<16xi32> -> vector<16xf32>
      %min3A_2466 = arith.minimumf %min3A_2436, %gather3A_2465 : vector<16xf32>
      %slice3A_2467 = vector.extract_strided_slice %min3A_2466 {offsets = [0], sizes = [1], strides = [1]} : vector<16xf32> to vector<1xf32>
      %squeeze3A_2468 = vector.extract %slice3A_2467[0] : f32 from vector<1xf32>
      %add3A_2469 = arith.addf %squeeze3A_2468, %add3A_2346 : f32
      %slice3A_2470 = vector.extract_strided_slice %get3A_66 {offsets = [14], sizes = [1], strides = [1]} : vector<16xf32> to vector<1xf32>
      %squeeze3A_2471 = vector.extract %slice3A_2470[0] : f32 from vector<1xf32>
      %mul3A_2472 = arith.mulf %add3A_2469, %squeeze3A_2471 : f32
      %add3A_2473 = arith.addf %add3A_2329, %mul3A_2472 : f32
      %slice3A_2474 = vector.extract_strided_slice %get3A_48 {offsets = [15], sizes = [1], strides = [1]} : vector<16xf32> to vector<1xf32>
      %squeeze3A_2475 = vector.extract %slice3A_2474[0] : f32 from vector<1xf32>
      %slice3A_2476 = vector.extract_strided_slice %get3A_48 {offsets = [15], sizes = [1], strides = [1]} : vector<16xf32> to vector<1xf32>
      %squeeze3A_2477 = vector.extract %slice3A_2476[0] : f32 from vector<1xf32>
      %mul3A_2478 = arith.mulf %squeeze3A_2475, %squeeze3A_2477 : f32
      %slice3A_2479 = vector.extract_strided_slice %get3A_51 {offsets = [15], sizes = [1], strides = [1]} : vector<16xf32> to vector<1xf32>
      %squeeze3A_2480 = vector.extract %slice3A_2479[0] : f32 from vector<1xf32>
      %slice3A_2481 = vector.extract_strided_slice %get3A_51 {offsets = [15], sizes = [1], strides = [1]} : vector<16xf32> to vector<1xf32>
      %squeeze3A_2482 = vector.extract %slice3A_2481[0] : f32 from vector<1xf32>
      %mul3A_2483 = arith.mulf %squeeze3A_2480, %squeeze3A_2482 : f32
      %add3A_2484 = arith.addf %mul3A_2478, %mul3A_2483 : f32
      %slice3A_2485 = vector.extract_strided_slice %get3A_54 {offsets = [15], sizes = [1], strides = [1]} : vector<16xf32> to vector<1xf32>
      %squeeze3A_2486 = vector.extract %slice3A_2485[0] : f32 from vector<1xf32>
      %slice3A_2487 = vector.extract_strided_slice %get3A_54 {offsets = [15], sizes = [1], strides = [1]} : vector<16xf32> to vector<1xf32>
      %squeeze3A_2488 = vector.extract %slice3A_2487[0] : f32 from vector<1xf32>
      %mul3A_2489 = arith.mulf %squeeze3A_2486, %squeeze3A_2488 : f32
      %add3A_2490 = arith.addf %add3A_2484, %mul3A_2489 : f32
      %iota3A_2491 = tpu.iota {dimensions = array<i32: 0>} : vector<16xi32>
      %add3A_2492 = arith.constant 8 : i32
      %add3A_2493 = vector.broadcast %add3A_2492 : i32 to vector<16xi32>
      %add3A_2494 = arith.addi %iota3A_2491, %add3A_2493 : vector<16xi32>
      %jit3A_2495 = arith.constant 16 : i32
      %eq3A_2496 = arith.constant 0 : i32
      %eq3A_2497 = arith.cmpi eq, %jit3A_2495, %eq3A_2496 : i32
      %jit3A_2498 = arith.constant 1 : i32
      %select_n3A_2499 = arith.select %eq3A_2497, %jit3A_2498, %jit3A_2495 : i32
      %rem3A_2500 = vector.broadcast %select_n3A_2499 : i32 to vector<16xi32>
      %rem3A_2501 = arith.remsi %add3A_2494, %rem3A_2500 : vector<16xi32>
      %ne3A_2502 = arith.constant 0 : i32
      %ne3A_2503 = vector.broadcast %ne3A_2502 : i32 to vector<16xi32>
      %ne3A_2504 = arith.cmpi ne, %rem3A_2501, %ne3A_2503 : vector<16xi32>
      %lt3A_2505 = arith.constant 0 : i32
      %lt3A_2506 = vector.broadcast %lt3A_2505 : i32 to vector<16xi32>
      %lt3A_2507 = arith.cmpi slt, %rem3A_2501, %lt3A_2506 : vector<16xi32>
      %lt3A_2508 = arith.constant 0 : i32
      %lt3A_2509 = arith.cmpi slt, %select_n3A_2499, %lt3A_2508 : i32
      %ne3A_2510 = vector.broadcast %lt3A_2509 : i1 to vector<16xi1>
      %ne3A_2511 = vector.broadcast %ne3A_2510 : vector<16xi1> to vector<16xi1>
      %ne3A_2512 = arith.xori %lt3A_2507, %ne3A_2511 : vector<16xi1>
      %and3A_2513 = arith.andi %ne3A_2512, %ne3A_2504 : vector<16xi1>
      %add3A_2514 = vector.broadcast %select_n3A_2499 : i32 to vector<16xi32>
      %add3A_2515 = arith.addi %rem3A_2501, %add3A_2514 : vector<16xi32>
      %select_n3A_2516 = arith.select %and3A_2513, %add3A_2515, %rem3A_2501 : vector<16xi1>, vector<16xi32>
      %broadcast_in_dim3A_2517 = vector.shape_cast %select_n3A_2516 : vector<16xi32> to vector<16x1xi32>
      %gather3A_2518 = vector.shape_cast %broadcast_in_dim3A_2517 : vector<16x1xi32> to vector<16xi32>
      %gather3A_2519 = tpu.dynamic_gather %scan3A_1464#7[%gather3A_2518] in [0] : vector<16xf32>, vector<16xi32> -> vector<16xf32>
      %min3A_2520 = arith.minimumf %scan3A_1464#7, %gather3A_2519 : vector<16xf32>
      %iota3A_2521 = tpu.iota {dimensions = array<i32: 0>} : vector<16xi32>
      %add3A_2522 = arith.constant 4 : i32
      %add3A_2523 = vector.broadcast %add3A_2522 : i32 to vector<16xi32>
      %add3A_2524 = arith.addi %iota3A_2521, %add3A_2523 : vector<16xi32>
      %jit3A_2525 = arith.constant 16 : i32
      %eq3A_2526 = arith.constant 0 : i32
      %eq3A_2527 = arith.cmpi eq, %jit3A_2525, %eq3A_2526 : i32
      %jit3A_2528 = arith.constant 1 : i32
      %select_n3A_2529 = arith.select %eq3A_2527, %jit3A_2528, %jit3A_2525 : i32
      %rem3A_2530 = vector.broadcast %select_n3A_2529 : i32 to vector<16xi32>
      %rem3A_2531 = arith.remsi %add3A_2524, %rem3A_2530 : vector<16xi32>
      %ne3A_2532 = arith.constant 0 : i32
      %ne3A_2533 = vector.broadcast %ne3A_2532 : i32 to vector<16xi32>
      %ne3A_2534 = arith.cmpi ne, %rem3A_2531, %ne3A_2533 : vector<16xi32>
      %lt3A_2535 = arith.constant 0 : i32
      %lt3A_2536 = vector.broadcast %lt3A_2535 : i32 to vector<16xi32>
      %lt3A_2537 = arith.cmpi slt, %rem3A_2531, %lt3A_2536 : vector<16xi32>
      %lt3A_2538 = arith.constant 0 : i32
      %lt3A_2539 = arith.cmpi slt, %select_n3A_2529, %lt3A_2538 : i32
      %ne3A_2540 = vector.broadcast %lt3A_2539 : i1 to vector<16xi1>
      %ne3A_2541 = vector.broadcast %ne3A_2540 : vector<16xi1> to vector<16xi1>
      %ne3A_2542 = arith.xori %lt3A_2537, %ne3A_2541 : vector<16xi1>
      %and3A_2543 = arith.andi %ne3A_2542, %ne3A_2534 : vector<16xi1>
      %add3A_2544 = vector.broadcast %select_n3A_2529 : i32 to vector<16xi32>
      %add3A_2545 = arith.addi %rem3A_2531, %add3A_2544 : vector<16xi32>
      %select_n3A_2546 = arith.select %and3A_2543, %add3A_2545, %rem3A_2531 : vector<16xi1>, vector<16xi32>
      %broadcast_in_dim3A_2547 = vector.shape_cast %select_n3A_2546 : vector<16xi32> to vector<16x1xi32>
      %gather3A_2548 = vector.shape_cast %broadcast_in_dim3A_2547 : vector<16x1xi32> to vector<16xi32>
      %gather3A_2549 = tpu.dynamic_gather %min3A_2520[%gather3A_2548] in [0] : vector<16xf32>, vector<16xi32> -> vector<16xf32>
      %min3A_2550 = arith.minimumf %min3A_2520, %gather3A_2549 : vector<16xf32>
      %iota3A_2551 = tpu.iota {dimensions = array<i32: 0>} : vector<16xi32>
      %add3A_2552 = arith.constant 2 : i32
      %add3A_2553 = vector.broadcast %add3A_2552 : i32 to vector<16xi32>
      %add3A_2554 = arith.addi %iota3A_2551, %add3A_2553 : vector<16xi32>
      %jit3A_2555 = arith.constant 16 : i32
      %eq3A_2556 = arith.constant 0 : i32
      %eq3A_2557 = arith.cmpi eq, %jit3A_2555, %eq3A_2556 : i32
      %jit3A_2558 = arith.constant 1 : i32
      %select_n3A_2559 = arith.select %eq3A_2557, %jit3A_2558, %jit3A_2555 : i32
      %rem3A_2560 = vector.broadcast %select_n3A_2559 : i32 to vector<16xi32>
      %rem3A_2561 = arith.remsi %add3A_2554, %rem3A_2560 : vector<16xi32>
      %ne3A_2562 = arith.constant 0 : i32
      %ne3A_2563 = vector.broadcast %ne3A_2562 : i32 to vector<16xi32>
      %ne3A_2564 = arith.cmpi ne, %rem3A_2561, %ne3A_2563 : vector<16xi32>
      %lt3A_2565 = arith.constant 0 : i32
      %lt3A_2566 = vector.broadcast %lt3A_2565 : i32 to vector<16xi32>
      %lt3A_2567 = arith.cmpi slt, %rem3A_2561, %lt3A_2566 : vector<16xi32>
      %lt3A_2568 = arith.constant 0 : i32
      %lt3A_2569 = arith.cmpi slt, %select_n3A_2559, %lt3A_2568 : i32
      %ne3A_2570 = vector.broadcast %lt3A_2569 : i1 to vector<16xi1>
      %ne3A_2571 = vector.broadcast %ne3A_2570 : vector<16xi1> to vector<16xi1>
      %ne3A_2572 = arith.xori %lt3A_2567, %ne3A_2571 : vector<16xi1>
      %and3A_2573 = arith.andi %ne3A_2572, %ne3A_2564 : vector<16xi1>
      %add3A_2574 = vector.broadcast %select_n3A_2559 : i32 to vector<16xi32>
      %add3A_2575 = arith.addi %rem3A_2561, %add3A_2574 : vector<16xi32>
      %select_n3A_2576 = arith.select %and3A_2573, %add3A_2575, %rem3A_2561 : vector<16xi1>, vector<16xi32>
      %broadcast_in_dim3A_2577 = vector.shape_cast %select_n3A_2576 : vector<16xi32> to vector<16x1xi32>
      %gather3A_2578 = vector.shape_cast %broadcast_in_dim3A_2577 : vector<16x1xi32> to vector<16xi32>
      %gather3A_2579 = tpu.dynamic_gather %min3A_2550[%gather3A_2578] in [0] : vector<16xf32>, vector<16xi32> -> vector<16xf32>
      %min3A_2580 = arith.minimumf %min3A_2550, %gather3A_2579 : vector<16xf32>
      %iota3A_2581 = tpu.iota {dimensions = array<i32: 0>} : vector<16xi32>
      %add3A_2582 = arith.constant 1 : i32
      %add3A_2583 = vector.broadcast %add3A_2582 : i32 to vector<16xi32>
      %add3A_2584 = arith.addi %iota3A_2581, %add3A_2583 : vector<16xi32>
      %jit3A_2585 = arith.constant 16 : i32
      %eq3A_2586 = arith.constant 0 : i32
      %eq3A_2587 = arith.cmpi eq, %jit3A_2585, %eq3A_2586 : i32
      %jit3A_2588 = arith.constant 1 : i32
      %select_n3A_2589 = arith.select %eq3A_2587, %jit3A_2588, %jit3A_2585 : i32
      %rem3A_2590 = vector.broadcast %select_n3A_2589 : i32 to vector<16xi32>
      %rem3A_2591 = arith.remsi %add3A_2584, %rem3A_2590 : vector<16xi32>
      %ne3A_2592 = arith.constant 0 : i32
      %ne3A_2593 = vector.broadcast %ne3A_2592 : i32 to vector<16xi32>
      %ne3A_2594 = arith.cmpi ne, %rem3A_2591, %ne3A_2593 : vector<16xi32>
      %lt3A_2595 = arith.constant 0 : i32
      %lt3A_2596 = vector.broadcast %lt3A_2595 : i32 to vector<16xi32>
      %lt3A_2597 = arith.cmpi slt, %rem3A_2591, %lt3A_2596 : vector<16xi32>
      %lt3A_2598 = arith.constant 0 : i32
      %lt3A_2599 = arith.cmpi slt, %select_n3A_2589, %lt3A_2598 : i32
      %ne3A_2600 = vector.broadcast %lt3A_2599 : i1 to vector<16xi1>
      %ne3A_2601 = vector.broadcast %ne3A_2600 : vector<16xi1> to vector<16xi1>
      %ne3A_2602 = arith.xori %lt3A_2597, %ne3A_2601 : vector<16xi1>
      %and3A_2603 = arith.andi %ne3A_2602, %ne3A_2594 : vector<16xi1>
      %add3A_2604 = vector.broadcast %select_n3A_2589 : i32 to vector<16xi32>
      %add3A_2605 = arith.addi %rem3A_2591, %add3A_2604 : vector<16xi32>
      %select_n3A_2606 = arith.select %and3A_2603, %add3A_2605, %rem3A_2591 : vector<16xi1>, vector<16xi32>
      %broadcast_in_dim3A_2607 = vector.shape_cast %select_n3A_2606 : vector<16xi32> to vector<16x1xi32>
      %gather3A_2608 = vector.shape_cast %broadcast_in_dim3A_2607 : vector<16x1xi32> to vector<16xi32>
      %gather3A_2609 = tpu.dynamic_gather %min3A_2580[%gather3A_2608] in [0] : vector<16xf32>, vector<16xi32> -> vector<16xf32>
      %min3A_2610 = arith.minimumf %min3A_2580, %gather3A_2609 : vector<16xf32>
      %slice3A_2611 = vector.extract_strided_slice %min3A_2610 {offsets = [0], sizes = [1], strides = [1]} : vector<16xf32> to vector<1xf32>
      %squeeze3A_2612 = vector.extract %slice3A_2611[0] : f32 from vector<1xf32>
      %add3A_2613 = arith.addf %squeeze3A_2612, %add3A_2490 : f32
      %slice3A_2614 = vector.extract_strided_slice %get3A_66 {offsets = [15], sizes = [1], strides = [1]} : vector<16xf32> to vector<1xf32>
      %squeeze3A_2615 = vector.extract %slice3A_2614[0] : f32 from vector<1xf32>
      %mul3A_2616 = arith.mulf %add3A_2613, %squeeze3A_2615 : f32
      %add3A_2617 = arith.addf %add3A_2473, %mul3A_2616 : f32
      scf.yield %add3A_2617 : f32
    }
    %scan3A_33 = arith.constant 2 : i32
    %iota3A = tpu.iota {dimensions = array<i32: 0>} : vector<16xi32>
    %eq3A = arith.constant 0 : i32
    %eq3A_34 = vector.broadcast %eq3A : i32 to vector<16xi32>
    %eq3A_35 = arith.cmpi eq, %iota3A, %eq3A_34 : vector<16xi32>
    %broadcast_in_dim3A_36 = vector.broadcast %scan3A_32 : f32 to vector<16xf32>
    %jit3A_37 = arith.constant 0.000000e+00 : f32
    %broadcast_in_dim3A_38 = vector.broadcast %jit3A_37 : f32 to vector<16xf32>
    %select_n3A_39 = arith.select %eq3A_35, %broadcast_in_dim3A_36, %broadcast_in_dim3A_38 : vector<16xi1>, vector<16xf32>
    %swap3A = arith.constant 0 : index
    %swap3A_40 = tpu.vector_load %arg30[%swap3A] {strides = array<i32>} : memref<16xf32, #tpu.memory_space<vmem>>, vector<16xf32>,
    %swap3A_41 = vector.shape_cast %swap3A_40 : vector<16xf32> to vector<16xf32>
    %swap3A_42 = vector.shape_cast %select_n3A_39 : vector<16xf32> to vector<16xf32>
    tpu.vector_store %arg30[%swap3A], %swap3A_42 {strides = array<i32>} : memref<16xf32, #tpu.memory_space<vmem>>, vector<16xf32>,
    "tpu.region"() ({
      %run_scoped3A = tpu.sem_alloc : memref<!tpu.dma_semaphore, #tpu.memory_space<semaphore_mem>>
      %dma_start3A = arith.constant 0 : i32
      %dma_start3A_43 = tpu.memref_slice %arg15[%add3A, %dma_start3A] : memref<32x16xf32, #tpu.memory_space<hbm>> -> memref<1x16xf32, #tpu.memory_space<hbm>>
      %dma_start3A_44 = tpu.memref_squeeze %dma_start3A_43 : memref<1x16xf32, #tpu.memory_space<hbm>> -> memref<16xf32, #tpu.memory_space<hbm>>
      %dma_start3A_45 = arith.constant 0 : i32
      %dma_start3A_46 = tpu.memref_slice %arg15[%add3A, %dma_start3A_45] : memref<32x16xf32, #tpu.memory_space<hbm>> -> memref<1x16xf32, #tpu.memory_space<hbm>>
      %dma_start3A_47 = tpu.memref_squeeze %dma_start3A_46 : memref<1x16xf32, #tpu.memory_space<hbm>> -> memref<16xf32, #tpu.memory_space<hbm>>
      tpu.enqueue_dma source(%arg30 : memref<16xf32, #tpu.memory_space<vmem>>) target(%dma_start3A_47 : memref<16xf32, #tpu.memory_space<hbm>>) target_semaphore(%run_scoped3A : memref<!tpu.dma_semaphore, #tpu.memory_space<semaphore_mem>>)
      %dma_wait3A = arith.constant 0 : i32
      %dma_wait3A_48 = tpu.memref_slice %arg15[%add3A, %dma_wait3A] : memref<32x16xf32, #tpu.memory_space<hbm>> -> memref<1x16xf32, #tpu.memory_space<hbm>>
      %dma_wait3A_49 = tpu.memref_squeeze %dma_wait3A_48 : memref<1x16xf32, #tpu.memory_space<hbm>> -> memref<16xf32, #tpu.memory_space<hbm>>
      %dma_wait3A_50 = arith.constant 0 : i32
      %dma_wait3A_51 = tpu.memref_slice %arg15[%add3A, %dma_wait3A_50] : memref<32x16xf32, #tpu.memory_space<hbm>> -> memref<1x16xf32, #tpu.memory_space<hbm>>
      %dma_wait3A_52 = tpu.memref_squeeze %dma_wait3A_51 : memref<1x16xf32, #tpu.memory_space<hbm>> -> memref<16xf32, #tpu.memory_space<hbm>>
      tpu.wait_dma2 semaphore(%run_scoped3A : memref<!tpu.dma_semaphore, #tpu.memory_space<semaphore_mem>>) src(%arg30 : memref<16xf32, #tpu.memory_space<vmem>>) dst(%dma_wait3A_52 : memref<16xf32, #tpu.memory_space<hbm>>)
      tpu.yield
    }) : () -> ()
    return
  }
}

module attributes {stable_mosaic.version = 14 : i64} {
  func.func @_tc_body(%arg0: i32, %arg1: i32, %arg2: memref<1x3x1920xbf16, #tpu.memory_space<vmem>>, %arg3: memref<1x3x4096xbf16, #tpu.memory_space<vmem>>, %arg4: memref<1x3x4096xf32, #tpu.memory_space<vmem>>, %arg5: memref<1x3x1920xf32, #tpu.memory_space<vmem>>, %arg6: memref<1x1x1920xf32, #tpu.memory_space<vmem>>, %arg7: memref<1x8x128xf32, #tpu.memory_space<vmem>>) attributes {dimension_semantics = [#tpu.dimension_semantics<arbitrary>, #tpu.dimension_semantics<arbitrary>], iteration_bounds = array<i64: 4, 2>, scalar_prefetch = 0 : i64, scratch_operands = 0 : i64, tpu.core_type = #tpu.core_type<tc>, window_params = [{transform_indices = @transform_0, window_bounds = array<i64: 1, 3, 1920>}, {transform_indices = @transform_1, window_bounds = array<i64: 1, 3, 4096>}, {transform_indices = @transform_2, window_bounds = array<i64: 1, 3, 4096>}, {transform_indices = @transform_3, window_bounds = array<i64: 1, 3, 1920>}, {transform_indices = @transform_4, window_bounds = array<i64: 1, 1, 1920>}, {transform_indices = @transform_5, window_bounds = array<i64: 1, 8, 128>}]} {
    %get3A = arith.constant 0 : index
    %get3A_0 = arith.constant 0 : index
    %get3A_1 = arith.constant 0 : index
    %get3A_2 = vector.load %arg2[%get3A, %get3A_0, %get3A_1] : memref<1x3x1920xbf16, #tpu.memory_space<vmem>>, vector<1x3x1920xbf16>
    %get3A_3 = vector.shape_cast %get3A_2 : vector<1x3x1920xbf16> to vector<3x1920xbf16>
    %get3A_4 = arith.constant 0 : index
    %get3A_5 = arith.constant 0 : index
    %get3A_6 = arith.constant 0 : index
    %get3A_7 = vector.load %arg3[%get3A_4, %get3A_5, %get3A_6] : memref<1x3x4096xbf16, #tpu.memory_space<vmem>>, vector<1x3x4096xbf16>
    %get3A_8 = vector.shape_cast %get3A_7 : vector<1x3x4096xbf16> to vector<3x4096xbf16>
    %dot_general3A = arith.constant dense<0.000000e+00> : vector<1920x4096xf32>
    %dot_general3A_9 = tpu.matmul %get3A_3, %get3A_8, %dot_general3A {dimension_numbers = #tpu.dot_dimension_numbers<[0], [0], [1], [1], [0, 1, 1, 1], [], []>, transpose_lhs_hint = false} : vector<3x1920xbf16>, vector<3x4096xbf16>, vector<1920x4096xf32> -> vector<1920x4096xf32>
    %get3A_10 = arith.constant 0 : index
    %get3A_11 = arith.constant 0 : index
    %get3A_12 = arith.constant 0 : index
    %get3A_13 = vector.load %arg4[%get3A_10, %get3A_11, %get3A_12] : memref<1x3x4096xf32, #tpu.memory_space<vmem>>, vector<1x3x4096xf32>
    %get3A_14 = vector.shape_cast %get3A_13 : vector<1x3x4096xf32> to vector<3x4096xf32>
    %slice3A = vector.extract_strided_slice %get3A_14 {offsets = [0, 0], sizes = [1, 4096], strides = [1, 1]} : vector<3x4096xf32> to vector<1x4096xf32>
    %squeeze3A = vector.shape_cast %slice3A : vector<1x4096xf32> to vector<4096xf32>
    %slice3A_15 = vector.extract_strided_slice %get3A_14 {offsets = [0, 0], sizes = [1, 4096], strides = [1, 1]} : vector<3x4096xf32> to vector<1x4096xf32>
    %squeeze3A_16 = vector.shape_cast %slice3A_15 : vector<1x4096xf32> to vector<4096xf32>
    %mul3A = arith.mulf %squeeze3A, %squeeze3A_16 : vector<4096xf32>
    %slice3A_17 = vector.extract_strided_slice %get3A_14 {offsets = [1, 0], sizes = [1, 4096], strides = [1, 1]} : vector<3x4096xf32> to vector<1x4096xf32>
    %squeeze3A_18 = vector.shape_cast %slice3A_17 : vector<1x4096xf32> to vector<4096xf32>
    %slice3A_19 = vector.extract_strided_slice %get3A_14 {offsets = [1, 0], sizes = [1, 4096], strides = [1, 1]} : vector<3x4096xf32> to vector<1x4096xf32>
    %squeeze3A_20 = vector.shape_cast %slice3A_19 : vector<1x4096xf32> to vector<4096xf32>
    %mul3A_21 = arith.mulf %squeeze3A_18, %squeeze3A_20 : vector<4096xf32>
    %add3A = arith.addf %mul3A, %mul3A_21 : vector<4096xf32>
    %slice3A_22 = vector.extract_strided_slice %get3A_14 {offsets = [2, 0], sizes = [1, 4096], strides = [1, 1]} : vector<3x4096xf32> to vector<1x4096xf32>
    %squeeze3A_23 = vector.shape_cast %slice3A_22 : vector<1x4096xf32> to vector<4096xf32>
    %slice3A_24 = vector.extract_strided_slice %get3A_14 {offsets = [2, 0], sizes = [1, 4096], strides = [1, 1]} : vector<3x4096xf32> to vector<1x4096xf32>
    %squeeze3A_25 = vector.shape_cast %slice3A_24 : vector<1x4096xf32> to vector<4096xf32>
    %mul3A_26 = arith.mulf %squeeze3A_23, %squeeze3A_25 : vector<4096xf32>
    %add3A_27 = arith.addf %add3A, %mul3A_26 : vector<4096xf32>
    %broadcast_in_dim3A = vector.shape_cast %add3A_27 : vector<4096xf32> to vector<1x4096xf32>
    %add3A_28 = vector.broadcast %broadcast_in_dim3A : vector<1x4096xf32> to vector<1920x4096xf32>
    %add3A_29 = arith.addf %dot_general3A_9, %add3A_28 : vector<1920x4096xf32>
    %slice3A_30 = vector.extract_strided_slice %add3A_29 {offsets = [0, 0], sizes = [1920, 128], strides = [1, 1]} : vector<1920x4096xf32> to vector<1920x128xf32>
    %slice3A_31 = vector.extract_strided_slice %add3A_29 {offsets = [0, 128], sizes = [1920, 128], strides = [1, 1]} : vector<1920x4096xf32> to vector<1920x128xf32>
    %min3A = arith.minimumf %slice3A_30, %slice3A_31 : vector<1920x128xf32>
    %slice3A_32 = vector.extract_strided_slice %add3A_29 {offsets = [0, 256], sizes = [1920, 128], strides = [1, 1]} : vector<1920x4096xf32> to vector<1920x128xf32>
    %min3A_33 = arith.minimumf %min3A, %slice3A_32 : vector<1920x128xf32>
    %slice3A_34 = vector.extract_strided_slice %add3A_29 {offsets = [0, 384], sizes = [1920, 128], strides = [1, 1]} : vector<1920x4096xf32> to vector<1920x128xf32>
    %min3A_35 = arith.minimumf %min3A_33, %slice3A_34 : vector<1920x128xf32>
    %slice3A_36 = vector.extract_strided_slice %add3A_29 {offsets = [0, 512], sizes = [1920, 128], strides = [1, 1]} : vector<1920x4096xf32> to vector<1920x128xf32>
    %min3A_37 = arith.minimumf %min3A_35, %slice3A_36 : vector<1920x128xf32>
    %slice3A_38 = vector.extract_strided_slice %add3A_29 {offsets = [0, 640], sizes = [1920, 128], strides = [1, 1]} : vector<1920x4096xf32> to vector<1920x128xf32>
    %min3A_39 = arith.minimumf %min3A_37, %slice3A_38 : vector<1920x128xf32>
    %slice3A_40 = vector.extract_strided_slice %add3A_29 {offsets = [0, 768], sizes = [1920, 128], strides = [1, 1]} : vector<1920x4096xf32> to vector<1920x128xf32>
    %min3A_41 = arith.minimumf %min3A_39, %slice3A_40 : vector<1920x128xf32>
    %slice3A_42 = vector.extract_strided_slice %add3A_29 {offsets = [0, 896], sizes = [1920, 128], strides = [1, 1]} : vector<1920x4096xf32> to vector<1920x128xf32>
    %min3A_43 = arith.minimumf %min3A_41, %slice3A_42 : vector<1920x128xf32>
    %slice3A_44 = vector.extract_strided_slice %add3A_29 {offsets = [0, 1024], sizes = [1920, 128], strides = [1, 1]} : vector<1920x4096xf32> to vector<1920x128xf32>
    %min3A_45 = arith.minimumf %min3A_43, %slice3A_44 : vector<1920x128xf32>
    %slice3A_46 = vector.extract_strided_slice %add3A_29 {offsets = [0, 1152], sizes = [1920, 128], strides = [1, 1]} : vector<1920x4096xf32> to vector<1920x128xf32>
    %min3A_47 = arith.minimumf %min3A_45, %slice3A_46 : vector<1920x128xf32>
    %slice3A_48 = vector.extract_strided_slice %add3A_29 {offsets = [0, 1280], sizes = [1920, 128], strides = [1, 1]} : vector<1920x4096xf32> to vector<1920x128xf32>
    %min3A_49 = arith.minimumf %min3A_47, %slice3A_48 : vector<1920x128xf32>
    %slice3A_50 = vector.extract_strided_slice %add3A_29 {offsets = [0, 1408], sizes = [1920, 128], strides = [1, 1]} : vector<1920x4096xf32> to vector<1920x128xf32>
    %min3A_51 = arith.minimumf %min3A_49, %slice3A_50 : vector<1920x128xf32>
    %slice3A_52 = vector.extract_strided_slice %add3A_29 {offsets = [0, 1536], sizes = [1920, 128], strides = [1, 1]} : vector<1920x4096xf32> to vector<1920x128xf32>
    %min3A_53 = arith.minimumf %min3A_51, %slice3A_52 : vector<1920x128xf32>
    %slice3A_54 = vector.extract_strided_slice %add3A_29 {offsets = [0, 1664], sizes = [1920, 128], strides = [1, 1]} : vector<1920x4096xf32> to vector<1920x128xf32>
    %min3A_55 = arith.minimumf %min3A_53, %slice3A_54 : vector<1920x128xf32>
    %slice3A_56 = vector.extract_strided_slice %add3A_29 {offsets = [0, 1792], sizes = [1920, 128], strides = [1, 1]} : vector<1920x4096xf32> to vector<1920x128xf32>
    %min3A_57 = arith.minimumf %min3A_55, %slice3A_56 : vector<1920x128xf32>
    %slice3A_58 = vector.extract_strided_slice %add3A_29 {offsets = [0, 1920], sizes = [1920, 128], strides = [1, 1]} : vector<1920x4096xf32> to vector<1920x128xf32>
    %min3A_59 = arith.minimumf %min3A_57, %slice3A_58 : vector<1920x128xf32>
    %slice3A_60 = vector.extract_strided_slice %add3A_29 {offsets = [0, 2048], sizes = [1920, 128], strides = [1, 1]} : vector<1920x4096xf32> to vector<1920x128xf32>
    %min3A_61 = arith.minimumf %min3A_59, %slice3A_60 : vector<1920x128xf32>
    %slice3A_62 = vector.extract_strided_slice %add3A_29 {offsets = [0, 2176], sizes = [1920, 128], strides = [1, 1]} : vector<1920x4096xf32> to vector<1920x128xf32>
    %min3A_63 = arith.minimumf %min3A_61, %slice3A_62 : vector<1920x128xf32>
    %slice3A_64 = vector.extract_strided_slice %add3A_29 {offsets = [0, 2304], sizes = [1920, 128], strides = [1, 1]} : vector<1920x4096xf32> to vector<1920x128xf32>
    %min3A_65 = arith.minimumf %min3A_63, %slice3A_64 : vector<1920x128xf32>
    %slice3A_66 = vector.extract_strided_slice %add3A_29 {offsets = [0, 2432], sizes = [1920, 128], strides = [1, 1]} : vector<1920x4096xf32> to vector<1920x128xf32>
    %min3A_67 = arith.minimumf %min3A_65, %slice3A_66 : vector<1920x128xf32>
    %slice3A_68 = vector.extract_strided_slice %add3A_29 {offsets = [0, 2560], sizes = [1920, 128], strides = [1, 1]} : vector<1920x4096xf32> to vector<1920x128xf32>
    %min3A_69 = arith.minimumf %min3A_67, %slice3A_68 : vector<1920x128xf32>
    %slice3A_70 = vector.extract_strided_slice %add3A_29 {offsets = [0, 2688], sizes = [1920, 128], strides = [1, 1]} : vector<1920x4096xf32> to vector<1920x128xf32>
    %min3A_71 = arith.minimumf %min3A_69, %slice3A_70 : vector<1920x128xf32>
    %slice3A_72 = vector.extract_strided_slice %add3A_29 {offsets = [0, 2816], sizes = [1920, 128], strides = [1, 1]} : vector<1920x4096xf32> to vector<1920x128xf32>
    %min3A_73 = arith.minimumf %min3A_71, %slice3A_72 : vector<1920x128xf32>
    %slice3A_74 = vector.extract_strided_slice %add3A_29 {offsets = [0, 2944], sizes = [1920, 128], strides = [1, 1]} : vector<1920x4096xf32> to vector<1920x128xf32>
    %min3A_75 = arith.minimumf %min3A_73, %slice3A_74 : vector<1920x128xf32>
    %slice3A_76 = vector.extract_strided_slice %add3A_29 {offsets = [0, 3072], sizes = [1920, 128], strides = [1, 1]} : vector<1920x4096xf32> to vector<1920x128xf32>
    %min3A_77 = arith.minimumf %min3A_75, %slice3A_76 : vector<1920x128xf32>
    %slice3A_78 = vector.extract_strided_slice %add3A_29 {offsets = [0, 3200], sizes = [1920, 128], strides = [1, 1]} : vector<1920x4096xf32> to vector<1920x128xf32>
    %min3A_79 = arith.minimumf %min3A_77, %slice3A_78 : vector<1920x128xf32>
    %slice3A_80 = vector.extract_strided_slice %add3A_29 {offsets = [0, 3328], sizes = [1920, 128], strides = [1, 1]} : vector<1920x4096xf32> to vector<1920x128xf32>
    %min3A_81 = arith.minimumf %min3A_79, %slice3A_80 : vector<1920x128xf32>
    %slice3A_82 = vector.extract_strided_slice %add3A_29 {offsets = [0, 3456], sizes = [1920, 128], strides = [1, 1]} : vector<1920x4096xf32> to vector<1920x128xf32>
    %min3A_83 = arith.minimumf %min3A_81, %slice3A_82 : vector<1920x128xf32>
    %slice3A_84 = vector.extract_strided_slice %add3A_29 {offsets = [0, 3584], sizes = [1920, 128], strides = [1, 1]} : vector<1920x4096xf32> to vector<1920x128xf32>
    %min3A_85 = arith.minimumf %min3A_83, %slice3A_84 : vector<1920x128xf32>
    %slice3A_86 = vector.extract_strided_slice %add3A_29 {offsets = [0, 3712], sizes = [1920, 128], strides = [1, 1]} : vector<1920x4096xf32> to vector<1920x128xf32>
    %min3A_87 = arith.minimumf %min3A_85, %slice3A_86 : vector<1920x128xf32>
    %slice3A_88 = vector.extract_strided_slice %add3A_29 {offsets = [0, 3840], sizes = [1920, 128], strides = [1, 1]} : vector<1920x4096xf32> to vector<1920x128xf32>
    %min3A_89 = arith.minimumf %min3A_87, %slice3A_88 : vector<1920x128xf32>
    %slice3A_90 = vector.extract_strided_slice %add3A_29 {offsets = [0, 3968], sizes = [1920, 128], strides = [1, 1]} : vector<1920x4096xf32> to vector<1920x128xf32>
    %min3A_91 = arith.minimumf %min3A_89, %slice3A_90 : vector<1920x128xf32>
    %reduce_min3A = arith.constant dense<0x7F800000> : vector<1920xf32>
    %reduce_min3A_92 = vector.multi_reduction <minimumf>, %min3A_91, %reduce_min3A [1] : vector<1920x128xf32> to vector<1920xf32>
    %get3A_93 = arith.constant 0 : index
    %get3A_94 = arith.constant 0 : index
    %get3A_95 = arith.constant 0 : index
    %get3A_96 = vector.load %arg5[%get3A_93, %get3A_94, %get3A_95] : memref<1x3x1920xf32, #tpu.memory_space<vmem>>, vector<1x3x1920xf32>
    %get3A_97 = vector.shape_cast %get3A_96 : vector<1x3x1920xf32> to vector<3x1920xf32>
    %slice3A_98 = vector.extract_strided_slice %get3A_97 {offsets = [0, 0], sizes = [1, 1920], strides = [1, 1]} : vector<3x1920xf32> to vector<1x1920xf32>
    %squeeze3A_99 = vector.shape_cast %slice3A_98 : vector<1x1920xf32> to vector<1920xf32>
    %slice3A_100 = vector.extract_strided_slice %get3A_97 {offsets = [0, 0], sizes = [1, 1920], strides = [1, 1]} : vector<3x1920xf32> to vector<1x1920xf32>
    %squeeze3A_101 = vector.shape_cast %slice3A_100 : vector<1x1920xf32> to vector<1920xf32>
    %mul3A_102 = arith.mulf %squeeze3A_99, %squeeze3A_101 : vector<1920xf32>
    %slice3A_103 = vector.extract_strided_slice %get3A_97 {offsets = [1, 0], sizes = [1, 1920], strides = [1, 1]} : vector<3x1920xf32> to vector<1x1920xf32>
    %squeeze3A_104 = vector.shape_cast %slice3A_103 : vector<1x1920xf32> to vector<1920xf32>
    %slice3A_105 = vector.extract_strided_slice %get3A_97 {offsets = [1, 0], sizes = [1, 1920], strides = [1, 1]} : vector<3x1920xf32> to vector<1x1920xf32>
    %squeeze3A_106 = vector.shape_cast %slice3A_105 : vector<1x1920xf32> to vector<1920xf32>
    %mul3A_107 = arith.mulf %squeeze3A_104, %squeeze3A_106 : vector<1920xf32>
    %add3A_108 = arith.addf %mul3A_102, %mul3A_107 : vector<1920xf32>
    %slice3A_109 = vector.extract_strided_slice %get3A_97 {offsets = [2, 0], sizes = [1, 1920], strides = [1, 1]} : vector<3x1920xf32> to vector<1x1920xf32>
    %squeeze3A_110 = vector.shape_cast %slice3A_109 : vector<1x1920xf32> to vector<1920xf32>
    %slice3A_111 = vector.extract_strided_slice %get3A_97 {offsets = [2, 0], sizes = [1, 1920], strides = [1, 1]} : vector<3x1920xf32> to vector<1x1920xf32>
    %squeeze3A_112 = vector.shape_cast %slice3A_111 : vector<1x1920xf32> to vector<1920xf32>
    %mul3A_113 = arith.mulf %squeeze3A_110, %squeeze3A_112 : vector<1920xf32>
    %add3A_114 = arith.addf %add3A_108, %mul3A_113 : vector<1920xf32>
    %add3A_115 = arith.addf %reduce_min3A_92, %add3A_114 : vector<1920xf32>
    %get3A_116 = arith.constant 0 : index
    %get3A_117 = arith.constant 0 : index
    %get3A_118 = arith.constant 0 : index
    %get3A_119 = vector.load %arg6[%get3A_116, %get3A_117, %get3A_118] : memref<1x1x1920xf32, #tpu.memory_space<vmem>>, vector<1x1x1920xf32>
    %get3A_120 = vector.shape_cast %get3A_119 : vector<1x1x1920xf32> to vector<1920xf32>
    %mul3A_121 = arith.mulf %add3A_115, %get3A_120 : vector<1920xf32>
    %reduce_sum3A = vector.shape_cast %mul3A_121 : vector<1920xf32> to vector<1x1920xf32>
    %reduce_sum3A_122 = arith.constant dense<0.000000e+00> : vector<1xf32>
    %reduce_sum3A_123 = vector.multi_reduction <add>, %reduce_sum3A, %reduce_sum3A_122 [1] : vector<1x1920xf32> to vector<1xf32>
    %reduce_sum3A_124 = vector.shape_cast %reduce_sum3A_123 : vector<1xf32> to vector<1x1xf32>
    %reduce_sum3A_125 = vector.extract %reduce_sum3A_124[0, 0] : f32 from vector<1x1xf32>
    %iota3A = tpu.iota {dimensions = array<i32: 0>} : vector<8x128xi32>
    %iota3A_126 = tpu.iota {dimensions = array<i32: 1>} : vector<8x128xi32>
    %eq3A = arith.constant 0 : i32
    %eq3A_127 = vector.broadcast %eq3A : i32 to vector<8x128xi32>
    %eq3A_128 = arith.cmpi eq, %iota3A, %eq3A_127 : vector<8x128xi32>
    %eq3A_129 = arith.constant 0 : i32
    %eq3A_130 = vector.broadcast %eq3A_129 : i32 to vector<8x128xi32>
    %eq3A_131 = arith.cmpi eq, %iota3A_126, %eq3A_130 : vector<8x128xi32>
    %and3A = arith.andi %eq3A_128, %eq3A_131 : vector<8x128xi1>
    %jit3A = arith.constant 0.000000e+00 : f32
    %broadcast_in_dim3A_132 = vector.broadcast %reduce_sum3A_125 : f32 to vector<8x128xf32>
    %broadcast_in_dim3A_133 = vector.broadcast %jit3A : f32 to vector<8x128xf32>
    %select_n3A = arith.select %and3A, %broadcast_in_dim3A_132, %broadcast_in_dim3A_133 : vector<8x128xi1>, vector<8x128xf32>
    %broadcast_in_dim3A_134 = vector.shape_cast %select_n3A : vector<8x128xf32> to vector<1x8x128xf32>
    %eq3A_135 = arith.constant 0 : i32
    %eq3A_136 = arith.cmpi eq, %arg1, %eq3A_135 : i32
    %convert_element_type3A = arith.extui %eq3A_136 : i1 to i32
    %cond3A = arith.constant 0 : i32
    %cond3A_137 = arith.cmpi ne, %convert_element_type3A, %cond3A : i32
    scf.if %cond3A_137 {
      %swap3A = arith.constant 0 : index
      %swap3A_142 = arith.constant 0 : index
      %swap3A_143 = arith.constant 0 : index
      %swap3A_144 = vector.load %arg7[%swap3A, %swap3A_142, %swap3A_143] : memref<1x8x128xf32, #tpu.memory_space<vmem>>, vector<1x8x128xf32>
      tpu.vector_store %arg7[%swap3A, %swap3A_142, %swap3A_143], %broadcast_in_dim3A_134 {strides = array<i32>} : memref<1x8x128xf32, #tpu.memory_space<vmem>>, vector<1x8x128xf32>,
    } else {
    }
    %gt3A = arith.constant 0 : i32
    %gt3A_138 = arith.cmpi sgt, %arg1, %gt3A : i32
    %convert_element_type3A_139 = arith.extui %gt3A_138 : i1 to i32
    %cond3A_140 = arith.constant 0 : i32
    %cond3A_141 = arith.cmpi ne, %convert_element_type3A_139, %cond3A_140 : i32
    scf.if %cond3A_141 {
      %get3A_142 = arith.constant 0 : index
      %get3A_143 = arith.constant 0 : index
      %get3A_144 = arith.constant 0 : index
      %get3A_145 = vector.load %arg7[%get3A_142, %get3A_143, %get3A_144] : memref<1x8x128xf32, #tpu.memory_space<vmem>>, vector<1x8x128xf32>
      %add3A_146 = arith.addf %get3A_145, %broadcast_in_dim3A_134 : vector<1x8x128xf32>
      %swap3A = arith.constant 0 : index
      %swap3A_147 = arith.constant 0 : index
      %swap3A_148 = arith.constant 0 : index
      %swap3A_149 = vector.load %arg7[%swap3A, %swap3A_147, %swap3A_148] : memref<1x8x128xf32, #tpu.memory_space<vmem>>, vector<1x8x128xf32>
      tpu.vector_store %arg7[%swap3A, %swap3A_147, %swap3A_148], %add3A_146 {strides = array<i32>} : memref<1x8x128xf32, #tpu.memory_space<vmem>>, vector<1x8x128xf32>,
    } else {
    }
    return
  }
  func.func @transform_0(%arg0: i32, %arg1: i32) -> (i32, i32, i32) {
    %c0_i32 = arith.constant 0 : i32
    %c0_i32_0 = arith.constant 0 : i32
    return %arg0, %c0_i32, %arg1 : i32, i32, i32
  }
  func.func @transform_1(%arg0: i32, %arg1: i32) -> (i32, i32, i32) {
    %c0_i32 = arith.constant 0 : i32
    %c0_i32_0 = arith.constant 0 : i32
    %c0_i32_1 = arith.constant 0 : i32
    return %arg0, %c0_i32, %c0_i32_0 : i32, i32, i32
  }
  func.func @transform_2(%arg0: i32, %arg1: i32) -> (i32, i32, i32) {
    %c0_i32 = arith.constant 0 : i32
    %c0_i32_0 = arith.constant 0 : i32
    %c0_i32_1 = arith.constant 0 : i32
    return %arg0, %c0_i32, %c0_i32_0 : i32, i32, i32
  }
  func.func @transform_3(%arg0: i32, %arg1: i32) -> (i32, i32, i32) {
    %c0_i32 = arith.constant 0 : i32
    %c0_i32_0 = arith.constant 0 : i32
    return %arg0, %c0_i32, %arg1 : i32, i32, i32
  }
  func.func @transform_4(%arg0: i32, %arg1: i32) -> (i32, i32, i32) {
    %c0_i32 = arith.constant 0 : i32
    %c0_i32_0 = arith.constant 0 : i32
    return %arg0, %c0_i32, %arg1 : i32, i32, i32
  }
  func.func @transform_5(%arg0: i32, %arg1: i32) -> (i32, i32, i32) {
    %c0_i32 = arith.constant 0 : i32
    %c0_i32_0 = arith.constant 0 : i32
    %c0_i32_1 = arith.constant 0 : i32
    return %arg0, %c0_i32, %c0_i32_0 : i32, i32, i32
  }
}

</mosaic_0001>

<sc_bundles>
// kernel: kernel.4.cloned.1.call-start
scs
__scs_entry_jumppad:
0x0: {  	(pc) =	sbr.rel $0x88, $3  }
0x1: {  	(tag) =	ssettag $0x0;
	lr =	simm.s32 $0x1  }
0x2: {  	[smem:$0x3F9E] =	sst lr;
	_ =	strace $0xD0000000  }
0x3: {  	_ = 	snop  }
0x4: {  	_ = 	snop  }
0x5: {  	_ = 	snop  }
0x6: {  	_ = 	snop  }
0x7: {  	_ = 	snop  }
__scs_overlays_trampoline_lowered:
0x8: {  	[smem:$0x3FAD] =	sst s0  }
0x9: {  	[smem:$0x3FAE] =	sst s1  }
0xa: {  	[smem:$0x3FAF] =	sst s2  }
0xb: {  	[smem:$0x3FB0] =	sst s3  }
0xc: {  	[smem:$0x3FB1] =	sst s4  }
0xd: {  	[smem:$0x3FB2] =	sst s5  }
0xe: {  	[smem:$0x3FB3] =	sst s6  }
0xf: {  	[smem:$0x3FB4] =	sst s7  }
0x10: {  	[smem:$0x3FB5] =	sst s8  }
0x11: {  	[smem:$0x3FB6] =	sst s9;
	s0 =	simm.s32 @!p0 $0x0  }
0x12: {  	s1 =	sld [smem:$0x3F9C];
	s0 =	simm.s32 @p0 $0x1  }
0x13: {  	[smem:$0x3FB7] =	sst s0;
	s0 =	simm.s32 @!p1 $0x0  }
0x14: {  	s2 =	sld [smem:$0x3F9B];
	s0 =	simm.s32 @p1 $0x1  }
0x15: {  	[smem:$0x3FB8] =	sst s0;
	s0 =	simm.s32 @!p2 $0x0  }
0x16: {  	s3 =	sld [smem:$0x3FDB];
	s0 =	simm.s32 @p2 $0x1  }
0x17: {  	s4 =	simm.s32 $0x1BF5;
	[smem:$0x3FBA] =	sst s0  }
0x18: {  	s0 =	sld [smem:$0x3F9D];
	_ =	swait.ge [sflag:s4], $0x0  }
0x19: {  	s7 =	sld [smem:$0x3F9E]  }
0x1a: {  	s8 =	sadd.s32 $0xFFFFE003, lr  }
0x1b: {  	s9 =	sadd.s32 $0xFFFFFEF7, lr;
	s5 =	simm.s32 $0xFFFFFFFF;
	p2 =	slt.u32 s8, $0xFFFFF086  }
0x1c: {  	p1 =	slt.u32 s9, $0xF7A;
	s5 =	simm.s32 @!p2 $0x0  }
0x1d: {  	s5 =	simm.s32 @p1 $0x1;
	p0 =	seq.s32 s7, s2  }
0x1e: {  	s7 =	smul.u32 @!p0 $0xF7A, s2;
	p2 =	seq.s32 @!p0 s5, $0x0  }
0x1f: {  	s9 =	smul.u32 $0xF7A, s1;
	s8 =	simm.s32 @!p0 $0x1BF5;
	p2 =	por !p2, p0  }
0x20: {  	[sflag:s8] =	ssyncset.s32 @!p0 $0xFFFFF086;
	s6 =	sadd.s32 @!p0 s3, s7;
	s7 =	simm.s32 @!p0 $0x108  }
0x21: {  	s3 =	sadd.s32 s3, s9;
	s6 =	sadd.s32 @!p0 $0x88, s6;
	s7 =	simm.s32 @p2 $0x1082  }
0x22: {  	[simem:s7], [sflag:s8] =	dma.local @!p0 [hbm:s6], $0xF7A  }
0x23: {  	s9 =	sor.u32 $0xD0000000, s2;
	s6 =	simm.s32 $0x108;
	_ =	swait.ge @!p0 [sflag:s8], $0x0  }
0x24: {  	s3 =	sadd.s32 $0x88, s3;
	s6 =	simm.s32 @!p1 $0x1082;
	[sflag:s4] =	ssyncset.s32 $0xFFFFF086  }
0x25: {  	[simem:s6], [sflag:s4] =	dma.local [hbm:s3], $0xF7A  }
0x26: {  	[smem:$0x3F9E] =	sst s1;
	(tag) =	ssettag s2;
	_ =	strace s9  }
0x27: {  	s1 =	sld [smem:$0x3FAE]  }
0x28: {  	s2 =	sld [smem:$0x3FAF]  }
0x29: {  	s4 =	sld [smem:$0x3FB1]  }
0x2a: {  	p0 =	seq.s32 s5, $0x0;
	s5 =	sld [smem:$0x3FB2]  }
0x2b: {  	s6 =	sld [smem:$0x3FB3]  }
0x2c: {  	s7 =	sld [smem:$0x3FB4]  }
0x2d: {  	s3 =	simm.s32 $0x108;
	s8 =	sld [smem:$0x3FB5]  }
0x2e: {  	s3 =	simm.s32 @!p0 $0x1082;
	s9 =	sld [smem:$0x3FB6]  }
0x2f: {  	lr =	sadd.s32 s0, s3;
	s0 =	sld [smem:$0x3FAD]  }
0x30: {  	s3 =	sld [smem:$0x3FB0]  }
0x31: {  	[smem:$0x3FB9] =	sst s10  }
0x32: {  	s10 =	sld [smem:$0x3FB7];
	_ =	sdelay $0x3  }
0x33: {  	p0 =	seq.s32 s10, $0x1;
	s10 =	sld [smem:$0x3FB9];
	_ =	sdelay $0x3  }
0x34: {  	[smem:$0x3FB9] =	sst s10  }
0x35: {  	s10 =	sld [smem:$0x3FB8];
	_ =	sdelay $0x3  }
0x36: {  	p1 =	seq.s32 s10, $0x1;
	s10 =	sld [smem:$0x3FB9];
	_ =	sdelay $0x3  }
0x37: {  	[smem:$0x3FB9] =	sst s10  }
0x38: {  	s10 =	sld [smem:$0x3FBA]  }
0x39: {  	_ = 	snop;
	(pc) =	sbr.ind lr, $3  }
0x3a: {  	_ = 	snop  }
0x3b: {  	_ = 	snop  }
0x3c: {  	p2 =	seq.s32 s10, $0x1;
	s10 =	sld [smem:$0x3FB9]  }
0x3d: {  	_ =	shalt  }
0x3e: {  	_ =	shalt  }
0x3f: {  	_ =	shalt  }
0x40: {  	_ =	shalt  }
0x41: {  	_ =	shalt  }
0x42: {  	_ =	shalt  }
0x43: {  	_ =	shalt  }
0x44: {  	_ =	shalt  }
0x45: {  	_ =	shalt  }
0x46: {  	_ =	shalt  }
0x47: {  	_ =	shalt  }
0x48: {  	_ =	shalt  }
0x49: {  	_ =	shalt  }
0x4a: {  	_ =	shalt  }
0x4b: {  	_ =	shalt  }
0x4c: {  	_ =	shalt  }
0x4d: {  	_ =	shalt  }
0x4e: {  	_ =	shalt  }
0x4f: {  	_ =	shalt  }
0x50: {  	_ =	shalt  }
0x51: {  	_ =	shalt  }
0x52: {  	_ =	shalt  }
0x53: {  	_ =	shalt  }
0x54: {  	_ =	shalt  }
0x55: {  	_ =	shalt  }
0x56: {  	_ =	shalt  }
0x57: {  	_ =	shalt  }
0x58: {  	_ =	shalt  }
0x59: {  	_ =	shalt  }
0x5a: {  	_ =	shalt  }
0x5b: {  	_ =	shalt  }
0x5c: {  	_ =	shalt  }
0x5d: {  	_ =	shalt  }
0x5e: {  	_ =	shalt  }
0x5f: {  	_ =	shalt  }
0x60: {  	_ =	shalt  }
0x61: {  	_ =	shalt  }
0x62: {  	_ =	shalt  }
0x63: {  	_ =	shalt  }
0x64: {  	_ =	shalt  }
0x65: {  	_ =	shalt  }
0x66: {  	_ =	shalt  }
0x67: {  	_ =	shalt  }
0x68: {  	_ =	shalt  }
0x69: {  	_ =	shalt  }
0x6a: {  	_ =	shalt  }
0x6b: {  	_ =	shalt  }
0x6c: {  	_ =	shalt  }
0x6d: {  	_ =	shalt  }
0x6e: {  	_ =	shalt  }
0x6f: {  	_ =	shalt  }
0x70: {  	_ =	shalt  }
0x71: {  	_ =	shalt  }
0x72: {  	_ =	shalt  }
0x73: {  	_ =	shalt  }
0x74: {  	_ =	shalt  }
0x75: {  	_ =	shalt  }
0x76: {  	_ =	shalt  }
0x77: {  	_ =	shalt  }
0x78: {  	_ =	shalt  }
0x79: {  	_ =	shalt  }
0x7a: {  	_ =	shalt  }
0x7b: {  	_ =	shalt  }
0x7c: {  	_ =	shalt  }
0x7d: {  	_ =	shalt  }
0x7e: {  	_ =	shalt  }
0x7f: {  	_ =	shalt  }
0x80: {  	_ =	shalt  }
0x81: {  	_ =	shalt  }
0x82: {  	_ =	shalt  }
0x83: {  	_ =	shalt  }
0x84: {  	_ =	shalt  }
0x85: {  	_ =	shalt  }
0x86: {  	_ =	shalt  }
0x87: {  	_ =	shalt  }
.Lfunc_end0:
.L_simem_size_0:
called_computation_lowered:
.L_overlay_start_0:
0x88: {  	s2 =	sld [smem:$0x3FD9]  }
0x89: {  	s3 =	sld [smem:$0x3FFE];
	_ =	sdelay $0x1  }
0x8a: {  	s1 =	srdreg.scid  }
0x8b: {  	s0 =	sand.u32 $0x1, s1  }
0x8c: {  	s16 =	sshll.u32 s0, $0xA;
	s2 =	sadd.s32 s3, s2  }
0x8d: {  	s2 =	sadd.s32 s2, s16  }
0x8e: {  	[smem:$0x3FC5] =	sst s2  }
0x8f: {  	_ = 	snop  }
0x90: {  	(tm) =	ssettm $0x1  }
0x91: {  	s17 =	sld [smem:$0x3FFB];
	_ =	sdelay $0x3  }
0x92: {  	_ =	strace s17  }
0x93: {  	s2 =	sld [smem:$0x3FFC];
	_ =	sdelay $0x3  }
0x94: {  	_ =	strace s2  }
0x95: {  	s2 =	sld [smem:$0x3FFD];
	_ =	sdelay $0x3  }
0x96: {  	_ =	strace s2  }
0x97: {  	_ =	strace $0x8FFFFFFF  }
0x98: {  	s18 =	sld [smem:$0x3FDB];
	_ =	sdelay $0x1  }
0x99: {  	s19 =	simm.s32 $_scs_section_size  }
0x9a: {  	s4 =	simm.s32 $_size__tile_overlayer_lowered;
	s5 =	simm.s32 $_tile_overlayer_lowered  }
0x9b: {  	s22 =	simm.s32 $0x1BFF;
	s21 =	sshll.u32 s5, $0x1;
	s2 =	sadd.s32 s19, s18  }
0x9c: {  	s6 =	simm.s32 $0x0;
	s20 =	sshll.u32 s4, $0x1;
	s4 =	sadd.s32 s21, s2  }
0x9d: {  	[timem:s6], [sflag:s22] =	dma.local [hbm:s4], s20  }
0x9e: {  	_ =	swait.ge [sflag:s22], s20  }
0x9f: {  	s3 =	ssub.s32 $0x0, s20;
	[sflag:s22] =	ssyncset.done $0x0  }
0xa0: {  	[sflag:s22] =	ssyncadd.s32 s3;
	_ =	sdelay $0x1  }
0xa1: {  	s23 =	simm.s32 $0x1B8B  }
0xa2: {  	_ =	swait.ge [sflag:s23], $0x1  }
0xa3: {  	[sflag:s23] =	ssyncset.done $0x0  }
0xa4: {  	s25 =	simm.s32 $0x1B8E;
	s24 =	sld [smem:$0x3FFE];
	[sflag:s23] =	ssyncadd.s32 $0xFFFFFFFF  }
0xa5: {  	s26 =	simm.s32 $execute0_lowered;
	[smem:$0x3FD2] =	sst s25  }
0xa6: {  	s4 =	sshll.u32 s26, $0x1;
	_ =	strace $0x80000046;
	[dreg:$0x1] =	wrdreg $0xFFFFFFFF  }
0xa7: {  	s28 =	simm.s32 $_size_execute0_lowered;
	s2 =	sadd.s32 s2, s4;
	[dreg:$0x0] =	wrdreg $0x0  }
0xa8: {  	s4 =	sshll.u32 s28, $0x1;
	[dreg:$0x2] =	wrdreg s2  }
0xa9: {  	[dreg:$0x3] =	wrdreg s4  }
0xaa: {  	[dreg:$0x4] =	wrdreg $0xC0  }
0xab: {  	_ =	task [dreg:s6], $0x5FFFF  }
0xac: {  	[dreg:$0x1] =	wrdreg $0xFFFFFFFF  }
0xad: {  	[dreg:$0x0] =	wrdreg $0x60  }
0xae: {  	[dreg:$0x2] =	wrdreg s24  }
0xaf: {  	[dreg:$0x3] =	wrdreg $0x9  }
0xb0: {  	_ =	task.clear_ibuf [dreg:s6], $0x4FFFF;
	_ =	strace $0x90000046  }
0xb1: {  	s29 =	simm.s32 $0x9;
	_ =	strace $0x80000048  }
0xb2: {  	_ =	swait.ge [sflag:s29], $0x1  }
0xb3: {  	[sflag:s29] =	ssyncadd.s32 $0xFFFFFFFF  }
0xb4: {  	_ =	strace $0x90000048  }
0xb5: {  	_ =	sfence  }
0xb6: {  	s30 =	sld [smem:$0x0];
	_ =	sdelay $0x2  }
0xb7: {  	s31 =	sshll.u32 s1, $0xD;
	s1 =	sshrl.u32 s1, $0x2  }
0xb8: {  	s3 =	sand.u32 $0x4000, s31;
	s1 =	sadd.s32 s1, s30  }
0xb9: {  	s0 =	sor.u32 s3, s0;
	s1 =	sshll.u32 s1, $0x11  }
0xba: {  	s0 =	sor.u32 s1, s0  }
0xbb: {  	s0 =	sadd.s32 $0x8F2B, s0  }
0xbc: {  	[sflag:s0] =	ssyncadd.remote.s32 $0x1  }
0xbd: {  	_ =	sfence.sel $0xFFFF  }
0xbe: {  	[dreg:$0x0] =	wrdreg $0xFFFFFFFF;
	(pc) =	sbr.abs _section_cstart, $3  }
0xbf: {  	[dreg:$0x1] =	wrdreg $0xFFFFFFFF  }
0xc0: {  	_ =	task.clear_ibuf [dreg:s6], $0x2FFFF;
	_ =	strace $0x9FFFFFFF  }
0xc1: {  	(tm) =	ssettm $0x7FFFFFFF  }
tec
execute0_lowered:
.L_overlay_start_1:
0x0: {  	(tag) =	ssettag $0x1  }
0x1: {  	s0 =	rddreg [dreg:$0x0]  }
0x2: {  	s1 =	srdreg.scid;
	s4 =	stileid.u32;
	s2 =	simm.s32 $0x0  }
0x3: {  	v0 =	vimm.s32 $0xFEDCBA98;
	v1 =	vimm.s32 $0x76543210;
	s18 =	simm.s32 $0x1;
	s1 =	sand.u32 $0x1, s1;
	s3 =	sshll.u32 s4, $0x1  }
0x4: {  	v2 =	vimm.s32 $0x3210FEDC;
	v3 =	vimm.s32 $0xBA987654;
	[smem:$0x7FF] =	sst s2;
	s4 =	sshll.u32 s4, $0x7;
	s9 =	sor.u32 s1, s3  }
0x5: {  	v4 =	vimm.s32 $0x10FEDCBA;
	_ =	strace $0x80000047;
	s11 =	sand.u32 $0x600, s4;
	s1 =	ssub.s32 $0x2, s1  }
0x6: {  	v5 =	vimm.s32 $0x98765432;
	v6 =	vimm.s32 $0xFEDCBA9;
	v7 =	vimm.s32 $0x87654321;
	s3 =	sshll.u32 s9, $0x2;
	s15 =	sadd.s32 s11, s0;
	s12 =	sshll.u32 s9, $0x4  }
0x7: {  	v0 =	vunpack.c.l.s4.s8 v0;
	v1 =	vunpack.c.l.s4.s8 v1;
	v2 =	vunpack.c.l.s4.s8 v2;
	s13 =	sshrl.u32 s1, $0x1;
	s10 =	sadd.s32 s3, s0;
	s11 =	sadd.s32 $0x3200, s15  }
0x8: {  	v3 =	vunpack.c.l.s4.s8 v3;
	v4 =	vunpack.c.l.s4.s8 v4;
	v5 =	vunpack.c.l.s4.s8 v5;
	s0 =	sadd.s32 s12, s0;
	s1 =	ssub.s32 s1, s13;
	s3 =	sadd.s32 $0x4600, s10  }
0x9: {  	v6 =	vunpack.c.l.s4.s8 v6;
	v7 =	vunpack.c.l.s4.s8 v7;
	v0 =	vunpack.c.0.s8.s32 v0;
	s12 =	sadd.s32 $0x2A00, s15;
	s25 =	sadd.s32 $0x4400, s10;
	[dreg:$0x2] =	wrdreg s3  }
0xa: {  	v2 =	vunpack.c.0.s8.s32 v2;
	v3 =	vunpack.c.0.s8.s32 v3;
	v4 =	vunpack.c.0.s8.s32 v4;
	s13 =	sadd.s32 $0x1C00, s15;
	s26 =	sadd.s32 $0x4200, s10;
	[dreg:$0x3] =	wrdreg s25  }
0xb: {  	v5 =	vunpack.c.0.s8.s32 v5;
	v6 =	vunpack.c.0.s8.s32 v6;
	v7 =	vunpack.c.0.s8.s32 v7;
	s14 =	sadd.s32 $0x1400, s15;
	s28 =	sadd.s32 $0x2800, s10;
	[dreg:$0x4] =	wrdreg s26  }
0xc: {  	v1 =	vunpack.c.0.s8.s32 v1;
	s29 =	sadd.s32 $0x2600, s10;
	s30 =	sadd.s32 $0x2400, s10;
	v2 =	vcombine.low v3, v2;
	[dreg:$0x5] =	wrdreg s28  }
0xd: {  	s31 =	sadd.s32 $0x4800, s10;
	s10 =	sadd.s32 $0x3A00, s15;
	v3 =	vcombine.low v5, v4;
	v4 =	vcombine.low v7, v6;
	v0 =	vand.u32 $0xF, v0;
	[dreg:$0x6] =	wrdreg s29  }
0xe: {  	vm0 =	vcmask $0x300;
	s15 =	sadd.s32 $0xC00, s15;
	s16 =	sadd.s32 $0x4A00, s0;
	[dreg:$0x7] =	wrdreg s30;
	v0 =	vcombine.low v0, v1  }
0xf: {  	s17 =	smax.u32 s1, $0x1;
	s1 =	simm.s32 $0x0;
	[dreg:$0x8] =	wrdreg s31;
	v1 =	vand.u32 $0xF, v2;
	v2 =	vand.u32 $0xF, v3;
	v3 =	vand.u32 $0xF, v4  }
.LBB2_1:
0x10: {  	s0 =	rddreg [dreg:$0x2]  }
0x11: {  	[tilespmem:s2], [sflag:$0x1] =	stream.linear.gather [hbm4b:s0+s2], $0x20, $0x38;
	[tilespmem:$0x7400] =	vst v63  }
0x12: {  	_ =	swait.ge [sflag:s18], $0x20  }
0x13: {  	[sflag:s18] =	ssyncset.done $0x0  }
0x14: {  	s3 =	simm.s32 $0x80;
	s5 =	rddreg [dreg:$0x3];
	[sflag:s18] =	ssyncadd.s32 $0xFFFFFFE0  }
0x15: {  	[tilespmem:s3], [sflag:$0x1] =	stream.linear.gather [hbm4b:s5+s2], $0x20, $0x38;
	[tilespmem:$0x7400] =	vst v63  }
0x16: {  	_ =	swait.ge [sflag:s18], $0x20  }
0x17: {  	[sflag:s18] =	ssyncset.done $0x0  }
0x18: {  	s7 =	simm.s32 $0x100;
	s6 =	rddreg [dreg:$0x4];
	[sflag:s18] =	ssyncadd.s32 $0xFFFFFFE0  }
0x19: {  	[tilespmem:s7], [sflag:$0x1] =	stream.linear.gather [hbm4b:s6+s2], $0x20, $0x38;
	[tilespmem:$0x7400] =	vst v63  }
0x1a: {  	_ =	swait.ge [sflag:s18], $0x20  }
0x1b: {  	[sflag:s18] =	ssyncset.done $0x0  }
0x1c: {  	s9 =	simm.s32 $0x180;
	s8 =	rddreg [dreg:$0x5];
	[sflag:s18] =	ssyncadd.s32 $0xFFFFFFE0  }
0x1d: {  	[tilespmem:s9], [sflag:$0x1] =	stream.linear.gather [hbm4b:s8+s2], $0x20, $0x38;
	[tilespmem:$0x7400] =	vst v63  }
0x1e: {  	_ =	swait.ge [sflag:s18], $0x20  }
0x1f: {  	[sflag:s18] =	ssyncset.done $0x0  }
0x20: {  	s20 =	simm.s32 $0x200;
	s19 =	rddreg [dreg:$0x6];
	[sflag:s18] =	ssyncadd.s32 $0xFFFFFFE0  }
0x21: {  	[tilespmem:s20], [sflag:$0x1] =	stream.linear.gather [hbm4b:s19+s2], $0x20, $0x38;
	[tilespmem:$0x7400] =	vst v63  }
0x22: {  	_ =	swait.ge [sflag:s18], $0x20  }
0x23: {  	[sflag:s18] =	ssyncset.done $0x0  }
0x24: {  	s22 =	simm.s32 $0x280;
	s21 =	rddreg [dreg:$0x7];
	[sflag:s18] =	ssyncadd.s32 $0xFFFFFFE0  }
0x25: {  	[tilespmem:s22], [sflag:$0x1] =	stream.linear.gather [hbm4b:s21+s2], $0x20, $0x38;
	[tilespmem:$0x7400] =	vst v63  }
0x26: {  	_ =	swait.ge [sflag:s18], $0x20  }
0x27: {  	[sflag:s18] =	ssyncset.done $0x0  }
0x28: {  	s24 =	simm.s32 $0x300;
	s23 =	rddreg [dreg:$0x8];
	[sflag:s18] =	ssyncadd.s32 $0xFFFFFFE0  }
0x29: {  	[tilespmem:s24], [sflag:$0x1] =	stream.linear.gather [hbm4b:s23+s2], $0x20, $0x38;
	[tilespmem:$0x7400] =	vst v63  }
0x2a: {  	_ =	swait.ge [sflag:s18], $0x20  }
0x2b: {  	[sflag:s18] =	ssyncset.done $0x0  }
0x2c: {  	s25 =	simm.s32 $0x380;
	[sflag:s18] =	ssyncadd.s32 $0xFFFFFFE0  }
0x2d: {  	[tilespmem:s25], [sflag:$0x1] =	stream.linear.gather [hbm4b:s10+s2], $0x1000, $0x38;
	[tilespmem:$0x7400] =	vst v63  }
0x2e: {  	_ =	swait.ge [sflag:s18], $0x1000  }
0x2f: {  	[sflag:s18] =	ssyncset.done $0x0  }
0x30: {  	s26 =	simm.s32 $0x1380;
	[sflag:s18] =	ssyncadd.s32 $0xFFFFF000  }
0x31: {  	[tilespmem:s26], [sflag:$0x1] =	stream.linear.gather [hbm4b:s11+s2], $0x1000, $0x38;
	[tilespmem:$0x7400] =	vst v63  }
0x32: {  	_ =	swait.ge [sflag:s18], $0x1000  }
0x33: {  	[sflag:s18] =	ssyncset.done $0x0  }
0x34: {  	s28 =	simm.s32 $0x2380;
	[sflag:s18] =	ssyncadd.s32 $0xFFFFF000  }
0x35: {  	[tilespmem:s28], [sflag:$0x1] =	stream.linear.gather [hbm4b:s12+s2], $0x1000, $0x38;
	[tilespmem:$0x7400] =	vst v63  }
0x36: {  	_ =	swait.ge [sflag:s18], $0x1000  }
0x37: {  	[sflag:s18] =	ssyncset.done $0x0  }
0x38: {  	s29 =	simm.s32 $0x3380;
	[sflag:s18] =	ssyncadd.s32 $0xFFFFF000  }
0x39: {  	[tilespmem:s29], [sflag:$0x1] =	stream.linear.gather [hbm4b:s13+s2], $0x1000, $0x38;
	[tilespmem:$0x7400] =	vst v63  }
0x3a: {  	_ =	swait.ge [sflag:s18], $0x1000  }
0x3b: {  	[sflag:s18] =	ssyncset.done $0x0  }
0x3c: {  	s30 =	simm.s32 $0x4380;
	[sflag:s18] =	ssyncadd.s32 $0xFFFFF000  }
0x3d: {  	[tilespmem:s30], [sflag:$0x1] =	stream.linear.gather [hbm4b:s14+s2], $0x1000, $0x38;
	[tilespmem:$0x7400] =	vst v63  }
0x3e: {  	_ =	swait.ge [sflag:s18], $0x1000  }
0x3f: {  	[sflag:s18] =	ssyncset.done $0x0  }
0x40: {  	s31 =	simm.s32 $0x5380;
	[sflag:s18] =	ssyncadd.s32 $0xFFFFF000  }
0x41: {  	[tilespmem:s31], [sflag:$0x1] =	stream.linear.gather [hbm4b:s15+s2], $0x1000, $0x38;
	[tilespmem:$0x7400] =	vst v63  }
0x42: {  	_ =	swait.ge [sflag:s18], $0x1000  }
0x43: {  	[sflag:s18] =	ssyncset.done $0x0  }
0x44: {  	s19 =	simm.s32 $0x0;
	[sflag:s18] =	ssyncadd.s32 $0xFFFFF000  }
0x45: {  	v4 =	vld [tilespmem:s19+$0x380]  }
0x46: {  	v5 =	vld [tilespmem:s19+$0x1380]  }
0x47: {  	v6 =	vld [tilespmem:s19+$0x2380];
	_ =	sdelay $0x2  }
0x48: {  	s20 =	simm.s32 $0x10  }
0x49: {  	v7 =	vmul.f32 v4, v4;
	v5 =	vmul.f32 v5, v5;
	v4 =	vld [tilespmem:s20+$0x380]  }
0x4a: {  	v8 =	vmul.f32 v6, v6;
	v6 =	vld [tilespmem:s20+$0x1380]  }
0x4b: {  	v7 =	vadd.f32 v5, v7  }
0x4c: {  	v5 =	vld [tilespmem:s20+$0x2380]  }
0x4d: {  	s21 =	simm.s32 $0x80;
	v7 =	vadd.f32 v8, v7  }
.LBB2_2:
0x4e: {  	s22 =	sshra.s32 s21, $0x2;
	p0 =	sne.s32 s21, $0x3FC0  }
.Ltmp0:
0x4f: {  	s21 =	sadd.s32 $0x40, s21;
	v8 =	vmul.f32 v4, v4;
	v4 =	vld [tilespmem:s22+$0x380];
	v9 =	vmul.f32 v6, v6;
	[tilespmem:s19+$0x6380] =	vst v7;
	(pc) =	sbr.rel @p0 .LBB2_2-.Ltmp0, $4  }
0x50: {  	s19 =	smov.u32 s20;
	s20 =	smov.u32 s22;
	v6 =	vld [tilespmem:s22+$0x1380]  }
0x51: {  	v7 =	vadd.f32 v9, v8;
	v8 =	vmul.f32 v5, v5  }
0x52: {  	v5 =	vld [tilespmem:s20+$0x2380]  }
0x53: {  	v7 =	vadd.f32 v8, v7  }
0x54: {  	_ = 	snop  }
0x55: {  	v4 =	vmul.f32 v4, v4;
	v6 =	vmul.f32 v6, v6;
	_ =	sdelay $0x1  }
0x56: {  	v4 =	vadd.f32 v6, v4;
	v5 =	vmul.f32 v5, v5;
	_ =	sdelay $0x1  }
0x57: {  	v4 =	vadd.f32 v5, v4  }
0x58: {  	[tilespmem:s19+$0x6380] =	vst v7  }
0x59: {  	p1 =	por $0x1, $0x1;
	s19 =	simm.f32 $0.0e+00;
	[tilespmem:s20+$0x6380] =	vst v4;
	s20 =	simm.s32 $0x0  }
.LBB2_4:
0x5a: {  	v10 =	vld [tilespmem:s20+$0x180];
	_ =	sdelay $0x4  }
0x5b: {  	(v2sf) =	vpush v10, $0x0  }
0x5c: {  	(v2sf) =	vpush v10, $0x1  }
0x5d: {  	(v2sf) =	vpush v10, $0x2  }
0x5e: {  	(v2sf) =	vpush v10, $0x3  }
0x5f: {  	(v2sf) =	vpush v10, $0x4  }
0x60: {  	(v2sf) =	vpush v10, $0x5  }
0x61: {  	(v2sf) =	vpush v10, $0x6  }
0x62: {  	v8 =	vld [tilespmem:s20+$0x200];
	_ =	sdelay $0x3  }
0x63: {  	(v2sf) =	vpush v10, $0x7  }
0x64: {  	(v2sf) =	vpush v8, $0x0  }
0x65: {  	(v2sf) =	vpush v8, $0x1  }
0x66: {  	(v2sf) =	vpush v8, $0x2  }
0x67: {  	v9 =	vld [tilespmem:s20+$0x280];
	(v2sf) =	vpush v8, $0x3;
	s21 =	spop (v2sf)  }
0x68: {  	(v2sf) =	vpush v8, $0x4;
	s22 =	spop (v2sf)  }
0x69: {  	(v2sf) =	vpush v8, $0x5;
	s23 =	spop (v2sf)  }
0x6a: {  	(v2sf) =	vpush v8, $0x6;
	s24 =	spop (v2sf)  }
0x6b: {  	(v2sf) =	vpush v8, $0x7;
	s25 =	spop (v2sf)  }
0x6c: {  	s21 =	smul.f32 $-2.000000000e+00, s21;
	(v2sf) =	vpush v9, $0x0;
	s26 =	spop (v2sf)  }
0x6d: {  	s22 =	smul.f32 $-2.000000000e+00, s22;
	(v2sf) =	vpush v9, $0x1;
	s28 =	spop (v2sf)  }
0x6e: {  	(v2sf) =	vpush v9, $0x2;
	s28 =	smul.f32 $-2.000000000e+00, s28  }
0x6f: {  	s23 =	smul.f32 $-2.000000000e+00, s23;
	(v2sf) =	vpush v9, $0x3  }
0x70: {  	s24 =	smul.f32 $-2.000000000e+00, s24;
	(v2sf) =	vpush v9, $0x4;
	v24 =	vmov s28;
	s28 =	simm.s32 $0x0  }
0x71: {  	s25 =	smul.f32 $-2.000000000e+00, s25;
	(v2sf) =	vpush v9, $0x5;
	v4 =	vld [tilespmem:s28+$0x3380]  }
0x72: {  	s26 =	smul.f32 $-2.000000000e+00, s26;
	s29 =	spop (v2sf);
	(v2sf) =	vpush v9, $0x6  }
0x73: {  	v36 =	vimm.f32 $+Inf;
	s29 =	smul.f32 $-2.000000000e+00, s29;
	s30 =	spop (v2sf);
	(v2sf) =	vpush v9, $0x7  }
0x74: {  	v28 =	vmov s21;
	v26 =	vmov s22;
	v31 =	vmov s23;
	s31 =	spop (v2sf);
	s30 =	smul.f32 $-2.000000000e+00, s30  }
0x75: {  	v27 =	vmov s24;
	v23 =	vmov s25;
	v29 =	vmov s26;
	s0 =	spop (v2sf);
	s31 =	smul.f32 $-2.000000000e+00, s31;
	v5 =	vld [tilespmem:s28+$0x4380]  }
0x76: {  	v32 =	vmov s29;
	v6 =	vld [tilespmem:s28+$0x6380];
	s3 =	spop (v2sf);
	s0 =	smul.f32 $-2.000000000e+00, s0;
	v30 =	vmov s30;
	v7 =	vmul.f32 v4, v28  }
0x77: {  	s4 =	spop (v2sf);
	s3 =	smul.f32 $-2.000000000e+00, s3;
	v25 =	vmov s31;
	v35 =	vmul.f32 v4, v32;
	v38 =	vmul.f32 v4, v26  }
0x78: {  	s5 =	spop (v2sf);
	s4 =	smul.f32 $-2.000000000e+00, s4;
	v21 =	vmov s0;
	v39 =	vmul.f32 v4, v31;
	v40 =	vmul.f32 v4, v27  }
0x79: {  	s6 =	spop (v2sf);
	v22 =	vmov s3;
	v42 =	vmul.f32 v4, v23;
	v43 =	vmul.f32 v4, v29  }
0x7a: {  	s7 =	spop (v2sf);
	v20 =	vmov s4;
	v4 =	vmul.f32 v4, v24;
	v44 =	vmul.f32 v5, v30  }
0x7b: {  	s5 =	smul.f32 $-2.000000000e+00, s5;
	v45 =	vmul.f32 v5, v25;
	v61 =	vmul.f32 v5, v21;
	s8 =	spop (v2sf);
	v35 =	vadd.f32 v6, v35  }
0x7c: {  	s6 =	smul.f32 $-2.000000000e+00, s6;
	v47 =	vmul.f32 v5, v22;
	s9 =	spop (v2sf);
	v7 =	vadd.f32 v6, v7;
	v38 =	vadd.f32 v6, v38  }
0x7d: {  	s7 =	smul.f32 $-2.000000000e+00, s7;
	v16 =	vmov s5;
	v39 =	vadd.f32 v6, v39;
	v40 =	vadd.f32 v6, v40;
	s22 =	spop (v2sf)  }
0x7e: {  	s8 =	smul.f32 $-2.000000000e+00, s8;
	v18 =	vmov s6;
	v42 =	vadd.f32 v6, v42;
	v43 =	vadd.f32 v6, v43;
	s25 =	spop (v2sf)  }
0x7f: {  	v37 =	vld [tilespmem:s28+$0x5380];
	v4 =	vadd.f32 v6, v4;
	v62 =	vmul.f32 v5, v16;
	v33 =	vmov s7;
	s26 =	spop (v2sf)  }
0x80: {  	v17 =	vmov s8;
	v41 =	vmul.f32 v5, v33;
	v6 =	vadd.f32 v7, v44;
	s29 =	spop (v2sf)  }
0x81: {  	s9 =	smul.f32 $-2.000000000e+00, s9;
	v7 =	vmul.f32 v5, v20;
	v49 =	vadd.f32 v38, v45;
	v46 =	vadd.f32 v39, v61;
	s30 =	spop (v2sf)  }
0x82: {  	s21 =	smul.f32 $-2.000000000e+00, s22;
	v5 =	vmul.f32 v5, v18;
	v48 =	vadd.f32 v40, v47;
	v47 =	vadd.f32 v43, v62;
	s31 =	spop (v2sf)  }
0x83: {  	v39 =	vimm.f32 $+Inf;
	v40 =	vimm.f32 $+Inf;
	v38 =	vimm.f32 $+Inf;
	s4 =	smul.f32 $-2.000000000e+00, s31  }
0x84: {  	v43 =	vimm.f32 $+Inf;
	v19 =	vmov s9;
	v63 =	vmul.f32 v37, v17  }
0x85: {  	s22 =	smul.f32 $-2.000000000e+00, s25;
	v15 =	vmov s21;
	v35 =	vadd.f32 v35, v41;
	v34 =	vmov s4  }
0x86: {  	s23 =	smul.f32 $-2.000000000e+00, s26;
	v45 =	vadd.f32 v42, v7;
	v51 =	vmul.f32 v37, v19;
	v60 =	vmul.f32 v37, v34  }
0x87: {  	v7 =	vld [tilespmem:s20+$0x0];
	v44 =	vadd.f32 v4, v5;
	v42 =	vimm.f32 $+Inf;
	v41 =	vimm.f32 $+Inf;
	s0 =	smul.f32 $-2.000000000e+00, s29  }
0x88: {  	v5 =	vld [tilespmem:s20+$0x80];
	v14 =	vmov s22;
	v50 =	vadd.f32 v6, v63;
	s3 =	smul.f32 $-2.000000000e+00, s30;
	v35 =	vadd.f32 v35, v60  }
0x89: {  	v4 =	vld [tilespmem:s20+$0x300];
	v52 =	vmul.f32 v37, v15;
	v13 =	vmov s23;
	v53 =	vmul.f32 v37, v14  }
0x8a: {  	p0 =	por p1, p1;
	s21 =	simm.s32 $0x10;
	v6 =	vld [tilespmem:s20+$0x100];
	s20 =	simm.s32 $0x80;
	v12 =	vmov s0;
	v11 =	vmov s3;
	v35 =	vmin.f32 v36, v35  }
.LBB2_5:
0x8b: {  	p1 =	sne.s32 s20, $0x3FC0;
	v54 =	vld [tilespmem:s21+$0x3380];
	v49 =	vadd.f32 v49, v51;
	v51 =	vmul.f32 v37, v13;
	v55 =	vmul.f32 v37, v12  }
0x8c: {  	v37 =	vmul.f32 v37, v11;
	v56 =	vld [tilespmem:s21+$0x4380];
	v46 =	vadd.f32 v46, v52;
	v48 =	vadd.f32 v48, v53  }
0x8d: {  	v36 =	vmin.f32 v36, v50;
	v52 =	vld [tilespmem:s21+$0x6380];
	v45 =	vadd.f32 v45, v51;
	v47 =	vadd.f32 v47, v55  }
0x8e: {  	v39 =	vmin.f32 v39, v49;
	v44 =	vadd.f32 v44, v37;
	v40 =	vmin.f32 v40, v46  }
0x8f: {  	v38 =	vmin.f32 v38, v48;
	v37 =	vld [tilespmem:s21+$0x5380];
	v42 =	vmin.f32 v42, v45;
	v43 =	vmin.f32 v43, v47  }
0x90: {  	v41 =	vmin.f32 v41, v44;
	v45 =	vmul.f32 v54, v28;
	v46 =	vmul.f32 v54, v32  }
0x91: {  	v44 =	vmul.f32 v54, v26;
	v47 =	vmul.f32 v54, v31  }
0x92: {  	v48 =	vmul.f32 v54, v27;
	v49 =	vmul.f32 v56, v33;
	v46 =	vadd.f32 v52, v46  }
0x93: {  	v50 =	vmul.f32 v54, v23;
	v51 =	vmul.f32 v54, v29;
	v45 =	vadd.f32 v52, v45  }
0x94: {  	v53 =	vmul.f32 v54, v24;
	v46 =	vadd.f32 v46, v49;
	v49 =	vmul.f32 v37, v34  }
0x95: {  	v54 =	vmul.f32 v56, v30;
	v44 =	vadd.f32 v52, v44;
	v47 =	vadd.f32 v52, v47  }
0x96: {  	v55 =	vmul.f32 v56, v25;
	v48 =	vadd.f32 v52, v48;
	v46 =	vadd.f32 v46, v49  }
0x97: {  	v57 =	vmul.f32 v56, v21;
	v50 =	vadd.f32 v52, v50;
	v58 =	vadd.f32 v52, v51  }
0x98: {  	v51 =	vmul.f32 v56, v22;
	v52 =	vadd.f32 v52, v53;
	v35 =	vmin.f32 v35, v46  }
.Ltmp1:
0x99: {  	v53 =	vadd.f32 v45, v54;
	v45 =	vmul.f32 v56, v20;
	v54 =	vmul.f32 v56, v16;
	(pc) =	sbr.rel @p1 .LBB2_5-.Ltmp1, $4  }
0x9a: {  	v49 =	vadd.f32 v44, v55;
	v44 =	vmul.f32 v56, v18;
	v46 =	vadd.f32 v47, v57  }
0x9b: {  	v48 =	vadd.f32 v48, v51;
	v55 =	vmul.f32 v37, v17;
	v45 =	vadd.f32 v50, v45  }
0x9c: {  	v51 =	vmul.f32 v37, v19;
	v47 =	vadd.f32 v58, v54;
	v44 =	vadd.f32 v52, v44  }
0x9d: {  	s21 =	sshra.s32 s20, $0x2;
	s20 =	sadd.s32 $0x40, s20;
	v50 =	vadd.f32 v53, v55;
	v52 =	vmul.f32 v37, v15;
	v53 =	vmul.f32 v37, v14  }
0x9e: {  	v49 =	vadd.f32 v49, v51  }
0x9f: {  	v54 =	vld [tilespmem:s21+$0x3380];
	v63 =	vmul.f32 v37, v13;
	v55 =	vmul.f32 v37, v12;
	(v2sf) =	vpush v10, $0x8  }
0xa0: {  	v57 =	vmul.f32 v37, v11;
	v46 =	vadd.f32 v46, v52;
	v48 =	vadd.f32 v48, v53  }
0xa1: {  	v56 =	vld [tilespmem:s21+$0x4380];
	v36 =	vmin.f32 v36, v50;
	(v2sf) =	vpush v10, $0x9;
	v52 =	vimm.f32 $+Inf  }
0xa2: {  	v45 =	vadd.f32 v45, v63;
	v47 =	vadd.f32 v47, v55;
	v39 =	vmin.f32 v39, v49  }
0xa3: {  	v59 =	vld [tilespmem:s21+$0x5380];
	v37 =	vadd.f32 v44, v57;
	(v2sf) =	vpush v10, $0xA;
	v55 =	vimm.f32 $+Inf  }
0xa4: {  	v40 =	vmin.f32 v40, v46;
	v38 =	vmin.f32 v38, v48;
	v32 =	vmul.f32 v54, v32  }
0xa5: {  	v58 =	vld [tilespmem:s21+$0x6380];
	(v2sf) =	vpush v10, $0xB;
	v28 =	vmul.f32 v54, v28;
	v26 =	vmul.f32 v54, v26  }
0xa6: {  	v42 =	vmin.f32 v42, v45;
	v31 =	vmul.f32 v54, v31;
	v33 =	vmul.f32 v56, v33  }
0xa7: {  	(v2sf) =	vpush v10, $0xC;
	v27 =	vmul.f32 v54, v27;
	v23 =	vmul.f32 v54, v23  }
0xa8: {  	v29 =	vmul.f32 v54, v29;
	v60 =	vmul.f32 v59, v34;
	(v2sf) =	vpush v10, $0xD  }
0xa9: {  	v24 =	vmul.f32 v54, v24;
	v30 =	vmul.f32 v56, v30;
	(v2sf) =	vpush v10, $0xE  }
0xaa: {  	v61 =	vmul.f32 v56, v25;
	v32 =	vadd.f32 v58, v32;
	v28 =	vadd.f32 v58, v28  }
0xab: {  	v21 =	vmul.f32 v56, v21;
	v26 =	vadd.f32 v58, v26;
	v31 =	vadd.f32 v58, v31  }
0xac: {  	v22 =	vmul.f32 v56, v22;
	v27 =	vadd.f32 v58, v27;
	v23 =	vadd.f32 v58, v23  }
0xad: {  	v20 =	vmul.f32 v56, v20;
	v29 =	vadd.f32 v58, v29;
	(v2sf) =	vpush v10, $0xF  }
0xae: {  	v16 =	vmul.f32 v56, v16;
	v24 =	vadd.f32 v58, v24;
	(v2sf) =	vpush v8, $0x8  }
0xaf: {  	v18 =	vmul.f32 v56, v18;
	v32 =	vadd.f32 v32, v33;
	v28 =	vadd.f32 v28, v30  }
0xb0: {  	v17 =	vmul.f32 v59, v17;
	v26 =	vadd.f32 v26, v61;
	v21 =	vadd.f32 v31, v21  }
0xb1: {  	v19 =	vmul.f32 v59, v19;
	v22 =	vadd.f32 v27, v22;
	v20 =	vadd.f32 v23, v20  }
0xb2: {  	v15 =	vmul.f32 v59, v15;
	v16 =	vadd.f32 v29, v16;
	(v2sf) =	vpush v8, $0x9  }
0xb3: {  	v14 =	vmul.f32 v59, v14;
	v18 =	vadd.f32 v24, v18;
	(v2sf) =	vpush v8, $0xA  }
0xb4: {  	v13 =	vmul.f32 v59, v13;
	v32 =	vadd.f32 v32, v60;
	v10 =	vadd.f32 v28, v17  }
0xb5: {  	v12 =	vmul.f32 v59, v12;
	v17 =	vadd.f32 v26, v19;
	v15 =	vadd.f32 v21, v15  }
0xb6: {  	v11 =	vmul.f32 v59, v11;
	v14 =	vadd.f32 v22, v14;
	(v2sf) =	vpush v8, $0xB  }
0xb7: {  	v43 =	vmin.f32 v43, v47;
	v13 =	vadd.f32 v20, v13;
	v12 =	vadd.f32 v16, v12  }
0xb8: {  	v37 =	vmin.f32 v41, v37;
	v11 =	vadd.f32 v18, v11;
	(v2sf) =	vpush v8, $0xC  }
0xb9: {  	v25 =	vmin.f32 v35, v32;
	v10 =	vmin.f32 v36, v10;
	v16 =	vmin.f32 v39, v17  }
0xba: {  	v17 =	vmin.f32 v40, v15;
	v14 =	vmin.f32 v38, v14;
	v19 =	vmin.f32 v42, v13  }
0xbb: {  	v15 =	vperm.xlane v10, v0;
	v23 =	vperm.xlane v17, v0;
	s0 =	spop (v2sf);
	(v2sf) =	vpush v8, $0xD  }
0xbc: {  	v12 =	vmin.f32 v43, v12;
	v11 =	vmin.f32 v37, v11;
	s3 =	spop (v2sf);
	(v2sf) =	vpush v8, $0xE  }
0xbd: {  	s0 =	smul.f32 $-2.000000000e+00, s0;
	v10 =	vmin.f32 v10, v15;
	v17 =	vmin.f32 v17, v23;
	v23 =	vperm.xlane v14, v0  }
0xbe: {  	s4 =	spop (v2sf);
	s3 =	smul.f32 $-2.000000000e+00, s3;
	v13 =	vperm.xlane v10, v1;
	(v2sf) =	vpush v8, $0xF;
	v8 =	vperm.xlane v16, v0  }
0xbf: {  	v26 =	vperm.xlane v17, v1;
	v27 =	vmov s0;
	s31 =	spop (v2sf);
	(v2sf) =	vpush v9, $0x8  }
0xc0: {  	s30 =	smul.f32 $-2.000000000e+00, s4;
	v14 =	vmin.f32 v14, v23;
	v24 =	vmov s3;
	s6 =	spop (v2sf);
	(v2sf) =	vpush v9, $0x9  }
0xc1: {  	s5 =	smul.f32 $-2.000000000e+00, s31;
	v13 =	vmin.f32 v10, v13;
	v8 =	vmin.f32 v16, v8;
	v17 =	vmin.f32 v17, v26  }
0xc2: {  	v23 =	vperm.xlane v14, v1;
	v21 =	vmov s30;
	s7 =	smul.f32 $-2.000000000e+00, s6;
	v18 =	vperm.xlane v13, v2  }
0xc3: {  	s8 =	spop (v2sf);
	v20 =	vperm.xlane v8, v1;
	(v2sf) =	vpush v9, $0xA;
	v22 =	vmov s5  }
0xc4: {  	s9 =	smul.f32 $-2.000000000e+00, s8;
	s20 =	spop (v2sf);
	(v2sf) =	vpush v9, $0xB;
	v14 =	vmin.f32 v14, v23;
	v16 =	vmov s7  }
0xc5: {  	s4 =	smul.f32 $-2.000000000e+00, s20;
	s21 =	spop (v2sf);
	(v2sf) =	vpush v9, $0xC;
	v20 =	vmin.f32 v8, v20;
	v41 =	vmin.f32 v13, v18  }
0xc6: {  	v15 =	vmov s9;
	s0 =	smul.f32 $-2.000000000e+00, s21;
	s22 =	spop (v2sf);
	(v2sf) =	vpush v9, $0xD;
	v29 =	vperm.xlane v20, v2  }
0xc7: {  	v13 =	vperm.xlane v41, v3;
	v10 =	vmov s4;
	s23 =	spop (v2sf);
	s3 =	smul.f32 $-2.000000000e+00, s22;
	(v2sf) =	vpush v9, $0xE  }
0xc8: {  	v8 =	vmov s0;
	s24 =	smul.f32 $-2.000000000e+00, s23;
	s25 =	spop (v2sf);
	(v2sf) =	vpush v9, $0xF;
	v9 =	vperm.xlane v17, v2  }
0xc9: {  	v45 =	vmin.f32 v20, v29;
	v20 =	vperm.xlane v12, v0;
	v29 =	vperm.xlane v25, v0  }
0xca: {  	v32 =	vmov s3;
	s26 =	smul.f32 $-2.000000000e+00, s25;
	v51 =	vperm.xlane v45, v3;
	v31 =	vmov s24  }
0xcb: {  	s28 =	spop (v2sf);
	v39 =	vmin.f32 v17, v9;
	v9 =	vperm.xlane v14, v2;
	v17 =	vperm.xlane v19, v0  }
0xcc: {  	s4 =	smul.f32 $-2.000000000e+00, s28;
	v12 =	vmin.f32 v12, v20;
	v20 =	vperm.xlane v11, v0;
	v26 =	vmov s26;
	s26 =	simm.s32 $0x0  }
0xcd: {  	v37 =	vmin.f32 v14, v9;
	v14 =	vmin.f32 v19, v17;
	v19 =	vperm.xlane v12, v1;
	v63 =	vld [tilespmem:s26+$0x3380]  }
0xce: {  	[tilespmem:$0x1FF90] =	vst v13;
	s29 =	spop (v2sf);
	v13 =	vperm.xlane v39, v3;
	v28 =	vmov s4;
	v17 =	vperm.xlane v14, v1  }
0xcf: {  	s0 =	smul.f32 $-2.000000000e+00, s29;
	v11 =	vmin.f32 v11, v20;
	s30 =	spop (v2sf);
	v30 =	vperm.xlane v37, v3;
	v12 =	vmin.f32 v12, v19  }
0xd0: {  	v40 =	vld [tilespmem:s26+$0x4380];
	s3 =	smul.f32 $-2.000000000e+00, s30;
	v19 =	vperm.xlane v11, v1;
	v14 =	vmin.f32 v14, v17;
	v17 =	vmin.f32 v25, v29  }
0xd1: {  	v23 =	vmov s0;
	v62 =	vperm.xlane v12, v2;
	v20 =	vperm.xlane v17, v1  }
0xd2: {  	s31 =	spop (v2sf);
	v18 =	vmov s3;
	v29 =	vperm.xlane v14, v2;
	v48 =	vmul.f32 v63, v24  }
0xd3: {  	s4 =	smul.f32 $-2.000000000e+00, s31;
	s5 =	spop (v2sf);
	v11 =	vmin.f32 v11, v19;
	v50 =	vmul.f32 v63, v21;
	v60 =	vmul.f32 v63, v22  }
0xd4: {  	s7 =	smul.f32 $-2.000000000e+00, s5;
	v42 =	vmin.f32 v12, v62;
	v62 =	vmul.f32 v63, v16;
	v57 =	vmul.f32 v63, v15  }
0xd5: {  	[tilespmem:$0x1FFA0] =	vst v13;
	s6 =	spop (v2sf);
	v13 =	vmov s4;
	v36 =	vmul.f32 v63, v10;
	v58 =	vmul.f32 v40, v32  }
0xd6: {  	s8 =	spop (v2sf);
	s3 =	smul.f32 $-2.000000000e+00, s6;
	v12 =	vld [tilespmem:s26+$0x6380];
	v59 =	vmul.f32 v40, v31;
	v47 =	vmul.f32 v40, v26;
	v9 =	vmov s7  }
0xd7: {  	s9 =	smul.f32 $-2.000000000e+00, s8;
	s20 =	spop (v2sf);
	v17 =	vmin.f32 v17, v20;
	v49 =	vmin.f32 v14, v29;
	v14 =	vperm.xlane v11, v2  }
0xd8: {  	v34 =	vperm.xlane v42, v3;
	v35 =	vmov s3;
	s22 =	smul.f32 $-2.000000000e+00, s20;
	v29 =	vperm.xlane v17, v2  }
0xd9: {  	[tilespmem:$0x1FFB0] =	vst v30;
	v19 =	vperm.xlane v49, v3;
	v61 =	vmul.f32 v40, v9;
	v33 =	vmov s9  }
0xda: {  	v43 =	vld [tilespmem:s26+$0x5380];
	s21 =	spop (v2sf);
	[tilespmem:$0x1FFD0] =	vst v34;
	v38 =	vmin.f32 v11, v14;
	v30 =	vmov s22;
	v34 =	vmin.f32 v17, v29  }
0xdb: {  	s23 =	spop (v2sf);
	s3 =	smul.f32 $-2.000000000e+00, s21;
	v11 =	vperm.xlane v38, v3;
	v17 =	vmul.f32 v63, v27;
	v44 =	vadd.f32 v12, v48  }
0xdc: {  	s25 =	spop (v2sf);
	v29 =	vmul.f32 v63, v8;
	v53 =	vadd.f32 v12, v50;
	v54 =	vadd.f32 v12, v60  }
0xdd: {  	v25 =	vmov s3;
	s29 =	spop (v2sf);
	v56 =	vadd.f32 v12, v62;
	v57 =	vadd.f32 v12, v57  }
0xde: {  	s24 =	smul.f32 $-2.000000000e+00, s23;
	v36 =	vadd.f32 v12, v36;
	v48 =	vmul.f32 v40, v13;
	s31 =	spop (v2sf);
	v29 =	vadd.f32 v12, v29  }
0xdf: {  	v50 =	vmul.f32 v43, v35;
	[tilespmem:$0x1FFE0] =	vst v11;
	v11 =	vperm.xlane v34, v3;
	v17 =	vadd.f32 v12, v17;
	s4 =	smul.f32 $-2.000000000e+00, s31  }
0xe0: {  	s28 =	smul.f32 $-2.000000000e+00, s25;
	v20 =	vmov s24;
	v29 =	vadd.f32 v29, v61;
	v61 =	vmul.f32 v40, v28  }
0xe1: {  	[tilespmem:$0x1FFF0] =	vst v11;
	v17 =	vadd.f32 v17, v58;
	v58 =	vmul.f32 v40, v18;
	v11 =	vmov s4  }
0xe2: {  	[tilespmem:$0x1FFC0] =	vst v19;
	s30 =	smul.f32 $-2.000000000e+00, s29;
	v19 =	vmov s28;
	v60 =	vadd.f32 v53, v47;
	v63 =	vmul.f32 v43, v11  }
0xe3: {  	v53 =	vimm.f32 $+Inf;
	v61 =	vadd.f32 v54, v61;
	v58 =	vadd.f32 v57, v58  }
0xe4: {  	v14 =	vmov s30;
	v57 =	vadd.f32 v36, v48;
	v29 =	vadd.f32 v29, v63  }
0xe5: {  	v62 =	vadd.f32 v17, v50;
	v36 =	vmul.f32 v43, v25;
	v54 =	vimm.f32 $+Inf  }
0xe6: {  	v17 =	vimm.f32 $+Inf;
	v12 =	vmin.f32 v52, v29;
	v29 =	vmul.f32 v40, v23  }
0xe7: {  	v63 =	vadd.f32 v44, v59;
	v44 =	vmul.f32 v43, v30;
	v40 =	vmul.f32 v43, v33  }
0xe8: {  	s20 =	simm.s32 $0x10;
	s21 =	simm.s32 $0x80;
	v59 =	vadd.f32 v56, v29;
	v56 =	vimm.f32 $+Inf;
	v29 =	vimm.f32 $+Inf  }
.LBB2_7:
0xe9: {  	p1 =	sne.s32 s21, $0x3FC0;
	v46 =	vld [tilespmem:s20+$0x3380];
	v40 =	vadd.f32 v63, v40;
	v63 =	vmul.f32 v43, v20;
	v47 =	vmul.f32 v43, v19  }
0xea: {  	v43 =	vmul.f32 v43, v14;
	v48 =	vld [tilespmem:s20+$0x4380];
	v44 =	vadd.f32 v60, v44;
	v36 =	vadd.f32 v61, v36  }
0xeb: {  	v52 =	vmin.f32 v52, v62;
	v60 =	vld [tilespmem:s20+$0x6380];
	v59 =	vadd.f32 v59, v63;
	v47 =	vadd.f32 v58, v47  }
0xec: {  	v56 =	vmin.f32 v56, v40;
	v40 =	vadd.f32 v57, v43;
	v55 =	vmin.f32 v55, v44  }
0xed: {  	v53 =	vmin.f32 v53, v36;
	v43 =	vld [tilespmem:s20+$0x5380];
	v54 =	vmin.f32 v54, v59;
	v29 =	vmin.f32 v29, v47  }
0xee: {  	v17 =	vmin.f32 v17, v40;
	v36 =	vmul.f32 v46, v27;
	v44 =	vmul.f32 v46, v8  }
0xef: {  	v40 =	vmul.f32 v46, v24;
	v47 =	vmul.f32 v46, v21  }
0xf0: {  	v57 =	vmul.f32 v46, v22;
	v58 =	vmul.f32 v48, v9;
	v44 =	vadd.f32 v60, v44  }
0xf1: {  	v59 =	vmul.f32 v46, v16;
	v61 =	vmul.f32 v46, v15;
	v36 =	vadd.f32 v60, v36  }
0xf2: {  	v46 =	vmul.f32 v46, v10;
	v44 =	vadd.f32 v44, v58;
	v58 =	vmul.f32 v43, v11  }
0xf3: {  	v62 =	vmul.f32 v48, v32;
	v40 =	vadd.f32 v60, v40;
	v47 =	vadd.f32 v60, v47  }
0xf4: {  	v63 =	vmul.f32 v48, v31;
	v57 =	vadd.f32 v60, v57;
	v44 =	vadd.f32 v44, v58  }
0xf5: {  	v59 =	vadd.f32 v60, v59;
	v50 =	vadd.f32 v60, v61;
	v58 =	vmul.f32 v48, v26  }
0xf6: {  	v61 =	vmul.f32 v48, v28;
	v46 =	vadd.f32 v60, v46;
	v12 =	vmin.f32 v12, v44  }
.Ltmp2:
0xf7: {  	v36 =	vadd.f32 v36, v62;
	v62 =	vmul.f32 v48, v18;
	v44 =	vmul.f32 v48, v23;
	(pc) =	sbr.rel @p1 .LBB2_7-.Ltmp2, $4  }
0xf8: {  	v63 =	vadd.f32 v40, v63;
	v60 =	vadd.f32 v47, v58;
	v47 =	vmul.f32 v48, v13  }
0xf9: {  	v61 =	vadd.f32 v57, v61;
	v48 =	vmul.f32 v43, v35;
	v59 =	vadd.f32 v59, v44  }
0xfa: {  	v40 =	vmul.f32 v43, v33;
	v58 =	vadd.f32 v50, v62;
	v57 =	vadd.f32 v46, v47  }
0xfb: {  	s20 =	sshra.s32 s21, $0x2;
	s21 =	sadd.s32 $0x40, s21;
	v62 =	vadd.f32 v36, v48;
	v44 =	vmul.f32 v43, v30;
	v36 =	vmul.f32 v43, v25  }
0xfc: {  	v46 =	vld [tilespmem:$0x1FF90]  }
0xfd: {  	(v2sf) =	vpush v7, $0x0;
	_ =	sdelay $0x1  }
0xfe: {  	(v2sf) =	vpush v5, $0x0;
	_ =	sdelay $0x1  }
0xff: {  	(v2sf) =	vpush v6, $0x0;
	v41 =	vmin.f32 v41, v46  }
0x100: {  	(v2sf) =	vpush v41, $0x0  }
0x101: {  	(v2sf) =	vpush v4, $0x0;
	_ =	sdelay $0x1  }
0x102: {  	(v2sf) =	vpush v7, $0x1  }
0x103: {  	(v2sf) =	vpush v5, $0x1  }
0x104: {  	(v2sf) =	vpush v6, $0x1  }
0x105: {  	v45 =	vmin.f32 v45, v51  }
0x106: {  	(v2sf) =	vpush v45, $0x0  }
0x107: {  	v46 =	vld [tilespmem:$0x1FFA0];
	(v2sf) =	vpush v4, $0x1  }
0x108: {  	(v2sf) =	vpush v7, $0x2  }
0x109: {  	s0 =	spop (v2sf);
	(v2sf) =	vpush v5, $0x2;
	_ =	sdelay $0x1  }
0x10a: {  	s0 =	smul.f32 s0, s0;
	s3 =	spop (v2sf);
	(v2sf) =	vpush v6, $0x2  }
0x10b: {  	v47 =	vld [tilespmem:$0x1FFB0];
	v39 =	vmin.f32 v39, v46;
	s3 =	smul.f32 s3, s3  }
0x10c: {  	(v2sf) =	vpush v39, $0x0;
	s6 =	spop (v2sf)  }
0x10d: {  	s0 =	sadd.f32 s3, s0;
	s4 =	spop (v2sf);
	(v2sf) =	vpush v4, $0x2  }
0x10e: {  	s3 =	smul.f32 s6, s6;
	s5 =	spop (v2sf);
	(v2sf) =	vpush v7, $0x3  }
0x10f: {  	(v2sf) =	vpush v5, $0x3  }
0x110: {  	v37 =	vmin.f32 v37, v47;
	s0 =	sadd.f32 s3, s0;
	s7 =	spop (v2sf);
	(v2sf) =	vpush v6, $0x3  }
0x111: {  	s3 =	smul.f32 s7, s7;
	s6 =	spop (v2sf);
	(v2sf) =	vpush v37, $0x0  }
0x112: {  	s6 =	smul.f32 s6, s6;
	s8 =	spop (v2sf)  }
0x113: {  	v48 =	vld [tilespmem:$0x1FFC0];
	s0 =	sadd.f32 s4, s0;
	s4 =	smul.f32 s8, s8;
	(v2sf) =	vpush v4, $0x3  }
0x114: {  	s9 =	spop (v2sf);
	s3 =	sadd.f32 s6, s3;
	(v2sf) =	vpush v7, $0x4  }
0x115: {  	s0 =	smul.f32 s0, s5;
	s21 =	spop (v2sf);
	(v2sf) =	vpush v5, $0x4  }
0x116: {  	s22 =	spop (v2sf);
	s3 =	sadd.f32 s4, s3  }
0x117: {  	s4 =	smul.f32 s22, s22;
	s7 =	spop (v2sf)  }
0x118: {  	v50 =	vmin.f32 v49, v48;
	s0 =	sadd.f32 s0, s19;
	(v2sf) =	vpush v6, $0x4;
	s7 =	smul.f32 s7, s7  }
0x119: {  	v44 =	vadd.f32 v60, v44;
	v60 =	vmin.f32 v52, v62;
	v62 =	vld [tilespmem:$0x1FFD0];
	s3 =	sadd.f32 s9, s3;
	(v2sf) =	vpush v50, $0x0;
	s23 =	spop (v2sf)  }
0x11a: {  	v41 =	vld [tilespmem:s20+$0x3380];
	s6 =	smul.f32 s23, s23;
	(v2sf) =	vpush v4, $0x4;
	s4 =	sadd.f32 s7, s4  }
0x11b: {  	v40 =	vadd.f32 v63, v40;
	s24 =	spop (v2sf);
	s3 =	smul.f32 s3, s21;
	(v2sf) =	vpush v7, $0x5  }
0x11c: {  	v51 =	vmul.f32 v43, v20;
	v39 =	vld [tilespmem:s20+$0x6380];
	s4 =	sadd.f32 s6, s4;
	s25 =	spop (v2sf)  }
0x11d: {  	v36 =	vadd.f32 v61, v36;
	v40 =	vmin.f32 v56, v40;
	v37 =	vld [tilespmem:s20+$0x4380];
	s0 =	sadd.f32 s3, s0;
	(v2sf) =	vpush v5, $0x5;
	s26 =	spop (v2sf)  }
0x11e: {  	v47 =	vmul.f32 v43, v19;
	v42 =	vmin.f32 v42, v62;
	(v2sf) =	vpush v6, $0x5;
	s6 =	smul.f32 s26, s26;
	s8 =	spop (v2sf)  }
0x11f: {  	v48 =	vadd.f32 v59, v51;
	v61 =	vmul.f32 v41, v27;
	v27 =	vld [tilespmem:s20+$0x5380];
	(v2sf) =	vpush v42, $0x0;
	s28 =	smul.f32 s8, s8;
	s29 =	spop (v2sf)  }
0x120: {  	v36 =	vmin.f32 v53, v36;
	v49 =	vmin.f32 v55, v44;
	s4 =	sadd.f32 s24, s4;
	(v2sf) =	vpush v4, $0x5;
	s30 =	spop (v2sf)  }
0x121: {  	v55 =	vld [tilespmem:$0x1FFE0];
	v53 =	vmin.f32 v54, v48;
	v45 =	vadd.f32 v58, v47;
	(v2sf) =	vpush v7, $0x6;
	s3 =	sadd.f32 s28, s6;
	s6 =	smul.f32 s29, s29  }
0x122: {  	v24 =	vmul.f32 v41, v24;
	v63 =	vadd.f32 v39, v61;
	v32 =	vmul.f32 v37, v32;
	s4 =	smul.f32 s4, s25;
	s31 =	spop (v2sf)  }
0x123: {  	v21 =	vmul.f32 v41, v21;
	v22 =	vmul.f32 v41, v22;
	(v2sf) =	vpush v5, $0x6;
	s9 =	spop (v2sf);
	s3 =	sadd.f32 s6, s3  }
0x124: {  	v16 =	vmul.f32 v41, v16;
	v35 =	vmul.f32 v27, v35;
	v32 =	vadd.f32 v63, v32;
	s6 =	smul.f32 s9, s9;
	s19 =	spop (v2sf)  }
0x125: {  	v33 =	vmul.f32 v27, v33;
	v51 =	vadd.f32 v39, v24;
	v21 =	vadd.f32 v39, v21;
	s0 =	sadd.f32 s4, s0;
	s20 =	smul.f32 s19, s19  }
0x126: {  	v32 =	vadd.f32 v32, v35;
	v35 =	vmin.f32 v38, v55;
	(v2sf) =	vpush v6, $0x6;
	s3 =	sadd.f32 s30, s3  }
0x127: {  	v58 =	vld [tilespmem:$0x1FFF0];
	v22 =	vadd.f32 v39, v22;
	v52 =	vmul.f32 v37, v31;
	(v2sf) =	vpush v35, $0x0;
	s21 =	spop (v2sf);
	s4 =	sadd.f32 s20, s6  }
0x128: {  	v26 =	vmul.f32 v37, v26;
	v50 =	vmul.f32 v43, v14;
	(v2sf) =	vpush v4, $0x6;
	s6 =	smul.f32 s21, s21;
	s22 =	spop (v2sf)  }
0x129: {  	v54 =	vadd.f32 v51, v52;
	v32 =	vmin.f32 v60, v32;
	(v2sf) =	vpush v7, $0x7;
	s3 =	smul.f32 s3, s31;
	s23 =	spop (v2sf)  }
0x12a: {  	v21 =	vadd.f32 v21, v26;
	v24 =	vadd.f32 v57, v50;
	v56 =	vperm.xlane v32, v0;
	s4 =	sadd.f32 s6, s4;
	s24 =	spop (v2sf)  }
0x12b: {  	v28 =	vmul.f32 v37, v28;
	v57 =	vadd.f32 v54, v33;
	(v2sf) =	vpush v5, $0x7;
	s6 =	smul.f32 s24, s24  }
0x12c: {  	v33 =	vmin.f32 v34, v58;
	v26 =	vmin.f32 v32, v56;
	(v2sf) =	vpush v6, $0x7;
	s4 =	sadd.f32 s22, s4;
	s25 =	spop (v2sf)  }
0x12d: {  	v15 =	vmul.f32 v41, v15;
	v32 =	vperm.xlane v26, v1;
	(v2sf) =	vpush v33, $0x0;
	s8 =	smul.f32 s25, s25;
	s9 =	spop (v2sf)  }
0x12e: {  	v16 =	vadd.f32 v39, v16;
	v22 =	vadd.f32 v22, v28;
	v28 =	vmin.f32 v40, v57;
	s4 =	smul.f32 s4, s23;
	s26 =	spop (v2sf)  }
0x12f: {  	v59 =	vperm.xlane v28, v0;
	v26 =	vmin.f32 v26, v32;
	(v2sf) =	vpush v4, $0x7;
	s9 =	smul.f32 s9, s9;
	s28 =	spop (v2sf)  }
0x130: {  	v23 =	vmul.f32 v37, v23;
	v60 =	vperm.xlane v26, v2;
	(v2sf) =	vpush v7, $0x8;
	s6 =	sadd.f32 s8, s6;
	s29 =	spop (v2sf)  }
0x131: {  	v30 =	vmul.f32 v27, v30;
	v28 =	vmin.f32 v28, v59;
	s0 =	sadd.f32 s3, s0;
	(v2sf) =	vpush v5, $0x8;
	s19 =	smul.f32 s29, s29  }
0x132: {  	v16 =	vadd.f32 v16, v23;
	v61 =	vperm.xlane v28, v1;
	v23 =	vmin.f32 v26, v60;
	s30 =	spop (v2sf);
	s9 =	sadd.f32 s9, s6  }
0x133: {  	v21 =	vadd.f32 v21, v30;
	v62 =	vperm.xlane v23, v3;
	s0 =	sadd.f32 s4, s0;
	(v2sf) =	vpush v6, $0x8;
	s31 =	smul.f32 s30, s30  }
0x134: {  	v15 =	vadd.f32 v39, v15;
	v18 =	vmul.f32 v37, v18;
	v26 =	vmin.f32 v28, v61;
	s5 =	sadd.f32 s26, s9  }
0x135: {  	v21 =	vmin.f32 v49, v21;
	v28 =	vperm.xlane v26, v2;
	v23 =	vmin.f32 v23, v62;
	s3 =	sadd.f32 s31, s19;
	s19 =	spop (v2sf)  }
0x136: {  	v25 =	vmul.f32 v27, v25;
	v63 =	vperm.xlane v21, v0;
	(v2sf) =	vpush v23, $0x0;
	s6 =	smul.f32 s19, s19;
	s20 =	spop (v2sf)  }
0x137: {  	v15 =	vadd.f32 v15, v18;
	v30 =	vmin.f32 v26, v28;
	(v2sf) =	vpush v4, $0x8;
	s5 =	smul.f32 s5, s28;
	s21 =	spop (v2sf)  }
0x138: {  	v18 =	vmin.f32 v21, v63;
	v32 =	vperm.xlane v30, v3;
	s3 =	sadd.f32 s6, s3;
	s22 =	spop (v2sf);
	(v2sf) =	vpush v7, $0x9  }
0x139: {  	v33 =	vperm.xlane v18, v1;
	s0 =	sadd.f32 s5, s0;
	(v2sf) =	vpush v5, $0x9  }
0x13a: {  	v22 =	vadd.f32 v22, v25;
	v21 =	vmin.f32 v30, v32;
	s6 =	smul.f32 s22, s22;
	s23 =	spop (v2sf);
	(v2sf) =	vpush v6, $0x9  }
0x13b: {  	v10 =	vmul.f32 v41, v10;
	v18 =	vmin.f32 v18, v33;
	s24 =	smul.f32 s23, s23;
	s25 =	spop (v2sf);
	(v2sf) =	vpush v21, $0x0  }
0x13c: {  	v22 =	vmin.f32 v36, v22;
	v38 =	vperm.xlane v18, v2;
	s3 =	sadd.f32 s20, s3;
	s26 =	spop (v2sf);
	(v2sf) =	vpush v4, $0x9  }
0x13d: {  	v10 =	vadd.f32 v39, v10;
	v34 =	vperm.xlane v22, v0;
	s4 =	sadd.f32 s24, s6;
	s6 =	smul.f32 s25, s25;
	(v2sf) =	vpush v7, $0xA  }
0x13e: {  	v13 =	vmul.f32 v37, v13;
	v35 =	vmul.f32 v27, v20;
	v18 =	vmin.f32 v18, v38;
	s3 =	smul.f32 s3, s21;
	s28 =	spop (v2sf)  }
0x13f: {  	v36 =	vmin.f32 v22, v34;
	v44 =	vperm.xlane v18, v3;
	s29 =	spop (v2sf);
	(v2sf) =	vpush v5, $0xA;
	s4 =	sadd.f32 s6, s4  }
0x140: {  	v40 =	vperm.xlane v36, v1;
	v16 =	vadd.f32 v16, v35;
	s6 =	smul.f32 s29, s29;
	(v2sf) =	vpush v6, $0xA;
	s30 =	spop (v2sf)  }
0x141: {  	v43 =	vmin.f32 v29, v45;
	v42 =	vmul.f32 v27, v19;
	v18 =	vmin.f32 v18, v44;
	s31 =	smul.f32 s30, s30  }
0x142: {  	v20 =	vmin.f32 v36, v40;
	v16 =	vmin.f32 v53, v16;
	s0 =	sadd.f32 s3, s0;
	(v2sf) =	vpush v18, $0x0;
	s9 =	spop (v2sf)  }
0x143: {  	v45 =	vperm.xlane v20, v2;
	v47 =	vperm.xlane v16, v0;
	(v2sf) =	vpush v4, $0xA;
	s19 =	smul.f32 s9, s9;
	s5 =	sadd.f32 s31, s6  }
0x144: {  	v10 =	vadd.f32 v10, v13;
	s4 =	sadd.f32 s26, s4;
	(v2sf) =	vpush v7, $0xB  }
0x145: {  	v15 =	vadd.f32 v15, v42;
	v46 =	vmin.f32 v20, v45;
	v16 =	vmin.f32 v16, v47;
	s22 =	spop (v2sf);
	s21 =	sadd.f32 s19, s5  }
0x146: {  	v48 =	vperm.xlane v46, v3;
	v49 =	vperm.xlane v16, v1;
	s20 =	smul.f32 s4, s28;
	(v2sf) =	vpush v5, $0xB;
	s23 =	spop (v2sf)  }
0x147: {  	v51 =	vmul.f32 v27, v14;
	v15 =	vmin.f32 v43, v15;
	(v2sf) =	vpush v6, $0xB;
	s4 =	sadd.f32 s22, s21;
	s24 =	spop (v2sf)  }
0x148: {  	v50 =	vperm.xlane v15, v0;
	v13 =	vmin.f32 v16, v49;
	v18 =	vmin.f32 v46, v48;
	s5 =	smul.f32 s24, s24;
	s25 =	spop (v2sf)  }
0x149: {  	v52 =	vperm.xlane v13, v2;
	(v2sf) =	vpush v18, $0x0;
	s6 =	smul.f32 s25, s25;
	s26 =	spop (v2sf)  }
0x14a: {  	v10 =	vadd.f32 v10, v51;
	v15 =	vmin.f32 v15, v50;
	(v2sf) =	vpush v4, $0xB;
	s3 =	smul.f32 s4, s23;
	s28 =	spop (v2sf)  }
0x14b: {  	v53 =	vperm.xlane v15, v1;
	v13 =	vmin.f32 v13, v52;
	(v2sf) =	vpush v7, $0xC;
	s7 =	smul.f32 s26, s26;
	s29 =	spop (v2sf)  }
0x14c: {  	v54 =	vmin.f32 v17, v24;
	v55 =	vperm.xlane v13, v3;
	s5 =	sadd.f32 s6, s5;
	s30 =	spop (v2sf)  }
0x14d: {  	v10 =	vmin.f32 v54, v10;
	v14 =	vmin.f32 v15, v53;
	s0 =	sadd.f32 s20, s0;
	(v2sf) =	vpush v5, $0xC;
	s8 =	smul.f32 s30, s30  }
0x14e: {  	v15 =	vperm.xlane v14, v2;
	v13 =	vmin.f32 v13, v55;
	(v2sf) =	vpush v6, $0xC;
	s31 =	spop (v2sf);
	s5 =	sadd.f32 s7, s5  }
0x14f: {  	v16 =	vperm.xlane v10, v0;
	(v2sf) =	vpush v13, $0x0;
	s19 =	smul.f32 s31, s31;
	s20 =	spop (v2sf)  }
0x150: {  	v8 =	vmul.f32 v41, v8;
	v56 =	vmin.f32 v14, v15;
	s0 =	sadd.f32 s3, s0;
	(v2sf) =	vpush v4, $0xC;
	s7 =	smul.f32 s20, s20  }
0x151: {  	v14 =	vperm.xlane v56, v3;
	v10 =	vmin.f32 v10, v16;
	(v2sf) =	vpush v7, $0xD;
	s21 =	spop (v2sf);
	s4 =	sadd.f32 s28, s5  }
0x152: {  	v8 =	vadd.f32 v39, v8;
	v57 =	vperm.xlane v10, v1;
	s3 =	sadd.f32 s19, s8;
	(v2sf) =	vpush v5, $0xD;
	s22 =	spop (v2sf)  }
0x153: {  	v9 =	vmul.f32 v37, v9;
	v58 =	vmin.f32 v56, v14;
	(v2sf) =	vpush v6, $0xD;
	s23 =	spop (v2sf);
	s4 =	smul.f32 s4, s29  }
0x154: {  	v10 =	vmin.f32 v10, v57;
	s3 =	sadd.f32 s7, s3;
	(v2sf) =	vpush v58, $0x0;
	s7 =	smul.f32 s23, s23  }
0x155: {  	v11 =	vmul.f32 v27, v11;
	v8 =	vadd.f32 v8, v9;
	v59 =	vperm.xlane v10, v2;
	s24 =	spop (v2sf);
	s0 =	sadd.f32 s4, s0  }
0x156: {  	(v2sf) =	vpush v4, $0xD;
	s25 =	spop (v2sf);
	s6 =	smul.f32 s24, s24  }
0x157: {  	v8 =	vadd.f32 v8, v11;
	v9 =	vmin.f32 v10, v59;
	s3 =	sadd.f32 s21, s3;
	(v2sf) =	vpush v7, $0xE;
	s29 =	smul.f32 s25, s25  }
0x158: {  	v10 =	vperm.xlane v9, v3;
	s9 =	spop (v2sf);
	s28 =	sadd.f32 s6, s7  }
0x159: {  	v8 =	vmin.f32 v12, v8;
	(v2sf) =	vpush v5, $0xE;
	s3 =	smul.f32 s3, s22;
	s19 =	spop (v2sf)  }
0x15a: {  	v60 =	vperm.xlane v8, v0;
	v9 =	vmin.f32 v9, v10;
	(v2sf) =	vpush v6, $0xE;
	s26 =	spop (v2sf);
	s5 =	sadd.f32 s29, s28  }
0x15b: {  	(v2sf) =	vpush v9, $0x0;
	s0 =	sadd.f32 s3, s0;
	s4 =	smul.f32 s26, s26  }
0x15c: {  	v8 =	vmin.f32 v8, v60;
	s30 =	spop (v2sf);
	s5 =	sadd.f32 s9, s5  }
0x15d: {  	v61 =	vperm.xlane v8, v1;
	(v2sf) =	vpush v4, $0xE;
	s31 =	spop (v2sf);
	s20 =	smul.f32 s30, s30  }
0x15e: {  	(v2sf) =	vpush v7, $0xF;
	s21 =	spop (v2sf);
	s23 =	smul.f32 s31, s31  }
0x15f: {  	v62 =	vmin.f32 v8, v61;
	s5 =	smul.f32 s5, s19;
	s22 =	spop (v2sf)  }
0x160: {  	(v2sf) =	vpush v5, $0xF;
	v5 =	vperm.xlane v62, v2;
	s3 =	sadd.f32 s20, s4;
	s24 =	spop (v2sf)  }
0x161: {  	s0 =	sadd.f32 s5, s0;
	s25 =	spop (v2sf)  }
0x162: {  	(v2sf) =	vpush v6, $0xF;
	v5 =	vmin.f32 v62, v5;
	s3 =	sadd.f32 s23, s3;
	s26 =	spop (v2sf)  }
0x163: {  	v63 =	vperm.xlane v5, v3;
	s8 =	smul.f32 s24, s24;
	s28 =	spop (v2sf)  }
0x164: {  	s3 =	sadd.f32 s21, s3;
	s21 =	smul.f32 s25, s25  }
0x165: {  	v5 =	vmin.f32 v5, v63;
	s9 =	smul.f32 s26, s26;
	s7 =	spop (v2sf)  }
0x166: {  	(v2sf) =	vpush v5, $0x0;
	s29 =	spop (v2sf);
	s3 =	smul.f32 s3, s22  }
0x167: {  	s23 =	smul.f32 s29, s29  }
0x168: {  	s30 =	spop (v2sf);
	(v2sf) =	vpush v4, $0xF;
	s0 =	sadd.f32 s3, s0  }
0x169: {  	s3 =	sadd.f32 s21, s8;
	s31 =	spop (v2sf)  }
0x16a: {  	s4 =	smul.f32 s30, s30;
	s22 =	spop (v2sf)  }
0x16b: {  	s3 =	sadd.f32 s9, s3;
	s5 =	smul.f32 s31, s31  }
0x16c: {  	s4 =	sadd.f32 s4, s23;
	s24 =	spop (v2sf)  }
0x16d: {  	s3 =	sadd.f32 s28, s3;
	s25 =	spop (v2sf)  }
0x16e: {  	s4 =	sadd.f32 s5, s4;
	s9 =	smul.f32 s25, s25  }
0x16f: {  	s26 =	spop (v2sf);
	s3 =	smul.f32 s3, s7  }
0x170: {  	s28 =	smul.f32 s26, s26  }
0x171: {  	s4 =	sadd.f32 s22, s4;
	s29 =	spop (v2sf)  }
0x172: {  	s6 =	sadd.f32 s28, s9;
	s5 =	smul.f32 s29, s29  }
0x173: {  	s0 =	sadd.f32 s3, s0  }
0x174: {  	s5 =	sadd.f32 s5, s6  }
0x175: {  	s4 =	smul.f32 s4, s24;
	s30 =	spop (v2sf)  }
.Ltmp3:
0x176: {  	s3 =	sadd.f32 s30, s5;
	(pc) =	sbr.rel @p0 .LBB2_4-.Ltmp3, $4  }
0x177: {  	s31 =	spop (v2sf)  }
0x178: {  	s0 =	sadd.f32 s4, s0;
	s3 =	smul.f32 s3, s31  }
0x179: {  	_ = 	snop  }
0x17a: {  	p1 =	por $0x0, $0x0;
	s20 =	simm.s32 $0x10;
	s19 =	sadd.f32 s3, s0  }
0x17b: {  	_ = 	snop  }
0x17c: {  	s1 =	sadd.s32 $0x1, s1;
	v4 =	vmov s19  }
0x17d: {  	p0 =	sne.s32 s1, s17;
	v4 =	vnsel vm0, $0x0, v4  }
.Ltmp4:
0x17e: {  	s0 =	simm.s32 $0x7380;
	[tilespmem:$0x7380] =	vst v4;
	(pc) =	sbr.rel @p0 .LBB2_1-.Ltmp4, $4  }
0x17f: {  	[hbm4b:s16+s2] =	stream.linear.scatter [tilespmem:s0], [sflag:$0x1], $0x80, $0x38;
	[tilespmem:$0x7400] =	vst v63  }
0x180: {  	_ =	swait.ge [sflag:s18], $0x80  }
0x181: {  	[sflag:s18] =	ssyncset.done $0x0  }
0x182: {  	[sflag:s18] =	ssyncadd.s32 $0xFFFFFF80  }
0x183: {  	_ =	sfence.sel $0x180000  }
0x184: {  	[bflag:$0x0] =	sbarrier.arrive $0xFFFF  }
0x185: {  	_ =	strace $0x90000047  }
0x186: {  	s0 =	stileid.u32;
	[bflag:$0x2] =	sbarrier.arrive $0xFFFF  }
0x187: {  	p0 =	sne.s32 s0, $0x0;
	s0 =	rddreg [dreg:$0x1]  }
0x188: {  	s0 =	sadd.s32 @!p0 $0x100000, s0  }
0x189: {  	[sflag:s0] =	ssyncadd.tile.s32 @!p0 $0x1;
	_ =	shalt  }
.Lfunc_end2:
_tile_overlayer_lowered:
.L_overlay_start_2:
0x18a: {  	(tag) =	ssettag $0x2  }
0x18b: {  	s0 =	rddreg [dreg:$0x0];
	s2 =	stileid.u32  }
0x18c: {  	s1 =	rddreg [dreg:$0x1];
	p0 =	sne.s32 s2, $0x0  }
0x18d: {  	s3 =	rddreg [dreg:$0x2];
	[bflag:$0x3] =	sbarrier.arrive $0xFFFF;
	s2 =	simm.s32 @!p0 $0x1C01  }
0x18e: {  	[timem:s3], [sflag:s2] =	dma.local @!p0 [hbm:s0], s1  }
0x18f: {  	s0 =	simm.s32 @!p0 $0x1  }
0x190: {  	_ =	swait.ge @!p0 [sflag:s0], s1  }
0x191: {  	s1 =	ssub.s32 @!p0 $0x0, s1;
	[sflag:s0] =	ssyncset.done @!p0 $0x0  }
0x192: {  	[sflag:s0] =	ssyncadd.s32 @!p0 s1  }
0x193: {  	[bflag:$0x3] =	sbarrier.arrive $0xFFFF  }
0x194: {  	_ =	shalt  }

</sc_bundles>
